<compile_context>
chip_gen: v7x
topology: tpu7x:2x2x1
jax: 0.10.2.dev20260603
libtpu: 0.0.44.dev20260713+nightly
codegen_flags: <defaults>
</compile_context>

<pallas_src>
import functools
import math

import jax
import jax.numpy as jnp
import numpy as np
from jax import lax
from jax.experimental import pallas as pl
from jax.experimental.pallas import tpu as pltpu
from jax.experimental.pallas import tpu_sc as plsc

N_NODES = 5000
D = 128
N_EDGES = 320000
NPAD = 5120
LANES = 128
EPAD = 327680
NB = 2560
NW = 32
NBT = NB // NW
ROWS_PER_TILE = NPAD // 16


def _positional_encoding(n, d):
    position = np.arange(0, n, dtype=np.float32)[:, None]
    div_term = np.exp(np.arange(0, d, 2).astype(np.float32) * -(math.log(10000.0) / d))
    enc = np.zeros((n, d), dtype=np.float32)
    enc[:, 0::2] = np.sin(position * div_term)
    enc[:, 1::2] = np.cos(position * div_term)
    return jnp.asarray(enc)


@functools.cache
def _build_sc_kernels():
    mesh = plsc.VectorSubcoreMesh(
        core_axis_name="c", subcore_axis_name="s", num_cores=2, num_subcores=16
    )

    @functools.partial(
        pl.kernel,
        out_type=jax.ShapeDtypeStruct((2, NPAD, D), jnp.float32),
        mesh=mesh,
        scratch_types=[
            pltpu.VMEM_SHARED((NPAD, D), jnp.float32),
            pltpu.VMEM((NBT, LANES), jnp.int32),
            pltpu.VMEM((LANES, D), jnp.float32),
            pltpu.VMEM((80, D), jnp.float32),
            pltpu.SemaphoreType.DMA,
        ],
    )
    def sc_degree(colb_hbm, ones_hbm, z_hbm, out_hbm, acc, coli, ones_v, z_v, sem):
        c = lax.axis_index("c")
        s = lax.axis_index("s")
        wid = s * 2 + c
        pltpu.sync_copy(colb_hbm.at[pl.ds(wid * NBT, NBT)], coli)
        pltpu.sync_copy(ones_hbm, ones_v)
        pltpu.sync_copy(z_hbm, z_v)
        for k in range(ROWS_PER_TILE // 80):
            pltpu.sync_copy(z_v, acc.at[pl.ds(s * ROWS_PER_TILE + k * 80, 80)])
        plsc.subcore_barrier()

        def body(j, carry):
            pltpu.sync_copy(ones_v, acc.at[coli.at[j]], add=True)
            return carry

        lax.fori_loop(0, NBT, body, 0)
        plsc.subcore_barrier()
        pltpu.sync_copy(
            acc.at[pl.ds(s * ROWS_PER_TILE, ROWS_PER_TILE)],
            out_hbm.at[c, pl.ds(s * ROWS_PER_TILE, ROWS_PER_TILE)],
        )

    @functools.partial(
        pl.kernel,
        out_type=jax.ShapeDtypeStruct((2, NPAD, D), jnp.float32),
        mesh=mesh,
        scratch_types=[
            pltpu.VMEM_SHARED((NPAD, D), jnp.float32),
            pltpu.VMEM_SHARED((NPAD, D), jnp.float32),
            pltpu.VMEM((NBT, LANES), jnp.int32),
            pltpu.VMEM((2, LANES), jnp.int32),
            pltpu.VMEM((2, LANES), jnp.int32),
            pltpu.VMEM((LANES, D), jnp.float32),
            pltpu.VMEM((LANES, D), jnp.float32),
            pltpu.SemaphoreType.DMA,
            pltpu.SemaphoreType.DMA,
        ],
    )
    def sc_messages(xs_hbm, packed_hbm, z_hbm, out_hbm,
                    acc, xs_sh, packv, rowu, colu, rb_a, rb_b, sem_a, sem_b):
        c = lax.axis_index("c")
        s = lax.axis_index("s")
        wid = s * 2 + c
        pltpu.sync_copy(packed_hbm.at[pl.ds(wid * NBT, NBT)], packv)
        base = s * ROWS_PER_TILE
        pltpu.sync_copy(z_hbm, rb_a.at[pl.ds(0, 80)])
        for k in range(ROWS_PER_TILE // 80):
            pltpu.sync_copy(rb_a.at[pl.ds(0, 80)], acc.at[pl.ds(base + k * 80, 80)])
        for off, nr in ((0, LANES), (LANES, LANES), (2 * LANES, 64)):
            pltpu.sync_copy(xs_hbm.at[pl.ds(base + off, nr)], rb_a.at[pl.ds(0, nr)])
            pltpu.sync_copy(rb_a.at[pl.ds(0, nr)], xs_sh.at[pl.ds(base + off, nr)])
        plsc.subcore_barrier()

        def unpack(j, slot):
            for k in range(LANES // 16):
                v = packv[j, pl.ds(k * 16, 16)]
                rowu[slot, pl.ds(k * 16, 16)] = lax.bitwise_and(v, 0xFFFF)
                colu[slot, pl.ds(k * 16, 16)] = lax.shift_right_logical(v, 16)

        unpack(0, 0)
        pltpu.async_copy(xs_sh.at[rowu.at[0]], rb_a, sem_a)

        def body(t, carry):
            j0 = 2 * t
            j1 = 2 * t + 1
            unpack(j1, 1)
            pltpu.make_async_copy(xs_sh.at[rowu.at[0]], rb_a, sem_a).wait()
            pltpu.async_copy(xs_sh.at[rowu.at[1]], rb_b, sem_b)
            pltpu.sync_copy(rb_a, acc.at[colu.at[0]], add=True)

            @pl.when(t < NBT // 2 - 1)
            def _():
                unpack(j1 + 1, 0)
                pltpu.make_async_copy(xs_sh.at[rowu.at[1]], rb_b, sem_b).wait()
                pltpu.async_copy(xs_sh.at[rowu.at[0]], rb_a, sem_a)
                pltpu.sync_copy(rb_b, acc.at[colu.at[1]], add=True)

            @pl.when(t == NBT // 2 - 1)
            def _():
                pltpu.make_async_copy(xs_sh.at[rowu.at[1]], rb_b, sem_b).wait()
                pltpu.sync_copy(rb_b, acc.at[colu.at[1]], add=True)

            return carry

        lax.fori_loop(0, NBT // 2, body, 0)
        plsc.subcore_barrier()
        pltpu.sync_copy(
            acc.at[pl.ds(base, ROWS_PER_TILE)],
            out_hbm.at[c, pl.ds(base, ROWS_PER_TILE)],
        )

    return sc_degree, sc_messages


def _tc_mm_body(x_ref, pe_ref, w1_ref, xw_ref):
    xw_ref[...] = jnp.dot(x_ref[...] + pe_ref[...], w1_ref[...],
                          preferred_element_type=jnp.float32)


def _tc_scale_body(xw_ref, dp_ref, xs_ref, dis_ref):
    deg = dp_ref[0, : N_NODES, 0:1] + dp_ref[1, : N_NODES, 0:1] + 1.0
    dis = lax.rsqrt(deg)
    xs_ref[: N_NODES, :] = dis * xw_ref[...]
    xs_ref[N_NODES:, :] = jnp.zeros((NPAD - N_NODES, D), jnp.float32)
    dis_ref[...] = dis


def _tc_mid_body(m_ref, xs_ref, dis_ref, b1_ref, g_ref, bt_ref, w2_ref, out_ref):
    msum = m_ref[0, : N_NODES, :] + m_ref[1, : N_NODES, :]
    h = dis_ref[...] * (msum + xs_ref[: N_NODES, :]) + b1_ref[...]
    mu = jnp.mean(h, axis=0, keepdims=True)
    var = jnp.mean((h - mu) * (h - mu), axis=0, keepdims=True)
    hn = g_ref[...] * (h - mu) * lax.rsqrt(var + 1e-5) + bt_ref[...]
    r = jnp.maximum(hn, 0.0)
    out_ref[: N_NODES, :] = dis_ref[...] * jnp.dot(
        r, w2_ref[...], preferred_element_type=jnp.float32)
    out_ref[N_NODES:, :] = jnp.zeros((NPAD - N_NODES, D), jnp.float32)


def _tc_final_body(m_ref, xs_ref, dis_ref, b2_ref, out_ref):
    msum = m_ref[0, : N_NODES, :] + m_ref[1, : N_NODES, :]
    out_ref[...] = jnp.maximum(
        dis_ref[...] * (msum + xs_ref[: N_NODES, :]) + b2_ref[...], 0.0)


def kernel(x, edge_index, W1, b1, gamma, beta, W2, b2):
    pe = _positional_encoding(N_NODES, D)
    ei = edge_index.astype(jnp.int32)
    pad = jnp.broadcast_to(
        jnp.array([[0], [NPAD - 1]], dtype=jnp.int32), (2, EPAD - N_EDGES)
    )
    eib = jnp.concatenate([ei, pad], axis=1).reshape(2, NB, LANES)
    rowb = eib[0]
    colb = eib[1]
    packed = rowb | (colb << 16)

    ones16 = jnp.ones((LANES, D), jnp.float32)
    z128 = jnp.zeros((80, D), jnp.float32)

    sc_degree, sc_messages = _build_sc_kernels()
    degparts = sc_degree(colb, ones16, z128)

    xw1 = pl.pallas_call(
        _tc_mm_body,
        out_shape=jax.ShapeDtypeStruct((N_NODES, D), jnp.float32),
    )(x, pe, W1)

    xs1, dis = pl.pallas_call(
        _tc_scale_body,
        out_shape=(
            jax.ShapeDtypeStruct((NPAD, D), jnp.float32),
            jax.ShapeDtypeStruct((N_NODES, 1), jnp.float32),
        ),
    )(xw1, degparts)

    m1 = sc_messages(xs1, packed, z128)

    xs2 = pl.pallas_call(
        _tc_mid_body,
        out_shape=jax.ShapeDtypeStruct((NPAD, D), jnp.float32),
    )(m1, xs1, dis, b1.reshape(1, D), gamma.reshape(1, D), beta.reshape(1, D), W2)

    m2 = sc_messages(xs2, packed, z128)

    out = pl.pallas_call(
        _tc_final_body,
        out_shape=jax.ShapeDtypeStruct((N_NODES, D), jnp.float32),
    )(m2, xs2, dis, b2.reshape(1, D))
    return out

# --- scband reference (transcript-rebuilt; emitter-appended) ---
"""Pipeline reference for scband-cgcn-30099130810800 (READ-ONLY COPY).

The authoritative reference and input builder live on the scoring server;
editing this copy changes nothing except your own understanding.
"""

import math
import jax, jax.numpy as jnp
import numpy as np

N_NODES = 5000
D_IN = 128
D_OUT = 128
N_EDGES = 320000


def make_positional_encoding(n, d):
    position = np.arange(0, n, dtype=np.float32)[:, None]
    div_term = np.exp(np.arange(0, d, 2).astype(np.float32) * -(math.log(10000.0) / d))
    enc = np.zeros((n, d), dtype=np.float32)
    enc[:, 0::2] = np.sin(position * div_term)
    enc[:, 1::2] = np.cos(position * div_term)
    return jnp.asarray(enc)


def gcn_conv(x, edge_index, W, b, num_nodes):
    # GCNConv (PyG defaults): add self-loops, symmetric normalization
    x = x @ W
    row = edge_index[0]
    col = edge_index[1]
    loop = jnp.arange(num_nodes, dtype=row.dtype)
    row = jnp.concatenate([row, loop])
    col = jnp.concatenate([col, loop])
    ones = jnp.ones(row.shape[0], dtype=x.dtype)
    deg = jax.ops.segment_sum(ones, col, num_segments=num_nodes)
    deg_inv_sqrt = jnp.where(deg > 0, jax.lax.rsqrt(deg), 0.0)
    norm = deg_inv_sqrt[row] * deg_inv_sqrt[col]
    msgs = norm[:, None] * jnp.take(x, row, axis=0)
    out = jax.ops.segment_sum(msgs, col, num_segments=num_nodes)
    return out + b


def setup_inputs(seed: int = 0) -> dict:
    key = jax.random.key(seed)
    k1, k2, k3, k4, k5 = jax.random.split(key, 5)
    x = jax.random.normal(k1, (N_NODES, D_IN), dtype=jnp.float32)
    edge_index = jax.random.randint(k2, (2, N_EDGES), 0, N_NODES, dtype=jnp.int64)
    W1 = jax.random.normal(k3, (D_IN, D_OUT), dtype=jnp.float32) * 0.05
    b1 = jnp.zeros((D_OUT,), dtype=jnp.float32)
    gamma = jnp.ones((D_OUT,), dtype=jnp.float32)
    beta = jnp.zeros((D_OUT,), dtype=jnp.float32)
    W2 = jax.random.normal(k4, (D_OUT, D_OUT), dtype=jnp.float32) * 0.05
    b2 = jnp.zeros((D_OUT,), dtype=jnp.float32)
    return {"x": x, "edge_index": edge_index, "W1": W1, "b1": b1,
            "gamma": gamma, "beta": beta, "W2": W2, "b2": b2}


def reference(x, edge_index, W1, b1, gamma, beta, W2, b2):
    n, d = x.shape
    # PositionalEncoding: x + encoding[:N]
    x = x + make_positional_encoding(n, d)
    # gcn1
    h = gcn_conv(x, edge_index, W1, b1, n)
    # BatchNorm1d (training-mode batch statistics, eps=1e-5, biased var)
    mean = jnp.mean(h, axis=0)
    var = jnp.var(h, axis=0)
    h = gamma * (h - mean) * jax.lax.rsqrt(var + 1e-5) + beta
    h = jax.nn.relu(h)
    # gcn2
    h = gcn_conv(h, edge_index, W2, b2, n)
    return jax.nn.relu(h)

if __name__ == "__main__":
    import jax
    _d = setup_inputs()
    print(jax.jit(kernel)(*tuple(_d.values())))

</pallas_src>

<mosaic_0001>
#map = affine_map<(d0, d1) -> (0, 0)>
#map1 = affine_map<(d0, d1) -> (0, 0, 0)>
module attributes {stable_mosaic.version = 14 : i64} {
  func.func @sc_messages(%arg0: i32, %arg1: i32, %arg2: memref<5120x128xf32, #tpu.memory_space<hbm>>, %arg3: memref<2560x128xi32, #tpu.memory_space<hbm>>, %arg4: memref<80x128xf32, #tpu.memory_space<hbm>>, %arg5: memref<2x5120x128xf32, #tpu.memory_space<hbm>>, %arg6: memref<5120x128xf32, #tpu.memory_space<vmem_shared>>, %arg7: memref<5120x128xf32, #tpu.memory_space<vmem_shared>>, %arg8: memref<80x128xi32, #tpu.memory_space<vmem>>, %arg9: memref<2x128xi32, #tpu.memory_space<vmem>>, %arg10: memref<2x128xi32, #tpu.memory_space<vmem>>, %arg11: memref<128x128xf32, #tpu.memory_space<vmem>>, %arg12: memref<128x128xf32, #tpu.memory_space<vmem>>, %arg13: memref<!tpu.dma_semaphore, #tpu.memory_space<semaphore_mem>>, %arg14: memref<!tpu.dma_semaphore, #tpu.memory_space<semaphore_mem>>) attributes {dimension_semantics = [#tpu.dimension_semantics<core_parallel>, #tpu.dimension_semantics<subcore_parallel>], iteration_bounds = array<i64: 2, 16>, scalar_prefetch = 0 : i64, scratch_operands = 9 : i64, tpu.core_type = #tpu.core_type<sc_vector_subcore>, window_params = [{transform_indices = #map}, {transform_indices = #map}, {transform_indices = #map}, {transform_indices = #map1}]} {
    %mul3A = arith.constant 2 : i32
    %mul3A_0 = arith.muli %arg1, %mul3A : i32
    %add3A = arith.addi %mul3A_0, %arg0 : i32
    %mul3A_1 = arith.constant 80 : i32
    %mul3A_2 = arith.muli %add3A, %mul3A_1 : i32
    "tpu.region"() ({
      %run_scoped3A = tpu.sem_alloc : memref<!tpu.dma_semaphore, #tpu.memory_space<semaphore_mem>>
      %dma_start3A_217 = arith.constant 0 : i32
      %dma_start3A_218 = tpu.memref_slice %arg3[%mul3A_2, %dma_start3A_217] : memref<2560x128xi32, #tpu.memory_space<hbm>> -> memref<80x128xi32, #tpu.memory_space<hbm>>
      %dma_start3A_219 = arith.constant 0 : i32
      %dma_start3A_220 = tpu.memref_slice %arg3[%mul3A_2, %dma_start3A_219] : memref<2560x128xi32, #tpu.memory_space<hbm>> -> memref<80x128xi32, #tpu.memory_space<hbm>>
      tpu.enqueue_dma source(%dma_start3A_220 : memref<80x128xi32, #tpu.memory_space<hbm>>) target(%arg8 : memref<80x128xi32, #tpu.memory_space<vmem>>) target_semaphore(%run_scoped3A : memref<!tpu.dma_semaphore, #tpu.memory_space<semaphore_mem>>)
      %dma_wait3A = arith.constant 0 : i32
      %dma_wait3A_221 = tpu.memref_slice %arg3[%mul3A_2, %dma_wait3A] : memref<2560x128xi32, #tpu.memory_space<hbm>> -> memref<80x128xi32, #tpu.memory_space<hbm>>
      %dma_wait3A_222 = arith.constant 0 : i32
      %dma_wait3A_223 = tpu.memref_slice %arg3[%mul3A_2, %dma_wait3A_222] : memref<2560x128xi32, #tpu.memory_space<hbm>> -> memref<80x128xi32, #tpu.memory_space<hbm>>
      tpu.wait_dma2 semaphore(%run_scoped3A : memref<!tpu.dma_semaphore, #tpu.memory_space<semaphore_mem>>) src(%dma_wait3A_223 : memref<80x128xi32, #tpu.memory_space<hbm>>) dst(%arg8 : memref<80x128xi32, #tpu.memory_space<vmem>>)
      tpu.yield
    }) : () -> ()
    %mul3A_3 = arith.constant 320 : i32
    %mul3A_4 = arith.muli %arg1, %mul3A_3 : i32
    "tpu.region"() ({
      %run_scoped3A = tpu.sem_alloc : memref<!tpu.dma_semaphore, #tpu.memory_space<semaphore_mem>>
      %dma_start3A_217 = arith.constant 0 : i32
      %dma_start3A_218 = arith.constant 0 : i32
      %dma_start3A_219 = tpu.memref_slice %arg11[%dma_start3A_217, %dma_start3A_218] : memref<128x128xf32, #tpu.memory_space<vmem>> -> memref<80x128xf32, #tpu.memory_space<vmem>>
      %dma_start3A_220 = arith.constant 0 : i32
      %dma_start3A_221 = arith.constant 0 : i32
      %dma_start3A_222 = tpu.memref_slice %arg11[%dma_start3A_220, %dma_start3A_221] : memref<128x128xf32, #tpu.memory_space<vmem>> -> memref<80x128xf32, #tpu.memory_space<vmem>>
      tpu.enqueue_dma source(%arg4 : memref<80x128xf32, #tpu.memory_space<hbm>>) target(%dma_start3A_222 : memref<80x128xf32, #tpu.memory_space<vmem>>) target_semaphore(%run_scoped3A : memref<!tpu.dma_semaphore, #tpu.memory_space<semaphore_mem>>)
      %dma_wait3A = arith.constant 0 : i32
      %dma_wait3A_223 = arith.constant 0 : i32
      %dma_wait3A_224 = tpu.memref_slice %arg11[%dma_wait3A, %dma_wait3A_223] : memref<128x128xf32, #tpu.memory_space<vmem>> -> memref<80x128xf32, #tpu.memory_space<vmem>>
      %dma_wait3A_225 = arith.constant 0 : i32
      %dma_wait3A_226 = arith.constant 0 : i32
      %dma_wait3A_227 = tpu.memref_slice %arg11[%dma_wait3A_225, %dma_wait3A_226] : memref<128x128xf32, #tpu.memory_space<vmem>> -> memref<80x128xf32, #tpu.memory_space<vmem>>
      tpu.wait_dma2 semaphore(%run_scoped3A : memref<!tpu.dma_semaphore, #tpu.memory_space<semaphore_mem>>) src(%arg4 : memref<80x128xf32, #tpu.memory_space<hbm>>) dst(%dma_wait3A_227 : memref<80x128xf32, #tpu.memory_space<vmem>>)
      tpu.yield
    }) : () -> ()
    %add3A_5 = arith.constant 0 : i32
    %add3A_6 = arith.addi %mul3A_4, %add3A_5 : i32
    "tpu.region"() ({
      %run_scoped3A = tpu.sem_alloc : memref<!tpu.dma_semaphore, #tpu.memory_space<semaphore_mem>>
      %dma_start3A_217 = arith.constant 0 : i32
      %dma_start3A_218 = arith.constant 0 : i32
      %dma_start3A_219 = tpu.memref_slice %arg11[%dma_start3A_217, %dma_start3A_218] : memref<128x128xf32, #tpu.memory_space<vmem>> -> memref<80x128xf32, #tpu.memory_space<vmem>>
      %dma_start3A_220 = arith.constant 0 : i32
      %dma_start3A_221 = tpu.memref_slice %arg6[%add3A_6, %dma_start3A_220] : memref<5120x128xf32, #tpu.memory_space<vmem_shared>> -> memref<80x128xf32, #tpu.memory_space<vmem_shared>>
      %dma_start3A_222 = arith.constant 0 : i32
      %dma_start3A_223 = tpu.memref_slice %arg6[%add3A_6, %dma_start3A_222] : memref<5120x128xf32, #tpu.memory_space<vmem_shared>> -> memref<80x128xf32, #tpu.memory_space<vmem_shared>>
      %dma_start3A_224 = arith.constant 0 : i32
      %dma_start3A_225 = arith.constant 0 : i32
      %dma_start3A_226 = tpu.memref_slice %arg11[%dma_start3A_224, %dma_start3A_225] : memref<128x128xf32, #tpu.memory_space<vmem>> -> memref<80x128xf32, #tpu.memory_space<vmem>>
      tpu.enqueue_dma source(%dma_start3A_226 : memref<80x128xf32, #tpu.memory_space<vmem>>) target(%dma_start3A_223 : memref<80x128xf32, #tpu.memory_space<vmem_shared>>) target_semaphore(%run_scoped3A : memref<!tpu.dma_semaphore, #tpu.memory_space<semaphore_mem>>)
      %dma_wait3A = arith.constant 0 : i32
      %dma_wait3A_227 = arith.constant 0 : i32
      %dma_wait3A_228 = tpu.memref_slice %arg11[%dma_wait3A, %dma_wait3A_227] : memref<128x128xf32, #tpu.memory_space<vmem>> -> memref<80x128xf32, #tpu.memory_space<vmem>>
      %dma_wait3A_229 = arith.constant 0 : i32
      %dma_wait3A_230 = tpu.memref_slice %arg6[%add3A_6, %dma_wait3A_229] : memref<5120x128xf32, #tpu.memory_space<vmem_shared>> -> memref<80x128xf32, #tpu.memory_space<vmem_shared>>
      %dma_wait3A_231 = arith.constant 0 : i32
      %dma_wait3A_232 = tpu.memref_slice %arg6[%add3A_6, %dma_wait3A_231] : memref<5120x128xf32, #tpu.memory_space<vmem_shared>> -> memref<80x128xf32, #tpu.memory_space<vmem_shared>>
      %dma_wait3A_233 = arith.constant 0 : i32
      %dma_wait3A_234 = arith.constant 0 : i32
      %dma_wait3A_235 = tpu.memref_slice %arg11[%dma_wait3A_233, %dma_wait3A_234] : memref<128x128xf32, #tpu.memory_space<vmem>> -> memref<80x128xf32, #tpu.memory_space<vmem>>
      tpu.wait_dma2 semaphore(%run_scoped3A : memref<!tpu.dma_semaphore, #tpu.memory_space<semaphore_mem>>) src(%dma_wait3A_235 : memref<80x128xf32, #tpu.memory_space<vmem>>) dst(%dma_wait3A_232 : memref<80x128xf32, #tpu.memory_space<vmem_shared>>)
      tpu.yield
    }) : () -> ()
    %add3A_7 = arith.constant 80 : i32
    %add3A_8 = arith.addi %mul3A_4, %add3A_7 : i32
    "tpu.region"() ({
      %run_scoped3A = tpu.sem_alloc : memref<!tpu.dma_semaphore, #tpu.memory_space<semaphore_mem>>
      %dma_start3A_217 = arith.constant 0 : i32
      %dma_start3A_218 = arith.constant 0 : i32
      %dma_start3A_219 = tpu.memref_slice %arg11[%dma_start3A_217, %dma_start3A_218] : memref<128x128xf32, #tpu.memory_space<vmem>> -> memref<80x128xf32, #tpu.memory_space<vmem>>
      %dma_start3A_220 = arith.constant 0 : i32
      %dma_start3A_221 = tpu.memref_slice %arg6[%add3A_8, %dma_start3A_220] : memref<5120x128xf32, #tpu.memory_space<vmem_shared>> -> memref<80x128xf32, #tpu.memory_space<vmem_shared>>
      %dma_start3A_222 = arith.constant 0 : i32
      %dma_start3A_223 = tpu.memref_slice %arg6[%add3A_8, %dma_start3A_222] : memref<5120x128xf32, #tpu.memory_space<vmem_shared>> -> memref<80x128xf32, #tpu.memory_space<vmem_shared>>
      %dma_start3A_224 = arith.constant 0 : i32
      %dma_start3A_225 = arith.constant 0 : i32
      %dma_start3A_226 = tpu.memref_slice %arg11[%dma_start3A_224, %dma_start3A_225] : memref<128x128xf32, #tpu.memory_space<vmem>> -> memref<80x128xf32, #tpu.memory_space<vmem>>
      tpu.enqueue_dma source(%dma_start3A_226 : memref<80x128xf32, #tpu.memory_space<vmem>>) target(%dma_start3A_223 : memref<80x128xf32, #tpu.memory_space<vmem_shared>>) target_semaphore(%run_scoped3A : memref<!tpu.dma_semaphore, #tpu.memory_space<semaphore_mem>>)
      %dma_wait3A = arith.constant 0 : i32
      %dma_wait3A_227 = arith.constant 0 : i32
      %dma_wait3A_228 = tpu.memref_slice %arg11[%dma_wait3A, %dma_wait3A_227] : memref<128x128xf32, #tpu.memory_space<vmem>> -> memref<80x128xf32, #tpu.memory_space<vmem>>
      %dma_wait3A_229 = arith.constant 0 : i32
      %dma_wait3A_230 = tpu.memref_slice %arg6[%add3A_8, %dma_wait3A_229] : memref<5120x128xf32, #tpu.memory_space<vmem_shared>> -> memref<80x128xf32, #tpu.memory_space<vmem_shared>>
      %dma_wait3A_231 = arith.constant 0 : i32
      %dma_wait3A_232 = tpu.memref_slice %arg6[%add3A_8, %dma_wait3A_231] : memref<5120x128xf32, #tpu.memory_space<vmem_shared>> -> memref<80x128xf32, #tpu.memory_space<vmem_shared>>
      %dma_wait3A_233 = arith.constant 0 : i32
      %dma_wait3A_234 = arith.constant 0 : i32
      %dma_wait3A_235 = tpu.memref_slice %arg11[%dma_wait3A_233, %dma_wait3A_234] : memref<128x128xf32, #tpu.memory_space<vmem>> -> memref<80x128xf32, #tpu.memory_space<vmem>>
      tpu.wait_dma2 semaphore(%run_scoped3A : memref<!tpu.dma_semaphore, #tpu.memory_space<semaphore_mem>>) src(%dma_wait3A_235 : memref<80x128xf32, #tpu.memory_space<vmem>>) dst(%dma_wait3A_232 : memref<80x128xf32, #tpu.memory_space<vmem_shared>>)
      tpu.yield
    }) : () -> ()
    %add3A_9 = arith.constant 160 : i32
    %add3A_10 = arith.addi %mul3A_4, %add3A_9 : i32
    "tpu.region"() ({
      %run_scoped3A = tpu.sem_alloc : memref<!tpu.dma_semaphore, #tpu.memory_space<semaphore_mem>>
      %dma_start3A_217 = arith.constant 0 : i32
      %dma_start3A_218 = arith.constant 0 : i32
      %dma_start3A_219 = tpu.memref_slice %arg11[%dma_start3A_217, %dma_start3A_218] : memref<128x128xf32, #tpu.memory_space<vmem>> -> memref<80x128xf32, #tpu.memory_space<vmem>>
      %dma_start3A_220 = arith.constant 0 : i32
      %dma_start3A_221 = tpu.memref_slice %arg6[%add3A_10, %dma_start3A_220] : memref<5120x128xf32, #tpu.memory_space<vmem_shared>> -> memref<80x128xf32, #tpu.memory_space<vmem_shared>>
      %dma_start3A_222 = arith.constant 0 : i32
      %dma_start3A_223 = tpu.memref_slice %arg6[%add3A_10, %dma_start3A_222] : memref<5120x128xf32, #tpu.memory_space<vmem_shared>> -> memref<80x128xf32, #tpu.memory_space<vmem_shared>>
      %dma_start3A_224 = arith.constant 0 : i32
      %dma_start3A_225 = arith.constant 0 : i32
      %dma_start3A_226 = tpu.memref_slice %arg11[%dma_start3A_224, %dma_start3A_225] : memref<128x128xf32, #tpu.memory_space<vmem>> -> memref<80x128xf32, #tpu.memory_space<vmem>>
      tpu.enqueue_dma source(%dma_start3A_226 : memref<80x128xf32, #tpu.memory_space<vmem>>) target(%dma_start3A_223 : memref<80x128xf32, #tpu.memory_space<vmem_shared>>) target_semaphore(%run_scoped3A : memref<!tpu.dma_semaphore, #tpu.memory_space<semaphore_mem>>)
      %dma_wait3A = arith.constant 0 : i32
      %dma_wait3A_227 = arith.constant 0 : i32
      %dma_wait3A_228 = tpu.memref_slice %arg11[%dma_wait3A, %dma_wait3A_227] : memref<128x128xf32, #tpu.memory_space<vmem>> -> memref<80x128xf32, #tpu.memory_space<vmem>>
      %dma_wait3A_229 = arith.constant 0 : i32
      %dma_wait3A_230 = tpu.memref_slice %arg6[%add3A_10, %dma_wait3A_229] : memref<5120x128xf32, #tpu.memory_space<vmem_shared>> -> memref<80x128xf32, #tpu.memory_space<vmem_shared>>
      %dma_wait3A_231 = arith.constant 0 : i32
      %dma_wait3A_232 = tpu.memref_slice %arg6[%add3A_10, %dma_wait3A_231] : memref<5120x128xf32, #tpu.memory_space<vmem_shared>> -> memref<80x128xf32, #tpu.memory_space<vmem_shared>>
      %dma_wait3A_233 = arith.constant 0 : i32
      %dma_wait3A_234 = arith.constant 0 : i32
      %dma_wait3A_235 = tpu.memref_slice %arg11[%dma_wait3A_233, %dma_wait3A_234] : memref<128x128xf32, #tpu.memory_space<vmem>> -> memref<80x128xf32, #tpu.memory_space<vmem>>
      tpu.wait_dma2 semaphore(%run_scoped3A : memref<!tpu.dma_semaphore, #tpu.memory_space<semaphore_mem>>) src(%dma_wait3A_235 : memref<80x128xf32, #tpu.memory_space<vmem>>) dst(%dma_wait3A_232 : memref<80x128xf32, #tpu.memory_space<vmem_shared>>)
      tpu.yield
    }) : () -> ()
    %add3A_11 = arith.constant 240 : i32
    %add3A_12 = arith.addi %mul3A_4, %add3A_11 : i32
    "tpu.region"() ({
      %run_scoped3A = tpu.sem_alloc : memref<!tpu.dma_semaphore, #tpu.memory_space<semaphore_mem>>
      %dma_start3A_217 = arith.constant 0 : i32
      %dma_start3A_218 = arith.constant 0 : i32
      %dma_start3A_219 = tpu.memref_slice %arg11[%dma_start3A_217, %dma_start3A_218] : memref<128x128xf32, #tpu.memory_space<vmem>> -> memref<80x128xf32, #tpu.memory_space<vmem>>
      %dma_start3A_220 = arith.constant 0 : i32
      %dma_start3A_221 = tpu.memref_slice %arg6[%add3A_12, %dma_start3A_220] : memref<5120x128xf32, #tpu.memory_space<vmem_shared>> -> memref<80x128xf32, #tpu.memory_space<vmem_shared>>
      %dma_start3A_222 = arith.constant 0 : i32
      %dma_start3A_223 = tpu.memref_slice %arg6[%add3A_12, %dma_start3A_222] : memref<5120x128xf32, #tpu.memory_space<vmem_shared>> -> memref<80x128xf32, #tpu.memory_space<vmem_shared>>
      %dma_start3A_224 = arith.constant 0 : i32
      %dma_start3A_225 = arith.constant 0 : i32
      %dma_start3A_226 = tpu.memref_slice %arg11[%dma_start3A_224, %dma_start3A_225] : memref<128x128xf32, #tpu.memory_space<vmem>> -> memref<80x128xf32, #tpu.memory_space<vmem>>
      tpu.enqueue_dma source(%dma_start3A_226 : memref<80x128xf32, #tpu.memory_space<vmem>>) target(%dma_start3A_223 : memref<80x128xf32, #tpu.memory_space<vmem_shared>>) target_semaphore(%run_scoped3A : memref<!tpu.dma_semaphore, #tpu.memory_space<semaphore_mem>>)
      %dma_wait3A = arith.constant 0 : i32
      %dma_wait3A_227 = arith.constant 0 : i32
      %dma_wait3A_228 = tpu.memref_slice %arg11[%dma_wait3A, %dma_wait3A_227] : memref<128x128xf32, #tpu.memory_space<vmem>> -> memref<80x128xf32, #tpu.memory_space<vmem>>
      %dma_wait3A_229 = arith.constant 0 : i32
      %dma_wait3A_230 = tpu.memref_slice %arg6[%add3A_12, %dma_wait3A_229] : memref<5120x128xf32, #tpu.memory_space<vmem_shared>> -> memref<80x128xf32, #tpu.memory_space<vmem_shared>>
      %dma_wait3A_231 = arith.constant 0 : i32
      %dma_wait3A_232 = tpu.memref_slice %arg6[%add3A_12, %dma_wait3A_231] : memref<5120x128xf32, #tpu.memory_space<vmem_shared>> -> memref<80x128xf32, #tpu.memory_space<vmem_shared>>
      %dma_wait3A_233 = arith.constant 0 : i32
      %dma_wait3A_234 = arith.constant 0 : i32
      %dma_wait3A_235 = tpu.memref_slice %arg11[%dma_wait3A_233, %dma_wait3A_234] : memref<128x128xf32, #tpu.memory_space<vmem>> -> memref<80x128xf32, #tpu.memory_space<vmem>>
      tpu.wait_dma2 semaphore(%run_scoped3A : memref<!tpu.dma_semaphore, #tpu.memory_space<semaphore_mem>>) src(%dma_wait3A_235 : memref<80x128xf32, #tpu.memory_space<vmem>>) dst(%dma_wait3A_232 : memref<80x128xf32, #tpu.memory_space<vmem_shared>>)
      tpu.yield
    }) : () -> ()
    %add3A_13 = arith.constant 0 : i32
    %add3A_14 = arith.addi %mul3A_4, %add3A_13 : i32
    "tpu.region"() ({
      %run_scoped3A = tpu.sem_alloc : memref<!tpu.dma_semaphore, #tpu.memory_space<semaphore_mem>>
      %dma_start3A_217 = arith.constant 0 : i32
      %dma_start3A_218 = arith.constant 0 : i32
      %dma_start3A_219 = tpu.memref_slice %arg11[%dma_start3A_217, %dma_start3A_218] : memref<128x128xf32, #tpu.memory_space<vmem>> -> memref<128x128xf32, #tpu.memory_space<vmem>>
      %dma_start3A_220 = arith.constant 0 : i32
      %dma_start3A_221 = tpu.memref_slice %arg2[%add3A_14, %dma_start3A_220] : memref<5120x128xf32, #tpu.memory_space<hbm>> -> memref<128x128xf32, #tpu.memory_space<hbm>>
      %dma_start3A_222 = arith.constant 0 : i32
      %dma_start3A_223 = arith.constant 0 : i32
      %dma_start3A_224 = tpu.memref_slice %arg11[%dma_start3A_222, %dma_start3A_223] : memref<128x128xf32, #tpu.memory_space<vmem>> -> memref<128x128xf32, #tpu.memory_space<vmem>>
      %dma_start3A_225 = arith.constant 0 : i32
      %dma_start3A_226 = tpu.memref_slice %arg2[%add3A_14, %dma_start3A_225] : memref<5120x128xf32, #tpu.memory_space<hbm>> -> memref<128x128xf32, #tpu.memory_space<hbm>>
      tpu.enqueue_dma source(%dma_start3A_226 : memref<128x128xf32, #tpu.memory_space<hbm>>) target(%dma_start3A_224 : memref<128x128xf32, #tpu.memory_space<vmem>>) target_semaphore(%run_scoped3A : memref<!tpu.dma_semaphore, #tpu.memory_space<semaphore_mem>>)
      %dma_wait3A = arith.constant 0 : i32
      %dma_wait3A_227 = arith.constant 0 : i32
      %dma_wait3A_228 = tpu.memref_slice %arg11[%dma_wait3A, %dma_wait3A_227] : memref<128x128xf32, #tpu.memory_space<vmem>> -> memref<128x128xf32, #tpu.memory_space<vmem>>
      %dma_wait3A_229 = arith.constant 0 : i32
      %dma_wait3A_230 = tpu.memref_slice %arg2[%add3A_14, %dma_wait3A_229] : memref<5120x128xf32, #tpu.memory_space<hbm>> -> memref<128x128xf32, #tpu.memory_space<hbm>>
      %dma_wait3A_231 = arith.constant 0 : i32
      %dma_wait3A_232 = arith.constant 0 : i32
      %dma_wait3A_233 = tpu.memref_slice %arg11[%dma_wait3A_231, %dma_wait3A_232] : memref<128x128xf32, #tpu.memory_space<vmem>> -> memref<128x128xf32, #tpu.memory_space<vmem>>
      %dma_wait3A_234 = arith.constant 0 : i32
      %dma_wait3A_235 = tpu.memref_slice %arg2[%add3A_14, %dma_wait3A_234] : memref<5120x128xf32, #tpu.memory_space<hbm>> -> memref<128x128xf32, #tpu.memory_space<hbm>>
      tpu.wait_dma2 semaphore(%run_scoped3A : memref<!tpu.dma_semaphore, #tpu.memory_space<semaphore_mem>>) src(%dma_wait3A_235 : memref<128x128xf32, #tpu.memory_space<hbm>>) dst(%dma_wait3A_233 : memref<128x128xf32, #tpu.memory_space<vmem>>)
      tpu.yield
    }) : () -> ()
    %add3A_15 = arith.constant 0 : i32
    %add3A_16 = arith.addi %mul3A_4, %add3A_15 : i32
    "tpu.region"() ({
      %run_scoped3A = tpu.sem_alloc : memref<!tpu.dma_semaphore, #tpu.memory_space<semaphore_mem>>
      %dma_start3A_217 = arith.constant 0 : i32
      %dma_start3A_218 = arith.constant 0 : i32
      %dma_start3A_219 = tpu.memref_slice %arg11[%dma_start3A_217, %dma_start3A_218] : memref<128x128xf32, #tpu.memory_space<vmem>> -> memref<128x128xf32, #tpu.memory_space<vmem>>
      %dma_start3A_220 = arith.constant 0 : i32
      %dma_start3A_221 = tpu.memref_slice %arg7[%add3A_16, %dma_start3A_220] : memref<5120x128xf32, #tpu.memory_space<vmem_shared>> -> memref<128x128xf32, #tpu.memory_space<vmem_shared>>
      %dma_start3A_222 = arith.constant 0 : i32
      %dma_start3A_223 = tpu.memref_slice %arg7[%add3A_16, %dma_start3A_222] : memref<5120x128xf32, #tpu.memory_space<vmem_shared>> -> memref<128x128xf32, #tpu.memory_space<vmem_shared>>
      %dma_start3A_224 = arith.constant 0 : i32
      %dma_start3A_225 = arith.constant 0 : i32
      %dma_start3A_226 = tpu.memref_slice %arg11[%dma_start3A_224, %dma_start3A_225] : memref<128x128xf32, #tpu.memory_space<vmem>> -> memref<128x128xf32, #tpu.memory_space<vmem>>
      tpu.enqueue_dma source(%dma_start3A_226 : memref<128x128xf32, #tpu.memory_space<vmem>>) target(%dma_start3A_223 : memref<128x128xf32, #tpu.memory_space<vmem_shared>>) target_semaphore(%run_scoped3A : memref<!tpu.dma_semaphore, #tpu.memory_space<semaphore_mem>>)
      %dma_wait3A = arith.constant 0 : i32
      %dma_wait3A_227 = arith.constant 0 : i32
      %dma_wait3A_228 = tpu.memref_slice %arg11[%dma_wait3A, %dma_wait3A_227] : memref<128x128xf32, #tpu.memory_space<vmem>> -> memref<128x128xf32, #tpu.memory_space<vmem>>
      %dma_wait3A_229 = arith.constant 0 : i32
      %dma_wait3A_230 = tpu.memref_slice %arg7[%add3A_16, %dma_wait3A_229] : memref<5120x128xf32, #tpu.memory_space<vmem_shared>> -> memref<128x128xf32, #tpu.memory_space<vmem_shared>>
      %dma_wait3A_231 = arith.constant 0 : i32
      %dma_wait3A_232 = tpu.memref_slice %arg7[%add3A_16, %dma_wait3A_231] : memref<5120x128xf32, #tpu.memory_space<vmem_shared>> -> memref<128x128xf32, #tpu.memory_space<vmem_shared>>
      %dma_wait3A_233 = arith.constant 0 : i32
      %dma_wait3A_234 = arith.constant 0 : i32
      %dma_wait3A_235 = tpu.memref_slice %arg11[%dma_wait3A_233, %dma_wait3A_234] : memref<128x128xf32, #tpu.memory_space<vmem>> -> memref<128x128xf32, #tpu.memory_space<vmem>>
      tpu.wait_dma2 semaphore(%run_scoped3A : memref<!tpu.dma_semaphore, #tpu.memory_space<semaphore_mem>>) src(%dma_wait3A_235 : memref<128x128xf32, #tpu.memory_space<vmem>>) dst(%dma_wait3A_232 : memref<128x128xf32, #tpu.memory_space<vmem_shared>>)
      tpu.yield
    }) : () -> ()
    %add3A_17 = arith.constant 128 : i32
    %add3A_18 = arith.addi %mul3A_4, %add3A_17 : i32
    "tpu.region"() ({
      %run_scoped3A = tpu.sem_alloc : memref<!tpu.dma_semaphore, #tpu.memory_space<semaphore_mem>>
      %dma_start3A_217 = arith.constant 0 : i32
      %dma_start3A_218 = arith.constant 0 : i32
      %dma_start3A_219 = tpu.memref_slice %arg11[%dma_start3A_217, %dma_start3A_218] : memref<128x128xf32, #tpu.memory_space<vmem>> -> memref<128x128xf32, #tpu.memory_space<vmem>>
      %dma_start3A_220 = arith.constant 0 : i32
      %dma_start3A_221 = tpu.memref_slice %arg2[%add3A_18, %dma_start3A_220] : memref<5120x128xf32, #tpu.memory_space<hbm>> -> memref<128x128xf32, #tpu.memory_space<hbm>>
      %dma_start3A_222 = arith.constant 0 : i32
      %dma_start3A_223 = arith.constant 0 : i32
      %dma_start3A_224 = tpu.memref_slice %arg11[%dma_start3A_222, %dma_start3A_223] : memref<128x128xf32, #tpu.memory_space<vmem>> -> memref<128x128xf32, #tpu.memory_space<vmem>>
      %dma_start3A_225 = arith.constant 0 : i32
      %dma_start3A_226 = tpu.memref_slice %arg2[%add3A_18, %dma_start3A_225] : memref<5120x128xf32, #tpu.memory_space<hbm>> -> memref<128x128xf32, #tpu.memory_space<hbm>>
      tpu.enqueue_dma source(%dma_start3A_226 : memref<128x128xf32, #tpu.memory_space<hbm>>) target(%dma_start3A_224 : memref<128x128xf32, #tpu.memory_space<vmem>>) target_semaphore(%run_scoped3A : memref<!tpu.dma_semaphore, #tpu.memory_space<semaphore_mem>>)
      %dma_wait3A = arith.constant 0 : i32
      %dma_wait3A_227 = arith.constant 0 : i32
      %dma_wait3A_228 = tpu.memref_slice %arg11[%dma_wait3A, %dma_wait3A_227] : memref<128x128xf32, #tpu.memory_space<vmem>> -> memref<128x128xf32, #tpu.memory_space<vmem>>
      %dma_wait3A_229 = arith.constant 0 : i32
      %dma_wait3A_230 = tpu.memref_slice %arg2[%add3A_18, %dma_wait3A_229] : memref<5120x128xf32, #tpu.memory_space<hbm>> -> memref<128x128xf32, #tpu.memory_space<hbm>>
      %dma_wait3A_231 = arith.constant 0 : i32
      %dma_wait3A_232 = arith.constant 0 : i32
      %dma_wait3A_233 = tpu.memref_slice %arg11[%dma_wait3A_231, %dma_wait3A_232] : memref<128x128xf32, #tpu.memory_space<vmem>> -> memref<128x128xf32, #tpu.memory_space<vmem>>
      %dma_wait3A_234 = arith.constant 0 : i32
      %dma_wait3A_235 = tpu.memref_slice %arg2[%add3A_18, %dma_wait3A_234] : memref<5120x128xf32, #tpu.memory_space<hbm>> -> memref<128x128xf32, #tpu.memory_space<hbm>>
      tpu.wait_dma2 semaphore(%run_scoped3A : memref<!tpu.dma_semaphore, #tpu.memory_space<semaphore_mem>>) src(%dma_wait3A_235 : memref<128x128xf32, #tpu.memory_space<hbm>>) dst(%dma_wait3A_233 : memref<128x128xf32, #tpu.memory_space<vmem>>)
      tpu.yield
    }) : () -> ()
    %add3A_19 = arith.constant 128 : i32
    %add3A_20 = arith.addi %mul3A_4, %add3A_19 : i32
    "tpu.region"() ({
      %run_scoped3A = tpu.sem_alloc : memref<!tpu.dma_semaphore, #tpu.memory_space<semaphore_mem>>
      %dma_start3A_217 = arith.constant 0 : i32
      %dma_start3A_218 = arith.constant 0 : i32
      %dma_start3A_219 = tpu.memref_slice %arg11[%dma_start3A_217, %dma_start3A_218] : memref<128x128xf32, #tpu.memory_space<vmem>> -> memref<128x128xf32, #tpu.memory_space<vmem>>
      %dma_start3A_220 = arith.constant 0 : i32
      %dma_start3A_221 = tpu.memref_slice %arg7[%add3A_20, %dma_start3A_220] : memref<5120x128xf32, #tpu.memory_space<vmem_shared>> -> memref<128x128xf32, #tpu.memory_space<vmem_shared>>
      %dma_start3A_222 = arith.constant 0 : i32
      %dma_start3A_223 = tpu.memref_slice %arg7[%add3A_20, %dma_start3A_222] : memref<5120x128xf32, #tpu.memory_space<vmem_shared>> -> memref<128x128xf32, #tpu.memory_space<vmem_shared>>
      %dma_start3A_224 = arith.constant 0 : i32
      %dma_start3A_225 = arith.constant 0 : i32
      %dma_start3A_226 = tpu.memref_slice %arg11[%dma_start3A_224, %dma_start3A_225] : memref<128x128xf32, #tpu.memory_space<vmem>> -> memref<128x128xf32, #tpu.memory_space<vmem>>
      tpu.enqueue_dma source(%dma_start3A_226 : memref<128x128xf32, #tpu.memory_space<vmem>>) target(%dma_start3A_223 : memref<128x128xf32, #tpu.memory_space<vmem_shared>>) target_semaphore(%run_scoped3A : memref<!tpu.dma_semaphore, #tpu.memory_space<semaphore_mem>>)
      %dma_wait3A = arith.constant 0 : i32
      %dma_wait3A_227 = arith.constant 0 : i32
      %dma_wait3A_228 = tpu.memref_slice %arg11[%dma_wait3A, %dma_wait3A_227] : memref<128x128xf32, #tpu.memory_space<vmem>> -> memref<128x128xf32, #tpu.memory_space<vmem>>
      %dma_wait3A_229 = arith.constant 0 : i32
      %dma_wait3A_230 = tpu.memref_slice %arg7[%add3A_20, %dma_wait3A_229] : memref<5120x128xf32, #tpu.memory_space<vmem_shared>> -> memref<128x128xf32, #tpu.memory_space<vmem_shared>>
      %dma_wait3A_231 = arith.constant 0 : i32
      %dma_wait3A_232 = tpu.memref_slice %arg7[%add3A_20, %dma_wait3A_231] : memref<5120x128xf32, #tpu.memory_space<vmem_shared>> -> memref<128x128xf32, #tpu.memory_space<vmem_shared>>
      %dma_wait3A_233 = arith.constant 0 : i32
      %dma_wait3A_234 = arith.constant 0 : i32
      %dma_wait3A_235 = tpu.memref_slice %arg11[%dma_wait3A_233, %dma_wait3A_234] : memref<128x128xf32, #tpu.memory_space<vmem>> -> memref<128x128xf32, #tpu.memory_space<vmem>>
      tpu.wait_dma2 semaphore(%run_scoped3A : memref<!tpu.dma_semaphore, #tpu.memory_space<semaphore_mem>>) src(%dma_wait3A_235 : memref<128x128xf32, #tpu.memory_space<vmem>>) dst(%dma_wait3A_232 : memref<128x128xf32, #tpu.memory_space<vmem_shared>>)
      tpu.yield
    }) : () -> ()
    %add3A_21 = arith.constant 256 : i32
    %add3A_22 = arith.addi %mul3A_4, %add3A_21 : i32
    "tpu.region"() ({
      %run_scoped3A = tpu.sem_alloc : memref<!tpu.dma_semaphore, #tpu.memory_space<semaphore_mem>>
      %dma_start3A_217 = arith.constant 0 : i32
      %dma_start3A_218 = arith.constant 0 : i32
      %dma_start3A_219 = tpu.memref_slice %arg11[%dma_start3A_217, %dma_start3A_218] : memref<128x128xf32, #tpu.memory_space<vmem>> -> memref<64x128xf32, #tpu.memory_space<vmem>>
      %dma_start3A_220 = arith.constant 0 : i32
      %dma_start3A_221 = tpu.memref_slice %arg2[%add3A_22, %dma_start3A_220] : memref<5120x128xf32, #tpu.memory_space<hbm>> -> memref<64x128xf32, #tpu.memory_space<hbm>>
      %dma_start3A_222 = arith.constant 0 : i32
      %dma_start3A_223 = arith.constant 0 : i32
      %dma_start3A_224 = tpu.memref_slice %arg11[%dma_start3A_222, %dma_start3A_223] : memref<128x128xf32, #tpu.memory_space<vmem>> -> memref<64x128xf32, #tpu.memory_space<vmem>>
      %dma_start3A_225 = arith.constant 0 : i32
      %dma_start3A_226 = tpu.memref_slice %arg2[%add3A_22, %dma_start3A_225] : memref<5120x128xf32, #tpu.memory_space<hbm>> -> memref<64x128xf32, #tpu.memory_space<hbm>>
      tpu.enqueue_dma source(%dma_start3A_226 : memref<64x128xf32, #tpu.memory_space<hbm>>) target(%dma_start3A_224 : memref<64x128xf32, #tpu.memory_space<vmem>>) target_semaphore(%run_scoped3A : memref<!tpu.dma_semaphore, #tpu.memory_space<semaphore_mem>>)
      %dma_wait3A = arith.constant 0 : i32
      %dma_wait3A_227 = arith.constant 0 : i32
      %dma_wait3A_228 = tpu.memref_slice %arg11[%dma_wait3A, %dma_wait3A_227] : memref<128x128xf32, #tpu.memory_space<vmem>> -> memref<64x128xf32, #tpu.memory_space<vmem>>
      %dma_wait3A_229 = arith.constant 0 : i32
      %dma_wait3A_230 = tpu.memref_slice %arg2[%add3A_22, %dma_wait3A_229] : memref<5120x128xf32, #tpu.memory_space<hbm>> -> memref<64x128xf32, #tpu.memory_space<hbm>>
      %dma_wait3A_231 = arith.constant 0 : i32
      %dma_wait3A_232 = arith.constant 0 : i32
      %dma_wait3A_233 = tpu.memref_slice %arg11[%dma_wait3A_231, %dma_wait3A_232] : memref<128x128xf32, #tpu.memory_space<vmem>> -> memref<64x128xf32, #tpu.memory_space<vmem>>
      %dma_wait3A_234 = arith.constant 0 : i32
      %dma_wait3A_235 = tpu.memref_slice %arg2[%add3A_22, %dma_wait3A_234] : memref<5120x128xf32, #tpu.memory_space<hbm>> -> memref<64x128xf32, #tpu.memory_space<hbm>>
      tpu.wait_dma2 semaphore(%run_scoped3A : memref<!tpu.dma_semaphore, #tpu.memory_space<semaphore_mem>>) src(%dma_wait3A_235 : memref<64x128xf32, #tpu.memory_space<hbm>>) dst(%dma_wait3A_233 : memref<64x128xf32, #tpu.memory_space<vmem>>)
      tpu.yield
    }) : () -> ()
    %add3A_23 = arith.constant 256 : i32
    %add3A_24 = arith.addi %mul3A_4, %add3A_23 : i32
    "tpu.region"() ({
      %run_scoped3A = tpu.sem_alloc : memref<!tpu.dma_semaphore, #tpu.memory_space<semaphore_mem>>
      %dma_start3A_217 = arith.constant 0 : i32
      %dma_start3A_218 = arith.constant 0 : i32
      %dma_start3A_219 = tpu.memref_slice %arg11[%dma_start3A_217, %dma_start3A_218] : memref<128x128xf32, #tpu.memory_space<vmem>> -> memref<64x128xf32, #tpu.memory_space<vmem>>
      %dma_start3A_220 = arith.constant 0 : i32
      %dma_start3A_221 = tpu.memref_slice %arg7[%add3A_24, %dma_start3A_220] : memref<5120x128xf32, #tpu.memory_space<vmem_shared>> -> memref<64x128xf32, #tpu.memory_space<vmem_shared>>
      %dma_start3A_222 = arith.constant 0 : i32
      %dma_start3A_223 = tpu.memref_slice %arg7[%add3A_24, %dma_start3A_222] : memref<5120x128xf32, #tpu.memory_space<vmem_shared>> -> memref<64x128xf32, #tpu.memory_space<vmem_shared>>
      %dma_start3A_224 = arith.constant 0 : i32
      %dma_start3A_225 = arith.constant 0 : i32
      %dma_start3A_226 = tpu.memref_slice %arg11[%dma_start3A_224, %dma_start3A_225] : memref<128x128xf32, #tpu.memory_space<vmem>> -> memref<64x128xf32, #tpu.memory_space<vmem>>
      tpu.enqueue_dma source(%dma_start3A_226 : memref<64x128xf32, #tpu.memory_space<vmem>>) target(%dma_start3A_223 : memref<64x128xf32, #tpu.memory_space<vmem_shared>>) target_semaphore(%run_scoped3A : memref<!tpu.dma_semaphore, #tpu.memory_space<semaphore_mem>>)
      %dma_wait3A = arith.constant 0 : i32
      %dma_wait3A_227 = arith.constant 0 : i32
      %dma_wait3A_228 = tpu.memref_slice %arg11[%dma_wait3A, %dma_wait3A_227] : memref<128x128xf32, #tpu.memory_space<vmem>> -> memref<64x128xf32, #tpu.memory_space<vmem>>
      %dma_wait3A_229 = arith.constant 0 : i32
      %dma_wait3A_230 = tpu.memref_slice %arg7[%add3A_24, %dma_wait3A_229] : memref<5120x128xf32, #tpu.memory_space<vmem_shared>> -> memref<64x128xf32, #tpu.memory_space<vmem_shared>>
      %dma_wait3A_231 = arith.constant 0 : i32
      %dma_wait3A_232 = tpu.memref_slice %arg7[%add3A_24, %dma_wait3A_231] : memref<5120x128xf32, #tpu.memory_space<vmem_shared>> -> memref<64x128xf32, #tpu.memory_space<vmem_shared>>
      %dma_wait3A_233 = arith.constant 0 : i32
      %dma_wait3A_234 = arith.constant 0 : i32
      %dma_wait3A_235 = tpu.memref_slice %arg11[%dma_wait3A_233, %dma_wait3A_234] : memref<128x128xf32, #tpu.memory_space<vmem>> -> memref<64x128xf32, #tpu.memory_space<vmem>>
      tpu.wait_dma2 semaphore(%run_scoped3A : memref<!tpu.dma_semaphore, #tpu.memory_space<semaphore_mem>>) src(%dma_wait3A_235 : memref<64x128xf32, #tpu.memory_space<vmem>>) dst(%dma_wait3A_232 : memref<64x128xf32, #tpu.memory_space<vmem_shared>>)
      tpu.yield
    }) : () -> ()
    %barrier3A = arith.constant 0 : index
    tpu.barrier barrier_id(%barrier3A)
    %get3A = arith.constant 0 : i32
    %get3A_25 = arith.index_cast %get3A : i32 to index
    %get3A_26 = arith.constant 0 : index
    %get3A_27 = tpu.vector_load %arg8[%get3A_25, %get3A_26] {strides = array<i32>} : memref<80x128xi32, #tpu.memory_space<vmem>>, vector<1x16xi32>,
    %get3A_28 = vector.shape_cast %get3A_27 : vector<1x16xi32> to vector<16xi32>
    %and3A = arith.constant 65535 : i32
    %and3A_29 = vector.broadcast %and3A : i32 to vector<16xi32>
    %and3A_30 = arith.andi %get3A_28, %and3A_29 : vector<16xi32>
    %swap3A = arith.constant 0 : i32
    %swap3A_31 = arith.index_cast %swap3A : i32 to index
    %swap3A_32 = arith.constant 0 : index
    %swap3A_33 = tpu.vector_load %arg9[%swap3A_31, %swap3A_32] {strides = array<i32>} : memref<2x128xi32, #tpu.memory_space<vmem>>, vector<1x16xi32>,
    %swap3A_34 = vector.shape_cast %swap3A_33 : vector<1x16xi32> to vector<16xi32>
    %swap3A_35 = vector.shape_cast %and3A_30 : vector<16xi32> to vector<1x16xi32>
    tpu.vector_store %arg9[%swap3A_31, %swap3A_32], %swap3A_35 {strides = array<i32>} : memref<2x128xi32, #tpu.memory_space<vmem>>, vector<1x16xi32>,
    %shift_right_logical3A = arith.constant 16 : i32
    %shift_right_logical3A_36 = vector.broadcast %shift_right_logical3A : i32 to vector<16xi32>
    %shift_right_logical3A_37 = arith.shrui %get3A_28, %shift_right_logical3A_36 : vector<16xi32>
    %swap3A_38 = arith.constant 0 : i32
    %swap3A_39 = arith.index_cast %swap3A_38 : i32 to index
    %swap3A_40 = arith.constant 0 : index
    %swap3A_41 = tpu.vector_load %arg10[%swap3A_39, %swap3A_40] {strides = array<i32>} : memref<2x128xi32, #tpu.memory_space<vmem>>, vector<1x16xi32>,
    %swap3A_42 = vector.shape_cast %swap3A_41 : vector<1x16xi32> to vector<16xi32>
    %swap3A_43 = vector.shape_cast %shift_right_logical3A_37 : vector<16xi32> to vector<1x16xi32>
    tpu.vector_store %arg10[%swap3A_39, %swap3A_40], %swap3A_43 {strides = array<i32>} : memref<2x128xi32, #tpu.memory_space<vmem>>, vector<1x16xi32>,
    %get3A_44 = arith.constant 0 : i32
    %get3A_45 = arith.index_cast %get3A_44 : i32 to index
    %get3A_46 = arith.constant 16 : index
    %get3A_47 = tpu.vector_load %arg8[%get3A_45, %get3A_46] {strides = array<i32>} : memref<80x128xi32, #tpu.memory_space<vmem>>, vector<1x16xi32>,
    %get3A_48 = vector.shape_cast %get3A_47 : vector<1x16xi32> to vector<16xi32>
    %and3A_49 = arith.constant 65535 : i32
    %and3A_50 = vector.broadcast %and3A_49 : i32 to vector<16xi32>
    %and3A_51 = arith.andi %get3A_48, %and3A_50 : vector<16xi32>
    %swap3A_52 = arith.constant 0 : i32
    %swap3A_53 = arith.index_cast %swap3A_52 : i32 to index
    %swap3A_54 = arith.constant 16 : index
    %swap3A_55 = tpu.vector_load %arg9[%swap3A_53, %swap3A_54] {strides = array<i32>} : memref<2x128xi32, #tpu.memory_space<vmem>>, vector<1x16xi32>,
    %swap3A_56 = vector.shape_cast %swap3A_55 : vector<1x16xi32> to vector<16xi32>
    %swap3A_57 = vector.shape_cast %and3A_51 : vector<16xi32> to vector<1x16xi32>
    tpu.vector_store %arg9[%swap3A_53, %swap3A_54], %swap3A_57 {strides = array<i32>} : memref<2x128xi32, #tpu.memory_space<vmem>>, vector<1x16xi32>,
    %shift_right_logical3A_58 = arith.constant 16 : i32
    %shift_right_logical3A_59 = vector.broadcast %shift_right_logical3A_58 : i32 to vector<16xi32>
    %shift_right_logical3A_60 = arith.shrui %get3A_48, %shift_right_logical3A_59 : vector<16xi32>
    %swap3A_61 = arith.constant 0 : i32
    %swap3A_62 = arith.index_cast %swap3A_61 : i32 to index
    %swap3A_63 = arith.constant 16 : index
    %swap3A_64 = tpu.vector_load %arg10[%swap3A_62, %swap3A_63] {strides = array<i32>} : memref<2x128xi32, #tpu.memory_space<vmem>>, vector<1x16xi32>,
    %swap3A_65 = vector.shape_cast %swap3A_64 : vector<1x16xi32> to vector<16xi32>
    %swap3A_66 = vector.shape_cast %shift_right_logical3A_60 : vector<16xi32> to vector<1x16xi32>
    tpu.vector_store %arg10[%swap3A_62, %swap3A_63], %swap3A_66 {strides = array<i32>} : memref<2x128xi32, #tpu.memory_space<vmem>>, vector<1x16xi32>,
    %get3A_67 = arith.constant 0 : i32
    %get3A_68 = arith.index_cast %get3A_67 : i32 to index
    %get3A_69 = arith.constant 32 : index
    %get3A_70 = tpu.vector_load %arg8[%get3A_68, %get3A_69] {strides = array<i32>} : memref<80x128xi32, #tpu.memory_space<vmem>>, vector<1x16xi32>,
    %get3A_71 = vector.shape_cast %get3A_70 : vector<1x16xi32> to vector<16xi32>
    %and3A_72 = arith.constant 65535 : i32
    %and3A_73 = vector.broadcast %and3A_72 : i32 to vector<16xi32>
    %and3A_74 = arith.andi %get3A_71, %and3A_73 : vector<16xi32>
    %swap3A_75 = arith.constant 0 : i32
    %swap3A_76 = arith.index_cast %swap3A_75 : i32 to index
    %swap3A_77 = arith.constant 32 : index
    %swap3A_78 = tpu.vector_load %arg9[%swap3A_76, %swap3A_77] {strides = array<i32>} : memref<2x128xi32, #tpu.memory_space<vmem>>, vector<1x16xi32>,
    %swap3A_79 = vector.shape_cast %swap3A_78 : vector<1x16xi32> to vector<16xi32>
    %swap3A_80 = vector.shape_cast %and3A_74 : vector<16xi32> to vector<1x16xi32>
    tpu.vector_store %arg9[%swap3A_76, %swap3A_77], %swap3A_80 {strides = array<i32>} : memref<2x128xi32, #tpu.memory_space<vmem>>, vector<1x16xi32>,
    %shift_right_logical3A_81 = arith.constant 16 : i32
    %shift_right_logical3A_82 = vector.broadcast %shift_right_logical3A_81 : i32 to vector<16xi32>
    %shift_right_logical3A_83 = arith.shrui %get3A_71, %shift_right_logical3A_82 : vector<16xi32>
    %swap3A_84 = arith.constant 0 : i32
    %swap3A_85 = arith.index_cast %swap3A_84 : i32 to index
    %swap3A_86 = arith.constant 32 : index
    %swap3A_87 = tpu.vector_load %arg10[%swap3A_85, %swap3A_86] {strides = array<i32>} : memref<2x128xi32, #tpu.memory_space<vmem>>, vector<1x16xi32>,
    %swap3A_88 = vector.shape_cast %swap3A_87 : vector<1x16xi32> to vector<16xi32>
    %swap3A_89 = vector.shape_cast %shift_right_logical3A_83 : vector<16xi32> to vector<1x16xi32>
    tpu.vector_store %arg10[%swap3A_85, %swap3A_86], %swap3A_89 {strides = array<i32>} : memref<2x128xi32, #tpu.memory_space<vmem>>, vector<1x16xi32>,
    %get3A_90 = arith.constant 0 : i32
    %get3A_91 = arith.index_cast %get3A_90 : i32 to index
    %get3A_92 = arith.constant 48 : index
    %get3A_93 = tpu.vector_load %arg8[%get3A_91, %get3A_92] {strides = array<i32>} : memref<80x128xi32, #tpu.memory_space<vmem>>, vector<1x16xi32>,
    %get3A_94 = vector.shape_cast %get3A_93 : vector<1x16xi32> to vector<16xi32>
    %and3A_95 = arith.constant 65535 : i32
    %and3A_96 = vector.broadcast %and3A_95 : i32 to vector<16xi32>
    %and3A_97 = arith.andi %get3A_94, %and3A_96 : vector<16xi32>
    %swap3A_98 = arith.constant 0 : i32
    %swap3A_99 = arith.index_cast %swap3A_98 : i32 to index
    %swap3A_100 = arith.constant 48 : index
    %swap3A_101 = tpu.vector_load %arg9[%swap3A_99, %swap3A_100] {strides = array<i32>} : memref<2x128xi32, #tpu.memory_space<vmem>>, vector<1x16xi32>,
    %swap3A_102 = vector.shape_cast %swap3A_101 : vector<1x16xi32> to vector<16xi32>
    %swap3A_103 = vector.shape_cast %and3A_97 : vector<16xi32> to vector<1x16xi32>
    tpu.vector_store %arg9[%swap3A_99, %swap3A_100], %swap3A_103 {strides = array<i32>} : memref<2x128xi32, #tpu.memory_space<vmem>>, vector<1x16xi32>,
    %shift_right_logical3A_104 = arith.constant 16 : i32
    %shift_right_logical3A_105 = vector.broadcast %shift_right_logical3A_104 : i32 to vector<16xi32>
    %shift_right_logical3A_106 = arith.shrui %get3A_94, %shift_right_logical3A_105 : vector<16xi32>
    %swap3A_107 = arith.constant 0 : i32
    %swap3A_108 = arith.index_cast %swap3A_107 : i32 to index
    %swap3A_109 = arith.constant 48 : index
    %swap3A_110 = tpu.vector_load %arg10[%swap3A_108, %swap3A_109] {strides = array<i32>} : memref<2x128xi32, #tpu.memory_space<vmem>>, vector<1x16xi32>,
    %swap3A_111 = vector.shape_cast %swap3A_110 : vector<1x16xi32> to vector<16xi32>
    %swap3A_112 = vector.shape_cast %shift_right_logical3A_106 : vector<16xi32> to vector<1x16xi32>
    tpu.vector_store %arg10[%swap3A_108, %swap3A_109], %swap3A_112 {strides = array<i32>} : memref<2x128xi32, #tpu.memory_space<vmem>>, vector<1x16xi32>,
    %get3A_113 = arith.constant 0 : i32
    %get3A_114 = arith.index_cast %get3A_113 : i32 to index
    %get3A_115 = arith.constant 64 : index
    %get3A_116 = tpu.vector_load %arg8[%get3A_114, %get3A_115] {strides = array<i32>} : memref<80x128xi32, #tpu.memory_space<vmem>>, vector<1x16xi32>,
    %get3A_117 = vector.shape_cast %get3A_116 : vector<1x16xi32> to vector<16xi32>
    %and3A_118 = arith.constant 65535 : i32
    %and3A_119 = vector.broadcast %and3A_118 : i32 to vector<16xi32>
    %and3A_120 = arith.andi %get3A_117, %and3A_119 : vector<16xi32>
    %swap3A_121 = arith.constant 0 : i32
    %swap3A_122 = arith.index_cast %swap3A_121 : i32 to index
    %swap3A_123 = arith.constant 64 : index
    %swap3A_124 = tpu.vector_load %arg9[%swap3A_122, %swap3A_123] {strides = array<i32>} : memref<2x128xi32, #tpu.memory_space<vmem>>, vector<1x16xi32>,
    %swap3A_125 = vector.shape_cast %swap3A_124 : vector<1x16xi32> to vector<16xi32>
    %swap3A_126 = vector.shape_cast %and3A_120 : vector<16xi32> to vector<1x16xi32>
    tpu.vector_store %arg9[%swap3A_122, %swap3A_123], %swap3A_126 {strides = array<i32>} : memref<2x128xi32, #tpu.memory_space<vmem>>, vector<1x16xi32>,
    %shift_right_logical3A_127 = arith.constant 16 : i32
    %shift_right_logical3A_128 = vector.broadcast %shift_right_logical3A_127 : i32 to vector<16xi32>
    %shift_right_logical3A_129 = arith.shrui %get3A_117, %shift_right_logical3A_128 : vector<16xi32>
    %swap3A_130 = arith.constant 0 : i32
    %swap3A_131 = arith.index_cast %swap3A_130 : i32 to index
    %swap3A_132 = arith.constant 64 : index
    %swap3A_133 = tpu.vector_load %arg10[%swap3A_131, %swap3A_132] {strides = array<i32>} : memref<2x128xi32, #tpu.memory_space<vmem>>, vector<1x16xi32>,
    %swap3A_134 = vector.shape_cast %swap3A_133 : vector<1x16xi32> to vector<16xi32>
    %swap3A_135 = vector.shape_cast %shift_right_logical3A_129 : vector<16xi32> to vector<1x16xi32>
    tpu.vector_store %arg10[%swap3A_131, %swap3A_132], %swap3A_135 {strides = array<i32>} : memref<2x128xi32, #tpu.memory_space<vmem>>, vector<1x16xi32>,
    %get3A_136 = arith.constant 0 : i32
    %get3A_137 = arith.index_cast %get3A_136 : i32 to index
    %get3A_138 = arith.constant 80 : index
    %get3A_139 = tpu.vector_load %arg8[%get3A_137, %get3A_138] {strides = array<i32>} : memref<80x128xi32, #tpu.memory_space<vmem>>, vector<1x16xi32>,
    %get3A_140 = vector.shape_cast %get3A_139 : vector<1x16xi32> to vector<16xi32>
    %and3A_141 = arith.constant 65535 : i32
    %and3A_142 = vector.broadcast %and3A_141 : i32 to vector<16xi32>
    %and3A_143 = arith.andi %get3A_140, %and3A_142 : vector<16xi32>
    %swap3A_144 = arith.constant 0 : i32
    %swap3A_145 = arith.index_cast %swap3A_144 : i32 to index
    %swap3A_146 = arith.constant 80 : index
    %swap3A_147 = tpu.vector_load %arg9[%swap3A_145, %swap3A_146] {strides = array<i32>} : memref<2x128xi32, #tpu.memory_space<vmem>>, vector<1x16xi32>,
    %swap3A_148 = vector.shape_cast %swap3A_147 : vector<1x16xi32> to vector<16xi32>
    %swap3A_149 = vector.shape_cast %and3A_143 : vector<16xi32> to vector<1x16xi32>
    tpu.vector_store %arg9[%swap3A_145, %swap3A_146], %swap3A_149 {strides = array<i32>} : memref<2x128xi32, #tpu.memory_space<vmem>>, vector<1x16xi32>,
    %shift_right_logical3A_150 = arith.constant 16 : i32
    %shift_right_logical3A_151 = vector.broadcast %shift_right_logical3A_150 : i32 to vector<16xi32>
    %shift_right_logical3A_152 = arith.shrui %get3A_140, %shift_right_logical3A_151 : vector<16xi32>
    %swap3A_153 = arith.constant 0 : i32
    %swap3A_154 = arith.index_cast %swap3A_153 : i32 to index
    %swap3A_155 = arith.constant 80 : index
    %swap3A_156 = tpu.vector_load %arg10[%swap3A_154, %swap3A_155] {strides = array<i32>} : memref<2x128xi32, #tpu.memory_space<vmem>>, vector<1x16xi32>,
    %swap3A_157 = vector.shape_cast %swap3A_156 : vector<1x16xi32> to vector<16xi32>
    %swap3A_158 = vector.shape_cast %shift_right_logical3A_152 : vector<16xi32> to vector<1x16xi32>
    tpu.vector_store %arg10[%swap3A_154, %swap3A_155], %swap3A_158 {strides = array<i32>} : memref<2x128xi32, #tpu.memory_space<vmem>>, vector<1x16xi32>,
    %get3A_159 = arith.constant 0 : i32
    %get3A_160 = arith.index_cast %get3A_159 : i32 to index
    %get3A_161 = arith.constant 96 : index
    %get3A_162 = tpu.vector_load %arg8[%get3A_160, %get3A_161] {strides = array<i32>} : memref<80x128xi32, #tpu.memory_space<vmem>>, vector<1x16xi32>,
    %get3A_163 = vector.shape_cast %get3A_162 : vector<1x16xi32> to vector<16xi32>
    %and3A_164 = arith.constant 65535 : i32
    %and3A_165 = vector.broadcast %and3A_164 : i32 to vector<16xi32>
    %and3A_166 = arith.andi %get3A_163, %and3A_165 : vector<16xi32>
    %swap3A_167 = arith.constant 0 : i32
    %swap3A_168 = arith.index_cast %swap3A_167 : i32 to index
    %swap3A_169 = arith.constant 96 : index
    %swap3A_170 = tpu.vector_load %arg9[%swap3A_168, %swap3A_169] {strides = array<i32>} : memref<2x128xi32, #tpu.memory_space<vmem>>, vector<1x16xi32>,
    %swap3A_171 = vector.shape_cast %swap3A_170 : vector<1x16xi32> to vector<16xi32>
    %swap3A_172 = vector.shape_cast %and3A_166 : vector<16xi32> to vector<1x16xi32>
    tpu.vector_store %arg9[%swap3A_168, %swap3A_169], %swap3A_172 {strides = array<i32>} : memref<2x128xi32, #tpu.memory_space<vmem>>, vector<1x16xi32>,
    %shift_right_logical3A_173 = arith.constant 16 : i32
    %shift_right_logical3A_174 = vector.broadcast %shift_right_logical3A_173 : i32 to vector<16xi32>
    %shift_right_logical3A_175 = arith.shrui %get3A_163, %shift_right_logical3A_174 : vector<16xi32>
    %swap3A_176 = arith.constant 0 : i32
    %swap3A_177 = arith.index_cast %swap3A_176 : i32 to index
    %swap3A_178 = arith.constant 96 : index
    %swap3A_179 = tpu.vector_load %arg10[%swap3A_177, %swap3A_178] {strides = array<i32>} : memref<2x128xi32, #tpu.memory_space<vmem>>, vector<1x16xi32>,
    %swap3A_180 = vector.shape_cast %swap3A_179 : vector<1x16xi32> to vector<16xi32>
    %swap3A_181 = vector.shape_cast %shift_right_logical3A_175 : vector<16xi32> to vector<1x16xi32>
    tpu.vector_store %arg10[%swap3A_177, %swap3A_178], %swap3A_181 {strides = array<i32>} : memref<2x128xi32, #tpu.memory_space<vmem>>, vector<1x16xi32>,
    %get3A_182 = arith.constant 0 : i32
    %get3A_183 = arith.index_cast %get3A_182 : i32 to index
    %get3A_184 = arith.constant 112 : index
    %get3A_185 = tpu.vector_load %arg8[%get3A_183, %get3A_184] {strides = array<i32>} : memref<80x128xi32, #tpu.memory_space<vmem>>, vector<1x16xi32>,
    %get3A_186 = vector.shape_cast %get3A_185 : vector<1x16xi32> to vector<16xi32>
    %and3A_187 = arith.constant 65535 : i32
    %and3A_188 = vector.broadcast %and3A_187 : i32 to vector<16xi32>
    %and3A_189 = arith.andi %get3A_186, %and3A_188 : vector<16xi32>
    %swap3A_190 = arith.constant 0 : i32
    %swap3A_191 = arith.index_cast %swap3A_190 : i32 to index
    %swap3A_192 = arith.constant 112 : index
    %swap3A_193 = tpu.vector_load %arg9[%swap3A_191, %swap3A_192] {strides = array<i32>} : memref<2x128xi32, #tpu.memory_space<vmem>>, vector<1x16xi32>,
    %swap3A_194 = vector.shape_cast %swap3A_193 : vector<1x16xi32> to vector<16xi32>
    %swap3A_195 = vector.shape_cast %and3A_189 : vector<16xi32> to vector<1x16xi32>
    tpu.vector_store %arg9[%swap3A_191, %swap3A_192], %swap3A_195 {strides = array<i32>} : memref<2x128xi32, #tpu.memory_space<vmem>>, vector<1x16xi32>,
    %shift_right_logical3A_196 = arith.constant 16 : i32
    %shift_right_logical3A_197 = vector.broadcast %shift_right_logical3A_196 : i32 to vector<16xi32>
    %shift_right_logical3A_198 = arith.shrui %get3A_186, %shift_right_logical3A_197 : vector<16xi32>
    %swap3A_199 = arith.constant 0 : i32
    %swap3A_200 = arith.index_cast %swap3A_199 : i32 to index
    %swap3A_201 = arith.constant 112 : index
    %swap3A_202 = tpu.vector_load %arg10[%swap3A_200, %swap3A_201] {strides = array<i32>} : memref<2x128xi32, #tpu.memory_space<vmem>>, vector<1x16xi32>,
    %swap3A_203 = vector.shape_cast %swap3A_202 : vector<1x16xi32> to vector<16xi32>
    %swap3A_204 = vector.shape_cast %shift_right_logical3A_198 : vector<16xi32> to vector<1x16xi32>
    tpu.vector_store %arg10[%swap3A_200, %swap3A_201], %swap3A_204 {strides = array<i32>} : memref<2x128xi32, #tpu.memory_space<vmem>>, vector<1x16xi32>,
    %dma_start3A = arith.constant 0 : i32
    %dma_start3A_205 = arith.constant 0 : i32
    %dma_start3A_206 = tpu.memref_slice %arg9[%dma_start3A, %dma_start3A_205] : memref<2x128xi32, #tpu.memory_space<vmem>> -> memref<1x128xi32, #tpu.memory_space<vmem>>
    %dma_start3A_207 = tpu.memref_squeeze %dma_start3A_206 : memref<1x128xi32, #tpu.memory_space<vmem>> -> memref<128xi32, #tpu.memory_space<vmem>>
    %dma_start3A_208 = arith.constant 0 : i32
    %dma_start3A_209 = arith.constant 0 : i32
    %dma_start3A_210 = tpu.memref_slice %arg7[%dma_start3A_208, %dma_start3A_209] : memref<5120x128xf32, #tpu.memory_space<vmem_shared>> -> memref<5120x128xf32, #tpu.memory_space<vmem_shared>>
    tpu.enqueue_indirect_dma source(%dma_start3A_210 : memref<5120x128xf32, #tpu.memory_space<vmem_shared>>) target(%arg11 : memref<128x128xf32, #tpu.memory_space<vmem>>) offsets(%dma_start3A_207 : memref<128xi32, #tpu.memory_space<vmem>>) semaphore(%arg13 : memref<!tpu.dma_semaphore, #tpu.memory_space<semaphore_mem>>)
    %scan3A = arith.constant 0 : i32
    %scan3A_211 = arith.constant 0 : i32
    %scan3A_212 = arith.constant 40 : i32
    %scan3A_213 = arith.addi %scan3A_211, %scan3A_212 : i32
    %scan3A_214 = arith.constant 1 : i32
    scf.for %scan3A_217 = %scan3A_211 to %scan3A_213 step %scan3A_214  : i32 {
      %mul3A_218 = arith.constant 2 : i32
      %mul3A_219 = arith.muli %mul3A_218, %scan3A_217 : i32
      %mul3A_220 = arith.constant 2 : i32
      %mul3A_221 = arith.muli %mul3A_220, %scan3A_217 : i32
      %add3A_222 = arith.constant 1 : i32
      %add3A_223 = arith.addi %mul3A_221, %add3A_222 : i32
      %get3A_224 = arith.index_cast %add3A_223 : i32 to index
      %get3A_225 = arith.constant 0 : index
      %get3A_226 = tpu.vector_load %arg8[%get3A_224, %get3A_225] {strides = array<i32>} : memref<80x128xi32, #tpu.memory_space<vmem>>, vector<1x16xi32>,
      %get3A_227 = vector.shape_cast %get3A_226 : vector<1x16xi32> to vector<16xi32>
      %and3A_228 = arith.constant 65535 : i32
      %and3A_229 = vector.broadcast %and3A_228 : i32 to vector<16xi32>
      %and3A_230 = arith.andi %get3A_227, %and3A_229 : vector<16xi32>
      %swap3A_231 = arith.constant 1 : i32
      %swap3A_232 = arith.index_cast %swap3A_231 : i32 to index
      %swap3A_233 = arith.constant 0 : index
      %swap3A_234 = tpu.vector_load %arg9[%swap3A_232, %swap3A_233] {strides = array<i32>} : memref<2x128xi32, #tpu.memory_space<vmem>>, vector<1x16xi32>,
      %swap3A_235 = vector.shape_cast %swap3A_234 : vector<1x16xi32> to vector<16xi32>
      %swap3A_236 = vector.shape_cast %and3A_230 : vector<16xi32> to vector<1x16xi32>
      tpu.vector_store %arg9[%swap3A_232, %swap3A_233], %swap3A_236 {strides = array<i32>} : memref<2x128xi32, #tpu.memory_space<vmem>>, vector<1x16xi32>,
      %shift_right_logical3A_237 = arith.constant 16 : i32
      %shift_right_logical3A_238 = vector.broadcast %shift_right_logical3A_237 : i32 to vector<16xi32>
      %shift_right_logical3A_239 = arith.shrui %get3A_227, %shift_right_logical3A_238 : vector<16xi32>
      %swap3A_240 = arith.constant 1 : i32
      %swap3A_241 = arith.index_cast %swap3A_240 : i32 to index
      %swap3A_242 = arith.constant 0 : index
      %swap3A_243 = tpu.vector_load %arg10[%swap3A_241, %swap3A_242] {strides = array<i32>} : memref<2x128xi32, #tpu.memory_space<vmem>>, vector<1x16xi32>,
      %swap3A_244 = vector.shape_cast %swap3A_243 : vector<1x16xi32> to vector<16xi32>
      %swap3A_245 = vector.shape_cast %shift_right_logical3A_239 : vector<16xi32> to vector<1x16xi32>
      tpu.vector_store %arg10[%swap3A_241, %swap3A_242], %swap3A_245 {strides = array<i32>} : memref<2x128xi32, #tpu.memory_space<vmem>>, vector<1x16xi32>,
      %get3A_246 = arith.index_cast %add3A_223 : i32 to index
      %get3A_247 = arith.constant 16 : index
      %get3A_248 = tpu.vector_load %arg8[%get3A_246, %get3A_247] {strides = array<i32>} : memref<80x128xi32, #tpu.memory_space<vmem>>, vector<1x16xi32>,
      %get3A_249 = vector.shape_cast %get3A_248 : vector<1x16xi32> to vector<16xi32>
      %and3A_250 = arith.constant 65535 : i32
      %and3A_251 = vector.broadcast %and3A_250 : i32 to vector<16xi32>
      %and3A_252 = arith.andi %get3A_249, %and3A_251 : vector<16xi32>
      %swap3A_253 = arith.constant 1 : i32
      %swap3A_254 = arith.index_cast %swap3A_253 : i32 to index
      %swap3A_255 = arith.constant 16 : index
      %swap3A_256 = tpu.vector_load %arg9[%swap3A_254, %swap3A_255] {strides = array<i32>} : memref<2x128xi32, #tpu.memory_space<vmem>>, vector<1x16xi32>,
      %swap3A_257 = vector.shape_cast %swap3A_256 : vector<1x16xi32> to vector<16xi32>
      %swap3A_258 = vector.shape_cast %and3A_252 : vector<16xi32> to vector<1x16xi32>
      tpu.vector_store %arg9[%swap3A_254, %swap3A_255], %swap3A_258 {strides = array<i32>} : memref<2x128xi32, #tpu.memory_space<vmem>>, vector<1x16xi32>,
      %shift_right_logical3A_259 = arith.constant 16 : i32
      %shift_right_logical3A_260 = vector.broadcast %shift_right_logical3A_259 : i32 to vector<16xi32>
      %shift_right_logical3A_261 = arith.shrui %get3A_249, %shift_right_logical3A_260 : vector<16xi32>
      %swap3A_262 = arith.constant 1 : i32
      %swap3A_263 = arith.index_cast %swap3A_262 : i32 to index
      %swap3A_264 = arith.constant 16 : index
      %swap3A_265 = tpu.vector_load %arg10[%swap3A_263, %swap3A_264] {strides = array<i32>} : memref<2x128xi32, #tpu.memory_space<vmem>>, vector<1x16xi32>,
      %swap3A_266 = vector.shape_cast %swap3A_265 : vector<1x16xi32> to vector<16xi32>
      %swap3A_267 = vector.shape_cast %shift_right_logical3A_261 : vector<16xi32> to vector<1x16xi32>
      tpu.vector_store %arg10[%swap3A_263, %swap3A_264], %swap3A_267 {strides = array<i32>} : memref<2x128xi32, #tpu.memory_space<vmem>>, vector<1x16xi32>,
      %get3A_268 = arith.index_cast %add3A_223 : i32 to index
      %get3A_269 = arith.constant 32 : index
      %get3A_270 = tpu.vector_load %arg8[%get3A_268, %get3A_269] {strides = array<i32>} : memref<80x128xi32, #tpu.memory_space<vmem>>, vector<1x16xi32>,
      %get3A_271 = vector.shape_cast %get3A_270 : vector<1x16xi32> to vector<16xi32>
      %and3A_272 = arith.constant 65535 : i32
      %and3A_273 = vector.broadcast %and3A_272 : i32 to vector<16xi32>
      %and3A_274 = arith.andi %get3A_271, %and3A_273 : vector<16xi32>
      %swap3A_275 = arith.constant 1 : i32
      %swap3A_276 = arith.index_cast %swap3A_275 : i32 to index
      %swap3A_277 = arith.constant 32 : index
      %swap3A_278 = tpu.vector_load %arg9[%swap3A_276, %swap3A_277] {strides = array<i32>} : memref<2x128xi32, #tpu.memory_space<vmem>>, vector<1x16xi32>,
      %swap3A_279 = vector.shape_cast %swap3A_278 : vector<1x16xi32> to vector<16xi32>
      %swap3A_280 = vector.shape_cast %and3A_274 : vector<16xi32> to vector<1x16xi32>
      tpu.vector_store %arg9[%swap3A_276, %swap3A_277], %swap3A_280 {strides = array<i32>} : memref<2x128xi32, #tpu.memory_space<vmem>>, vector<1x16xi32>,
      %shift_right_logical3A_281 = arith.constant 16 : i32
      %shift_right_logical3A_282 = vector.broadcast %shift_right_logical3A_281 : i32 to vector<16xi32>
      %shift_right_logical3A_283 = arith.shrui %get3A_271, %shift_right_logical3A_282 : vector<16xi32>
      %swap3A_284 = arith.constant 1 : i32
      %swap3A_285 = arith.index_cast %swap3A_284 : i32 to index
      %swap3A_286 = arith.constant 32 : index
      %swap3A_287 = tpu.vector_load %arg10[%swap3A_285, %swap3A_286] {strides = array<i32>} : memref<2x128xi32, #tpu.memory_space<vmem>>, vector<1x16xi32>,
      %swap3A_288 = vector.shape_cast %swap3A_287 : vector<1x16xi32> to vector<16xi32>
      %swap3A_289 = vector.shape_cast %shift_right_logical3A_283 : vector<16xi32> to vector<1x16xi32>
      tpu.vector_store %arg10[%swap3A_285, %swap3A_286], %swap3A_289 {strides = array<i32>} : memref<2x128xi32, #tpu.memory_space<vmem>>, vector<1x16xi32>,
      %get3A_290 = arith.index_cast %add3A_223 : i32 to index
      %get3A_291 = arith.constant 48 : index
      %get3A_292 = tpu.vector_load %arg8[%get3A_290, %get3A_291] {strides = array<i32>} : memref<80x128xi32, #tpu.memory_space<vmem>>, vector<1x16xi32>,
      %get3A_293 = vector.shape_cast %get3A_292 : vector<1x16xi32> to vector<16xi32>
      %and3A_294 = arith.constant 65535 : i32
      %and3A_295 = vector.broadcast %and3A_294 : i32 to vector<16xi32>
      %and3A_296 = arith.andi %get3A_293, %and3A_295 : vector<16xi32>
      %swap3A_297 = arith.constant 1 : i32
      %swap3A_298 = arith.index_cast %swap3A_297 : i32 to index
      %swap3A_299 = arith.constant 48 : index
      %swap3A_300 = tpu.vector_load %arg9[%swap3A_298, %swap3A_299] {strides = array<i32>} : memref<2x128xi32, #tpu.memory_space<vmem>>, vector<1x16xi32>,
      %swap3A_301 = vector.shape_cast %swap3A_300 : vector<1x16xi32> to vector<16xi32>
      %swap3A_302 = vector.shape_cast %and3A_296 : vector<16xi32> to vector<1x16xi32>
      tpu.vector_store %arg9[%swap3A_298, %swap3A_299], %swap3A_302 {strides = array<i32>} : memref<2x128xi32, #tpu.memory_space<vmem>>, vector<1x16xi32>,
      %shift_right_logical3A_303 = arith.constant 16 : i32
      %shift_right_logical3A_304 = vector.broadcast %shift_right_logical3A_303 : i32 to vector<16xi32>
      %shift_right_logical3A_305 = arith.shrui %get3A_293, %shift_right_logical3A_304 : vector<16xi32>
      %swap3A_306 = arith.constant 1 : i32
      %swap3A_307 = arith.index_cast %swap3A_306 : i32 to index
      %swap3A_308 = arith.constant 48 : index
      %swap3A_309 = tpu.vector_load %arg10[%swap3A_307, %swap3A_308] {strides = array<i32>} : memref<2x128xi32, #tpu.memory_space<vmem>>, vector<1x16xi32>,
      %swap3A_310 = vector.shape_cast %swap3A_309 : vector<1x16xi32> to vector<16xi32>
      %swap3A_311 = vector.shape_cast %shift_right_logical3A_305 : vector<16xi32> to vector<1x16xi32>
      tpu.vector_store %arg10[%swap3A_307, %swap3A_308], %swap3A_311 {strides = array<i32>} : memref<2x128xi32, #tpu.memory_space<vmem>>, vector<1x16xi32>,
      %get3A_312 = arith.index_cast %add3A_223 : i32 to index
      %get3A_313 = arith.constant 64 : index
      %get3A_314 = tpu.vector_load %arg8[%get3A_312, %get3A_313] {strides = array<i32>} : memref<80x128xi32, #tpu.memory_space<vmem>>, vector<1x16xi32>,
      %get3A_315 = vector.shape_cast %get3A_314 : vector<1x16xi32> to vector<16xi32>
      %and3A_316 = arith.constant 65535 : i32
      %and3A_317 = vector.broadcast %and3A_316 : i32 to vector<16xi32>
      %and3A_318 = arith.andi %get3A_315, %and3A_317 : vector<16xi32>
      %swap3A_319 = arith.constant 1 : i32
      %swap3A_320 = arith.index_cast %swap3A_319 : i32 to index
      %swap3A_321 = arith.constant 64 : index
      %swap3A_322 = tpu.vector_load %arg9[%swap3A_320, %swap3A_321] {strides = array<i32>} : memref<2x128xi32, #tpu.memory_space<vmem>>, vector<1x16xi32>,
      %swap3A_323 = vector.shape_cast %swap3A_322 : vector<1x16xi32> to vector<16xi32>
      %swap3A_324 = vector.shape_cast %and3A_318 : vector<16xi32> to vector<1x16xi32>
      tpu.vector_store %arg9[%swap3A_320, %swap3A_321], %swap3A_324 {strides = array<i32>} : memref<2x128xi32, #tpu.memory_space<vmem>>, vector<1x16xi32>,
      %shift_right_logical3A_325 = arith.constant 16 : i32
      %shift_right_logical3A_326 = vector.broadcast %shift_right_logical3A_325 : i32 to vector<16xi32>
      %shift_right_logical3A_327 = arith.shrui %get3A_315, %shift_right_logical3A_326 : vector<16xi32>
      %swap3A_328 = arith.constant 1 : i32
      %swap3A_329 = arith.index_cast %swap3A_328 : i32 to index
      %swap3A_330 = arith.constant 64 : index
      %swap3A_331 = tpu.vector_load %arg10[%swap3A_329, %swap3A_330] {strides = array<i32>} : memref<2x128xi32, #tpu.memory_space<vmem>>, vector<1x16xi32>,
      %swap3A_332 = vector.shape_cast %swap3A_331 : vector<1x16xi32> to vector<16xi32>
      %swap3A_333 = vector.shape_cast %shift_right_logical3A_327 : vector<16xi32> to vector<1x16xi32>
      tpu.vector_store %arg10[%swap3A_329, %swap3A_330], %swap3A_333 {strides = array<i32>} : memref<2x128xi32, #tpu.memory_space<vmem>>, vector<1x16xi32>,
      %get3A_334 = arith.index_cast %add3A_223 : i32 to index
      %get3A_335 = arith.constant 80 : index
      %get3A_336 = tpu.vector_load %arg8[%get3A_334, %get3A_335] {strides = array<i32>} : memref<80x128xi32, #tpu.memory_space<vmem>>, vector<1x16xi32>,
      %get3A_337 = vector.shape_cast %get3A_336 : vector<1x16xi32> to vector<16xi32>
      %and3A_338 = arith.constant 65535 : i32
      %and3A_339 = vector.broadcast %and3A_338 : i32 to vector<16xi32>
      %and3A_340 = arith.andi %get3A_337, %and3A_339 : vector<16xi32>
      %swap3A_341 = arith.constant 1 : i32
      %swap3A_342 = arith.index_cast %swap3A_341 : i32 to index
      %swap3A_343 = arith.constant 80 : index
      %swap3A_344 = tpu.vector_load %arg9[%swap3A_342, %swap3A_343] {strides = array<i32>} : memref<2x128xi32, #tpu.memory_space<vmem>>, vector<1x16xi32>,
      %swap3A_345 = vector.shape_cast %swap3A_344 : vector<1x16xi32> to vector<16xi32>
      %swap3A_346 = vector.shape_cast %and3A_340 : vector<16xi32> to vector<1x16xi32>
      tpu.vector_store %arg9[%swap3A_342, %swap3A_343], %swap3A_346 {strides = array<i32>} : memref<2x128xi32, #tpu.memory_space<vmem>>, vector<1x16xi32>,
      %shift_right_logical3A_347 = arith.constant 16 : i32
      %shift_right_logical3A_348 = vector.broadcast %shift_right_logical3A_347 : i32 to vector<16xi32>
      %shift_right_logical3A_349 = arith.shrui %get3A_337, %shift_right_logical3A_348 : vector<16xi32>
      %swap3A_350 = arith.constant 1 : i32
      %swap3A_351 = arith.index_cast %swap3A_350 : i32 to index
      %swap3A_352 = arith.constant 80 : index
      %swap3A_353 = tpu.vector_load %arg10[%swap3A_351, %swap3A_352] {strides = array<i32>} : memref<2x128xi32, #tpu.memory_space<vmem>>, vector<1x16xi32>,
      %swap3A_354 = vector.shape_cast %swap3A_353 : vector<1x16xi32> to vector<16xi32>
      %swap3A_355 = vector.shape_cast %shift_right_logical3A_349 : vector<16xi32> to vector<1x16xi32>
      tpu.vector_store %arg10[%swap3A_351, %swap3A_352], %swap3A_355 {strides = array<i32>} : memref<2x128xi32, #tpu.memory_space<vmem>>, vector<1x16xi32>,
      %get3A_356 = arith.index_cast %add3A_223 : i32 to index
      %get3A_357 = arith.constant 96 : index
      %get3A_358 = tpu.vector_load %arg8[%get3A_356, %get3A_357] {strides = array<i32>} : memref<80x128xi32, #tpu.memory_space<vmem>>, vector<1x16xi32>,
      %get3A_359 = vector.shape_cast %get3A_358 : vector<1x16xi32> to vector<16xi32>
      %and3A_360 = arith.constant 65535 : i32
      %and3A_361 = vector.broadcast %and3A_360 : i32 to vector<16xi32>
      %and3A_362 = arith.andi %get3A_359, %and3A_361 : vector<16xi32>
      %swap3A_363 = arith.constant 1 : i32
      %swap3A_364 = arith.index_cast %swap3A_363 : i32 to index
      %swap3A_365 = arith.constant 96 : index
      %swap3A_366 = tpu.vector_load %arg9[%swap3A_364, %swap3A_365] {strides = array<i32>} : memref<2x128xi32, #tpu.memory_space<vmem>>, vector<1x16xi32>,
      %swap3A_367 = vector.shape_cast %swap3A_366 : vector<1x16xi32> to vector<16xi32>
      %swap3A_368 = vector.shape_cast %and3A_362 : vector<16xi32> to vector<1x16xi32>
      tpu.vector_store %arg9[%swap3A_364, %swap3A_365], %swap3A_368 {strides = array<i32>} : memref<2x128xi32, #tpu.memory_space<vmem>>, vector<1x16xi32>,
      %shift_right_logical3A_369 = arith.constant 16 : i32
      %shift_right_logical3A_370 = vector.broadcast %shift_right_logical3A_369 : i32 to vector<16xi32>
      %shift_right_logical3A_371 = arith.shrui %get3A_359, %shift_right_logical3A_370 : vector<16xi32>
      %swap3A_372 = arith.constant 1 : i32
      %swap3A_373 = arith.index_cast %swap3A_372 : i32 to index
      %swap3A_374 = arith.constant 96 : index
      %swap3A_375 = tpu.vector_load %arg10[%swap3A_373, %swap3A_374] {strides = array<i32>} : memref<2x128xi32, #tpu.memory_space<vmem>>, vector<1x16xi32>,
      %swap3A_376 = vector.shape_cast %swap3A_375 : vector<1x16xi32> to vector<16xi32>
      %swap3A_377 = vector.shape_cast %shift_right_logical3A_371 : vector<16xi32> to vector<1x16xi32>
      tpu.vector_store %arg10[%swap3A_373, %swap3A_374], %swap3A_377 {strides = array<i32>} : memref<2x128xi32, #tpu.memory_space<vmem>>, vector<1x16xi32>,
      %get3A_378 = arith.index_cast %add3A_223 : i32 to index
      %get3A_379 = arith.constant 112 : index
      %get3A_380 = tpu.vector_load %arg8[%get3A_378, %get3A_379] {strides = array<i32>} : memref<80x128xi32, #tpu.memory_space<vmem>>, vector<1x16xi32>,
      %get3A_381 = vector.shape_cast %get3A_380 : vector<1x16xi32> to vector<16xi32>
      %and3A_382 = arith.constant 65535 : i32
      %and3A_383 = vector.broadcast %and3A_382 : i32 to vector<16xi32>
      %and3A_384 = arith.andi %get3A_381, %and3A_383 : vector<16xi32>
      %swap3A_385 = arith.constant 1 : i32
      %swap3A_386 = arith.index_cast %swap3A_385 : i32 to index
      %swap3A_387 = arith.constant 112 : index
      %swap3A_388 = tpu.vector_load %arg9[%swap3A_386, %swap3A_387] {strides = array<i32>} : memref<2x128xi32, #tpu.memory_space<vmem>>, vector<1x16xi32>,
      %swap3A_389 = vector.shape_cast %swap3A_388 : vector<1x16xi32> to vector<16xi32>
      %swap3A_390 = vector.shape_cast %and3A_384 : vector<16xi32> to vector<1x16xi32>
      tpu.vector_store %arg9[%swap3A_386, %swap3A_387], %swap3A_390 {strides = array<i32>} : memref<2x128xi32, #tpu.memory_space<vmem>>, vector<1x16xi32>,
      %shift_right_logical3A_391 = arith.constant 16 : i32
      %shift_right_logical3A_392 = vector.broadcast %shift_right_logical3A_391 : i32 to vector<16xi32>
      %shift_right_logical3A_393 = arith.shrui %get3A_381, %shift_right_logical3A_392 : vector<16xi32>
      %swap3A_394 = arith.constant 1 : i32
      %swap3A_395 = arith.index_cast %swap3A_394 : i32 to index
      %swap3A_396 = arith.constant 112 : index
      %swap3A_397 = tpu.vector_load %arg10[%swap3A_395, %swap3A_396] {strides = array<i32>} : memref<2x128xi32, #tpu.memory_space<vmem>>, vector<1x16xi32>,
      %swap3A_398 = vector.shape_cast %swap3A_397 : vector<1x16xi32> to vector<16xi32>
      %swap3A_399 = vector.shape_cast %shift_right_logical3A_393 : vector<16xi32> to vector<1x16xi32>
      tpu.vector_store %arg10[%swap3A_395, %swap3A_396], %swap3A_399 {strides = array<i32>} : memref<2x128xi32, #tpu.memory_space<vmem>>, vector<1x16xi32>,
      %dma_wait3A = arith.constant 0 : i32
      %dma_wait3A_400 = arith.constant 0 : i32
      %dma_wait3A_401 = tpu.memref_slice %arg9[%dma_wait3A, %dma_wait3A_400] : memref<2x128xi32, #tpu.memory_space<vmem>> -> memref<1x128xi32, #tpu.memory_space<vmem>>
      %dma_wait3A_402 = tpu.memref_squeeze %dma_wait3A_401 : memref<1x128xi32, #tpu.memory_space<vmem>> -> memref<128xi32, #tpu.memory_space<vmem>>
      %dma_wait3A_403 = arith.constant 0 : i32
      %dma_wait3A_404 = arith.constant 0 : i32
      %dma_wait3A_405 = tpu.memref_slice %arg7[%dma_wait3A_403, %dma_wait3A_404] : memref<5120x128xf32, #tpu.memory_space<vmem_shared>> -> memref<5120x128xf32, #tpu.memory_space<vmem_shared>>
      tpu.wait_indirect_dma semaphore(%arg13 : memref<!tpu.dma_semaphore, #tpu.memory_space<semaphore_mem>>) src(%dma_wait3A_405 : memref<5120x128xf32, #tpu.memory_space<vmem_shared>>) dst(%arg11 : memref<128x128xf32, #tpu.memory_space<vmem>>)
      %dma_start3A_406 = arith.constant 1 : i32
      %dma_start3A_407 = arith.constant 0 : i32
      %dma_start3A_408 = tpu.memref_slice %arg9[%dma_start3A_406, %dma_start3A_407] : memref<2x128xi32, #tpu.memory_space<vmem>> -> memref<1x128xi32, #tpu.memory_space<vmem>>
      %dma_start3A_409 = tpu.memref_squeeze %dma_start3A_408 : memref<1x128xi32, #tpu.memory_space<vmem>> -> memref<128xi32, #tpu.memory_space<vmem>>
      %dma_start3A_410 = arith.constant 0 : i32
      %dma_start3A_411 = arith.constant 0 : i32
      %dma_start3A_412 = tpu.memref_slice %arg7[%dma_start3A_410, %dma_start3A_411] : memref<5120x128xf32, #tpu.memory_space<vmem_shared>> -> memref<5120x128xf32, #tpu.memory_space<vmem_shared>>
      tpu.enqueue_indirect_dma source(%dma_start3A_412 : memref<5120x128xf32, #tpu.memory_space<vmem_shared>>) target(%arg12 : memref<128x128xf32, #tpu.memory_space<vmem>>) offsets(%dma_start3A_409 : memref<128xi32, #tpu.memory_space<vmem>>) semaphore(%arg14 : memref<!tpu.dma_semaphore, #tpu.memory_space<semaphore_mem>>)
      %run_scoped3A = arith.constant 0 : i32
      "tpu.region"() ({
        %run_scoped3A_419 = tpu.sem_alloc : memref<!tpu.dma_semaphore, #tpu.memory_space<semaphore_mem>>
        %dma_start3A_420 = arith.constant 0 : i32
        %dma_start3A_421 = tpu.memref_slice %arg10[%run_scoped3A, %dma_start3A_420] : memref<2x128xi32, #tpu.memory_space<vmem>> -> memref<1x128xi32, #tpu.memory_space<vmem>>
        %dma_start3A_422 = tpu.memref_squeeze %dma_start3A_421 : memref<1x128xi32, #tpu.memory_space<vmem>> -> memref<128xi32, #tpu.memory_space<vmem>>
        %dma_start3A_423 = arith.constant 0 : i32
        %dma_start3A_424 = arith.constant 0 : i32
        %dma_start3A_425 = tpu.memref_slice %arg6[%dma_start3A_423, %dma_start3A_424] : memref<5120x128xf32, #tpu.memory_space<vmem_shared>> -> memref<5120x128xf32, #tpu.memory_space<vmem_shared>>
        tpu.enqueue_indirect_dma source(%arg11 : memref<128x128xf32, #tpu.memory_space<vmem>>) target(%dma_start3A_425 : memref<5120x128xf32, #tpu.memory_space<vmem_shared>>) offsets(%dma_start3A_422 : memref<128xi32, #tpu.memory_space<vmem>>) semaphore(%run_scoped3A_419 : memref<!tpu.dma_semaphore, #tpu.memory_space<semaphore_mem>>) {add = true}
        %dma_wait3A_426 = arith.constant 0 : i32
        %dma_wait3A_427 = tpu.memref_slice %arg10[%run_scoped3A, %dma_wait3A_426] : memref<2x128xi32, #tpu.memory_space<vmem>> -> memref<1x128xi32, #tpu.memory_space<vmem>>
        %dma_wait3A_428 = tpu.memref_squeeze %dma_wait3A_427 : memref<1x128xi32, #tpu.memory_space<vmem>> -> memref<128xi32, #tpu.memory_space<vmem>>
        %dma_wait3A_429 = arith.constant 0 : i32
        %dma_wait3A_430 = arith.constant 0 : i32
        %dma_wait3A_431 = tpu.memref_slice %arg6[%dma_wait3A_429, %dma_wait3A_430] : memref<5120x128xf32, #tpu.memory_space<vmem_shared>> -> memref<5120x128xf32, #tpu.memory_space<vmem_shared>>
        tpu.wait_indirect_dma semaphore(%run_scoped3A_419 : memref<!tpu.dma_semaphore, #tpu.memory_space<semaphore_mem>>) src(%arg11 : memref<128x128xf32, #tpu.memory_space<vmem>>) dst(%dma_wait3A_431 : memref<5120x128xf32, #tpu.memory_space<vmem_shared>>)
        tpu.yield
      }) : () -> ()
      %lt3A = arith.constant 39 : i32
      %lt3A_413 = arith.cmpi slt, %scan3A_217, %lt3A : i32
      %convert_element_type3A = arith.extui %lt3A_413 : i1 to i32
      %cond3A = arith.constant 0 : i32
      %cond3A_414 = arith.cmpi ne, %convert_element_type3A, %cond3A : i32
      scf.if %cond3A_414 {
        %add3A_419 = arith.constant 1 : i32
        %add3A_420 = arith.addi %add3A_223, %add3A_419 : i32
        %get3A_421 = arith.index_cast %add3A_420 : i32 to index
        %get3A_422 = arith.constant 0 : index
        %get3A_423 = tpu.vector_load %arg8[%get3A_421, %get3A_422] {strides = array<i32>} : memref<80x128xi32, #tpu.memory_space<vmem>>, vector<1x16xi32>,
        %get3A_424 = vector.shape_cast %get3A_423 : vector<1x16xi32> to vector<16xi32>
        %and3A_425 = arith.constant 65535 : i32
        %and3A_426 = vector.broadcast %and3A_425 : i32 to vector<16xi32>
        %and3A_427 = arith.andi %get3A_424, %and3A_426 : vector<16xi32>
        %swap3A_428 = arith.constant 0 : i32
        %swap3A_429 = arith.index_cast %swap3A_428 : i32 to index
        %swap3A_430 = arith.constant 0 : index
        %swap3A_431 = tpu.vector_load %arg9[%swap3A_429, %swap3A_430] {strides = array<i32>} : memref<2x128xi32, #tpu.memory_space<vmem>>, vector<1x16xi32>,
        %swap3A_432 = vector.shape_cast %swap3A_431 : vector<1x16xi32> to vector<16xi32>
        %swap3A_433 = vector.shape_cast %and3A_427 : vector<16xi32> to vector<1x16xi32>
        tpu.vector_store %arg9[%swap3A_429, %swap3A_430], %swap3A_433 {strides = array<i32>} : memref<2x128xi32, #tpu.memory_space<vmem>>, vector<1x16xi32>,
        %shift_right_logical3A_434 = arith.constant 16 : i32
        %shift_right_logical3A_435 = vector.broadcast %shift_right_logical3A_434 : i32 to vector<16xi32>
        %shift_right_logical3A_436 = arith.shrui %get3A_424, %shift_right_logical3A_435 : vector<16xi32>
        %swap3A_437 = arith.constant 0 : i32
        %swap3A_438 = arith.index_cast %swap3A_437 : i32 to index
        %swap3A_439 = arith.constant 0 : index
        %swap3A_440 = tpu.vector_load %arg10[%swap3A_438, %swap3A_439] {strides = array<i32>} : memref<2x128xi32, #tpu.memory_space<vmem>>, vector<1x16xi32>,
        %swap3A_441 = vector.shape_cast %swap3A_440 : vector<1x16xi32> to vector<16xi32>
        %swap3A_442 = vector.shape_cast %shift_right_logical3A_436 : vector<16xi32> to vector<1x16xi32>
        tpu.vector_store %arg10[%swap3A_438, %swap3A_439], %swap3A_442 {strides = array<i32>} : memref<2x128xi32, #tpu.memory_space<vmem>>, vector<1x16xi32>,
        %get3A_443 = arith.index_cast %add3A_420 : i32 to index
        %get3A_444 = arith.constant 16 : index
        %get3A_445 = tpu.vector_load %arg8[%get3A_443, %get3A_444] {strides = array<i32>} : memref<80x128xi32, #tpu.memory_space<vmem>>, vector<1x16xi32>,
        %get3A_446 = vector.shape_cast %get3A_445 : vector<1x16xi32> to vector<16xi32>
        %and3A_447 = arith.constant 65535 : i32
        %and3A_448 = vector.broadcast %and3A_447 : i32 to vector<16xi32>
        %and3A_449 = arith.andi %get3A_446, %and3A_448 : vector<16xi32>
        %swap3A_450 = arith.constant 0 : i32
        %swap3A_451 = arith.index_cast %swap3A_450 : i32 to index
        %swap3A_452 = arith.constant 16 : index
        %swap3A_453 = tpu.vector_load %arg9[%swap3A_451, %swap3A_452] {strides = array<i32>} : memref<2x128xi32, #tpu.memory_space<vmem>>, vector<1x16xi32>,
        %swap3A_454 = vector.shape_cast %swap3A_453 : vector<1x16xi32> to vector<16xi32>
        %swap3A_455 = vector.shape_cast %and3A_449 : vector<16xi32> to vector<1x16xi32>
        tpu.vector_store %arg9[%swap3A_451, %swap3A_452], %swap3A_455 {strides = array<i32>} : memref<2x128xi32, #tpu.memory_space<vmem>>, vector<1x16xi32>,
        %shift_right_logical3A_456 = arith.constant 16 : i32
        %shift_right_logical3A_457 = vector.broadcast %shift_right_logical3A_456 : i32 to vector<16xi32>
        %shift_right_logical3A_458 = arith.shrui %get3A_446, %shift_right_logical3A_457 : vector<16xi32>
        %swap3A_459 = arith.constant 0 : i32
        %swap3A_460 = arith.index_cast %swap3A_459 : i32 to index
        %swap3A_461 = arith.constant 16 : index
        %swap3A_462 = tpu.vector_load %arg10[%swap3A_460, %swap3A_461] {strides = array<i32>} : memref<2x128xi32, #tpu.memory_space<vmem>>, vector<1x16xi32>,
        %swap3A_463 = vector.shape_cast %swap3A_462 : vector<1x16xi32> to vector<16xi32>
        %swap3A_464 = vector.shape_cast %shift_right_logical3A_458 : vector<16xi32> to vector<1x16xi32>
        tpu.vector_store %arg10[%swap3A_460, %swap3A_461], %swap3A_464 {strides = array<i32>} : memref<2x128xi32, #tpu.memory_space<vmem>>, vector<1x16xi32>,
        %get3A_465 = arith.index_cast %add3A_420 : i32 to index
        %get3A_466 = arith.constant 32 : index
        %get3A_467 = tpu.vector_load %arg8[%get3A_465, %get3A_466] {strides = array<i32>} : memref<80x128xi32, #tpu.memory_space<vmem>>, vector<1x16xi32>,
        %get3A_468 = vector.shape_cast %get3A_467 : vector<1x16xi32> to vector<16xi32>
        %and3A_469 = arith.constant 65535 : i32
        %and3A_470 = vector.broadcast %and3A_469 : i32 to vector<16xi32>
        %and3A_471 = arith.andi %get3A_468, %and3A_470 : vector<16xi32>
        %swap3A_472 = arith.constant 0 : i32
        %swap3A_473 = arith.index_cast %swap3A_472 : i32 to index
        %swap3A_474 = arith.constant 32 : index
        %swap3A_475 = tpu.vector_load %arg9[%swap3A_473, %swap3A_474] {strides = array<i32>} : memref<2x128xi32, #tpu.memory_space<vmem>>, vector<1x16xi32>,
        %swap3A_476 = vector.shape_cast %swap3A_475 : vector<1x16xi32> to vector<16xi32>
        %swap3A_477 = vector.shape_cast %and3A_471 : vector<16xi32> to vector<1x16xi32>
        tpu.vector_store %arg9[%swap3A_473, %swap3A_474], %swap3A_477 {strides = array<i32>} : memref<2x128xi32, #tpu.memory_space<vmem>>, vector<1x16xi32>,
        %shift_right_logical3A_478 = arith.constant 16 : i32
        %shift_right_logical3A_479 = vector.broadcast %shift_right_logical3A_478 : i32 to vector<16xi32>
        %shift_right_logical3A_480 = arith.shrui %get3A_468, %shift_right_logical3A_479 : vector<16xi32>
        %swap3A_481 = arith.constant 0 : i32
        %swap3A_482 = arith.index_cast %swap3A_481 : i32 to index
        %swap3A_483 = arith.constant 32 : index
        %swap3A_484 = tpu.vector_load %arg10[%swap3A_482, %swap3A_483] {strides = array<i32>} : memref<2x128xi32, #tpu.memory_space<vmem>>, vector<1x16xi32>,
        %swap3A_485 = vector.shape_cast %swap3A_484 : vector<1x16xi32> to vector<16xi32>
        %swap3A_486 = vector.shape_cast %shift_right_logical3A_480 : vector<16xi32> to vector<1x16xi32>
        tpu.vector_store %arg10[%swap3A_482, %swap3A_483], %swap3A_486 {strides = array<i32>} : memref<2x128xi32, #tpu.memory_space<vmem>>, vector<1x16xi32>,
        %get3A_487 = arith.index_cast %add3A_420 : i32 to index
        %get3A_488 = arith.constant 48 : index
        %get3A_489 = tpu.vector_load %arg8[%get3A_487, %get3A_488] {strides = array<i32>} : memref<80x128xi32, #tpu.memory_space<vmem>>, vector<1x16xi32>,
        %get3A_490 = vector.shape_cast %get3A_489 : vector<1x16xi32> to vector<16xi32>
        %and3A_491 = arith.constant 65535 : i32
        %and3A_492 = vector.broadcast %and3A_491 : i32 to vector<16xi32>
        %and3A_493 = arith.andi %get3A_490, %and3A_492 : vector<16xi32>
        %swap3A_494 = arith.constant 0 : i32
        %swap3A_495 = arith.index_cast %swap3A_494 : i32 to index
        %swap3A_496 = arith.constant 48 : index
        %swap3A_497 = tpu.vector_load %arg9[%swap3A_495, %swap3A_496] {strides = array<i32>} : memref<2x128xi32, #tpu.memory_space<vmem>>, vector<1x16xi32>,
        %swap3A_498 = vector.shape_cast %swap3A_497 : vector<1x16xi32> to vector<16xi32>
        %swap3A_499 = vector.shape_cast %and3A_493 : vector<16xi32> to vector<1x16xi32>
        tpu.vector_store %arg9[%swap3A_495, %swap3A_496], %swap3A_499 {strides = array<i32>} : memref<2x128xi32, #tpu.memory_space<vmem>>, vector<1x16xi32>,
        %shift_right_logical3A_500 = arith.constant 16 : i32
        %shift_right_logical3A_501 = vector.broadcast %shift_right_logical3A_500 : i32 to vector<16xi32>
        %shift_right_logical3A_502 = arith.shrui %get3A_490, %shift_right_logical3A_501 : vector<16xi32>
        %swap3A_503 = arith.constant 0 : i32
        %swap3A_504 = arith.index_cast %swap3A_503 : i32 to index
        %swap3A_505 = arith.constant 48 : index
        %swap3A_506 = tpu.vector_load %arg10[%swap3A_504, %swap3A_505] {strides = array<i32>} : memref<2x128xi32, #tpu.memory_space<vmem>>, vector<1x16xi32>,
        %swap3A_507 = vector.shape_cast %swap3A_506 : vector<1x16xi32> to vector<16xi32>
        %swap3A_508 = vector.shape_cast %shift_right_logical3A_502 : vector<16xi32> to vector<1x16xi32>
        tpu.vector_store %arg10[%swap3A_504, %swap3A_505], %swap3A_508 {strides = array<i32>} : memref<2x128xi32, #tpu.memory_space<vmem>>, vector<1x16xi32>,
        %get3A_509 = arith.index_cast %add3A_420 : i32 to index
        %get3A_510 = arith.constant 64 : index
        %get3A_511 = tpu.vector_load %arg8[%get3A_509, %get3A_510] {strides = array<i32>} : memref<80x128xi32, #tpu.memory_space<vmem>>, vector<1x16xi32>,
        %get3A_512 = vector.shape_cast %get3A_511 : vector<1x16xi32> to vector<16xi32>
        %and3A_513 = arith.constant 65535 : i32
        %and3A_514 = vector.broadcast %and3A_513 : i32 to vector<16xi32>
        %and3A_515 = arith.andi %get3A_512, %and3A_514 : vector<16xi32>
        %swap3A_516 = arith.constant 0 : i32
        %swap3A_517 = arith.index_cast %swap3A_516 : i32 to index
        %swap3A_518 = arith.constant 64 : index
        %swap3A_519 = tpu.vector_load %arg9[%swap3A_517, %swap3A_518] {strides = array<i32>} : memref<2x128xi32, #tpu.memory_space<vmem>>, vector<1x16xi32>,
        %swap3A_520 = vector.shape_cast %swap3A_519 : vector<1x16xi32> to vector<16xi32>
        %swap3A_521 = vector.shape_cast %and3A_515 : vector<16xi32> to vector<1x16xi32>
        tpu.vector_store %arg9[%swap3A_517, %swap3A_518], %swap3A_521 {strides = array<i32>} : memref<2x128xi32, #tpu.memory_space<vmem>>, vector<1x16xi32>,
        %shift_right_logical3A_522 = arith.constant 16 : i32
        %shift_right_logical3A_523 = vector.broadcast %shift_right_logical3A_522 : i32 to vector<16xi32>
        %shift_right_logical3A_524 = arith.shrui %get3A_512, %shift_right_logical3A_523 : vector<16xi32>
        %swap3A_525 = arith.constant 0 : i32
        %swap3A_526 = arith.index_cast %swap3A_525 : i32 to index
        %swap3A_527 = arith.constant 64 : index
        %swap3A_528 = tpu.vector_load %arg10[%swap3A_526, %swap3A_527] {strides = array<i32>} : memref<2x128xi32, #tpu.memory_space<vmem>>, vector<1x16xi32>,
        %swap3A_529 = vector.shape_cast %swap3A_528 : vector<1x16xi32> to vector<16xi32>
        %swap3A_530 = vector.shape_cast %shift_right_logical3A_524 : vector<16xi32> to vector<1x16xi32>
        tpu.vector_store %arg10[%swap3A_526, %swap3A_527], %swap3A_530 {strides = array<i32>} : memref<2x128xi32, #tpu.memory_space<vmem>>, vector<1x16xi32>,
        %get3A_531 = arith.index_cast %add3A_420 : i32 to index
        %get3A_532 = arith.constant 80 : index
        %get3A_533 = tpu.vector_load %arg8[%get3A_531, %get3A_532] {strides = array<i32>} : memref<80x128xi32, #tpu.memory_space<vmem>>, vector<1x16xi32>,
        %get3A_534 = vector.shape_cast %get3A_533 : vector<1x16xi32> to vector<16xi32>
        %and3A_535 = arith.constant 65535 : i32
        %and3A_536 = vector.broadcast %and3A_535 : i32 to vector<16xi32>
        %and3A_537 = arith.andi %get3A_534, %and3A_536 : vector<16xi32>
        %swap3A_538 = arith.constant 0 : i32
        %swap3A_539 = arith.index_cast %swap3A_538 : i32 to index
        %swap3A_540 = arith.constant 80 : index
        %swap3A_541 = tpu.vector_load %arg9[%swap3A_539, %swap3A_540] {strides = array<i32>} : memref<2x128xi32, #tpu.memory_space<vmem>>, vector<1x16xi32>,
        %swap3A_542 = vector.shape_cast %swap3A_541 : vector<1x16xi32> to vector<16xi32>
        %swap3A_543 = vector.shape_cast %and3A_537 : vector<16xi32> to vector<1x16xi32>
        tpu.vector_store %arg9[%swap3A_539, %swap3A_540], %swap3A_543 {strides = array<i32>} : memref<2x128xi32, #tpu.memory_space<vmem>>, vector<1x16xi32>,
        %shift_right_logical3A_544 = arith.constant 16 : i32
        %shift_right_logical3A_545 = vector.broadcast %shift_right_logical3A_544 : i32 to vector<16xi32>
        %shift_right_logical3A_546 = arith.shrui %get3A_534, %shift_right_logical3A_545 : vector<16xi32>
        %swap3A_547 = arith.constant 0 : i32
        %swap3A_548 = arith.index_cast %swap3A_547 : i32 to index
        %swap3A_549 = arith.constant 80 : index
        %swap3A_550 = tpu.vector_load %arg10[%swap3A_548, %swap3A_549] {strides = array<i32>} : memref<2x128xi32, #tpu.memory_space<vmem>>, vector<1x16xi32>,
        %swap3A_551 = vector.shape_cast %swap3A_550 : vector<1x16xi32> to vector<16xi32>
        %swap3A_552 = vector.shape_cast %shift_right_logical3A_546 : vector<16xi32> to vector<1x16xi32>
        tpu.vector_store %arg10[%swap3A_548, %swap3A_549], %swap3A_552 {strides = array<i32>} : memref<2x128xi32, #tpu.memory_space<vmem>>, vector<1x16xi32>,
        %get3A_553 = arith.index_cast %add3A_420 : i32 to index
        %get3A_554 = arith.constant 96 : index
        %get3A_555 = tpu.vector_load %arg8[%get3A_553, %get3A_554] {strides = array<i32>} : memref<80x128xi32, #tpu.memory_space<vmem>>, vector<1x16xi32>,
        %get3A_556 = vector.shape_cast %get3A_555 : vector<1x16xi32> to vector<16xi32>
        %and3A_557 = arith.constant 65535 : i32
        %and3A_558 = vector.broadcast %and3A_557 : i32 to vector<16xi32>
        %and3A_559 = arith.andi %get3A_556, %and3A_558 : vector<16xi32>
        %swap3A_560 = arith.constant 0 : i32
        %swap3A_561 = arith.index_cast %swap3A_560 : i32 to index
        %swap3A_562 = arith.constant 96 : index
        %swap3A_563 = tpu.vector_load %arg9[%swap3A_561, %swap3A_562] {strides = array<i32>} : memref<2x128xi32, #tpu.memory_space<vmem>>, vector<1x16xi32>,
        %swap3A_564 = vector.shape_cast %swap3A_563 : vector<1x16xi32> to vector<16xi32>
        %swap3A_565 = vector.shape_cast %and3A_559 : vector<16xi32> to vector<1x16xi32>
        tpu.vector_store %arg9[%swap3A_561, %swap3A_562], %swap3A_565 {strides = array<i32>} : memref<2x128xi32, #tpu.memory_space<vmem>>, vector<1x16xi32>,
        %shift_right_logical3A_566 = arith.constant 16 : i32
        %shift_right_logical3A_567 = vector.broadcast %shift_right_logical3A_566 : i32 to vector<16xi32>
        %shift_right_logical3A_568 = arith.shrui %get3A_556, %shift_right_logical3A_567 : vector<16xi32>
        %swap3A_569 = arith.constant 0 : i32
        %swap3A_570 = arith.index_cast %swap3A_569 : i32 to index
        %swap3A_571 = arith.constant 96 : index
        %swap3A_572 = tpu.vector_load %arg10[%swap3A_570, %swap3A_571] {strides = array<i32>} : memref<2x128xi32, #tpu.memory_space<vmem>>, vector<1x16xi32>,
        %swap3A_573 = vector.shape_cast %swap3A_572 : vector<1x16xi32> to vector<16xi32>
        %swap3A_574 = vector.shape_cast %shift_right_logical3A_568 : vector<16xi32> to vector<1x16xi32>
        tpu.vector_store %arg10[%swap3A_570, %swap3A_571], %swap3A_574 {strides = array<i32>} : memref<2x128xi32, #tpu.memory_space<vmem>>, vector<1x16xi32>,
        %get3A_575 = arith.index_cast %add3A_420 : i32 to index
        %get3A_576 = arith.constant 112 : index
        %get3A_577 = tpu.vector_load %arg8[%get3A_575, %get3A_576] {strides = array<i32>} : memref<80x128xi32, #tpu.memory_space<vmem>>, vector<1x16xi32>,
        %get3A_578 = vector.shape_cast %get3A_577 : vector<1x16xi32> to vector<16xi32>
        %and3A_579 = arith.constant 65535 : i32
        %and3A_580 = vector.broadcast %and3A_579 : i32 to vector<16xi32>
        %and3A_581 = arith.andi %get3A_578, %and3A_580 : vector<16xi32>
        %swap3A_582 = arith.constant 0 : i32
        %swap3A_583 = arith.index_cast %swap3A_582 : i32 to index
        %swap3A_584 = arith.constant 112 : index
        %swap3A_585 = tpu.vector_load %arg9[%swap3A_583, %swap3A_584] {strides = array<i32>} : memref<2x128xi32, #tpu.memory_space<vmem>>, vector<1x16xi32>,
        %swap3A_586 = vector.shape_cast %swap3A_585 : vector<1x16xi32> to vector<16xi32>
        %swap3A_587 = vector.shape_cast %and3A_581 : vector<16xi32> to vector<1x16xi32>
        tpu.vector_store %arg9[%swap3A_583, %swap3A_584], %swap3A_587 {strides = array<i32>} : memref<2x128xi32, #tpu.memory_space<vmem>>, vector<1x16xi32>,
        %shift_right_logical3A_588 = arith.constant 16 : i32
        %shift_right_logical3A_589 = vector.broadcast %shift_right_logical3A_588 : i32 to vector<16xi32>
        %shift_right_logical3A_590 = arith.shrui %get3A_578, %shift_right_logical3A_589 : vector<16xi32>
        %swap3A_591 = arith.constant 0 : i32
        %swap3A_592 = arith.index_cast %swap3A_591 : i32 to index
        %swap3A_593 = arith.constant 112 : index
        %swap3A_594 = tpu.vector_load %arg10[%swap3A_592, %swap3A_593] {strides = array<i32>} : memref<2x128xi32, #tpu.memory_space<vmem>>, vector<1x16xi32>,
        %swap3A_595 = vector.shape_cast %swap3A_594 : vector<1x16xi32> to vector<16xi32>
        %swap3A_596 = vector.shape_cast %shift_right_logical3A_590 : vector<16xi32> to vector<1x16xi32>
        tpu.vector_store %arg10[%swap3A_592, %swap3A_593], %swap3A_596 {strides = array<i32>} : memref<2x128xi32, #tpu.memory_space<vmem>>, vector<1x16xi32>,
        %dma_wait3A_597 = arith.constant 1 : i32
        %dma_wait3A_598 = arith.constant 0 : i32
        %dma_wait3A_599 = tpu.memref_slice %arg9[%dma_wait3A_597, %dma_wait3A_598] : memref<2x128xi32, #tpu.memory_space<vmem>> -> memref<1x128xi32, #tpu.memory_space<vmem>>
        %dma_wait3A_600 = tpu.memref_squeeze %dma_wait3A_599 : memref<1x128xi32, #tpu.memory_space<vmem>> -> memref<128xi32, #tpu.memory_space<vmem>>
        %dma_wait3A_601 = arith.constant 0 : i32
        %dma_wait3A_602 = arith.constant 0 : i32
        %dma_wait3A_603 = tpu.memref_slice %arg7[%dma_wait3A_601, %dma_wait3A_602] : memref<5120x128xf32, #tpu.memory_space<vmem_shared>> -> memref<5120x128xf32, #tpu.memory_space<vmem_shared>>
        tpu.wait_indirect_dma semaphore(%arg14 : memref<!tpu.dma_semaphore, #tpu.memory_space<semaphore_mem>>) src(%dma_wait3A_603 : memref<5120x128xf32, #tpu.memory_space<vmem_shared>>) dst(%arg12 : memref<128x128xf32, #tpu.memory_space<vmem>>)
        %dma_start3A_604 = arith.constant 0 : i32
        %dma_start3A_605 = arith.constant 0 : i32
        %dma_start3A_606 = tpu.memref_slice %arg9[%dma_start3A_604, %dma_start3A_605] : memref<2x128xi32, #tpu.memory_space<vmem>> -> memref<1x128xi32, #tpu.memory_space<vmem>>
        %dma_start3A_607 = tpu.memref_squeeze %dma_start3A_606 : memref<1x128xi32, #tpu.memory_space<vmem>> -> memref<128xi32, #tpu.memory_space<vmem>>
        %dma_start3A_608 = arith.constant 0 : i32
        %dma_start3A_609 = arith.constant 0 : i32
        %dma_start3A_610 = tpu.memref_slice %arg7[%dma_start3A_608, %dma_start3A_609] : memref<5120x128xf32, #tpu.memory_space<vmem_shared>> -> memref<5120x128xf32, #tpu.memory_space<vmem_shared>>
        tpu.enqueue_indirect_dma source(%dma_start3A_610 : memref<5120x128xf32, #tpu.memory_space<vmem_shared>>) target(%arg11 : memref<128x128xf32, #tpu.memory_space<vmem>>) offsets(%dma_start3A_607 : memref<128xi32, #tpu.memory_space<vmem>>) semaphore(%arg13 : memref<!tpu.dma_semaphore, #tpu.memory_space<semaphore_mem>>)
        %run_scoped3A_611 = arith.constant 1 : i32
        "tpu.region"() ({
          %run_scoped3A_612 = tpu.sem_alloc : memref<!tpu.dma_semaphore, #tpu.memory_space<semaphore_mem>>
          %dma_start3A_613 = arith.constant 0 : i32
          %dma_start3A_614 = tpu.memref_slice %arg10[%run_scoped3A_611, %dma_start3A_613] : memref<2x128xi32, #tpu.memory_space<vmem>> -> memref<1x128xi32, #tpu.memory_space<vmem>>
          %dma_start3A_615 = tpu.memref_squeeze %dma_start3A_614 : memref<1x128xi32, #tpu.memory_space<vmem>> -> memref<128xi32, #tpu.memory_space<vmem>>
          %dma_start3A_616 = arith.constant 0 : i32
          %dma_start3A_617 = arith.constant 0 : i32
          %dma_start3A_618 = tpu.memref_slice %arg6[%dma_start3A_616, %dma_start3A_617] : memref<5120x128xf32, #tpu.memory_space<vmem_shared>> -> memref<5120x128xf32, #tpu.memory_space<vmem_shared>>
          tpu.enqueue_indirect_dma source(%arg12 : memref<128x128xf32, #tpu.memory_space<vmem>>) target(%dma_start3A_618 : memref<5120x128xf32, #tpu.memory_space<vmem_shared>>) offsets(%dma_start3A_615 : memref<128xi32, #tpu.memory_space<vmem>>) semaphore(%run_scoped3A_612 : memref<!tpu.dma_semaphore, #tpu.memory_space<semaphore_mem>>) {add = true}
          %dma_wait3A_619 = arith.constant 0 : i32
          %dma_wait3A_620 = tpu.memref_slice %arg10[%run_scoped3A_611, %dma_wait3A_619] : memref<2x128xi32, #tpu.memory_space<vmem>> -> memref<1x128xi32, #tpu.memory_space<vmem>>
          %dma_wait3A_621 = tpu.memref_squeeze %dma_wait3A_620 : memref<1x128xi32, #tpu.memory_space<vmem>> -> memref<128xi32, #tpu.memory_space<vmem>>
          %dma_wait3A_622 = arith.constant 0 : i32
          %dma_wait3A_623 = arith.constant 0 : i32
          %dma_wait3A_624 = tpu.memref_slice %arg6[%dma_wait3A_622, %dma_wait3A_623] : memref<5120x128xf32, #tpu.memory_space<vmem_shared>> -> memref<5120x128xf32, #tpu.memory_space<vmem_shared>>
          tpu.wait_indirect_dma semaphore(%run_scoped3A_612 : memref<!tpu.dma_semaphore, #tpu.memory_space<semaphore_mem>>) src(%arg12 : memref<128x128xf32, #tpu.memory_space<vmem>>) dst(%dma_wait3A_624 : memref<5120x128xf32, #tpu.memory_space<vmem_shared>>)
          tpu.yield
        }) : () -> ()
      } else {
      }
      %eq3A = arith.constant 39 : i32
      %eq3A_415 = arith.cmpi eq, %scan3A_217, %eq3A : i32
      %convert_element_type3A_416 = arith.extui %eq3A_415 : i1 to i32
      %cond3A_417 = arith.constant 0 : i32
      %cond3A_418 = arith.cmpi ne, %convert_element_type3A_416, %cond3A_417 : i32
      scf.if %cond3A_418 {
        %dma_wait3A_419 = arith.constant 1 : i32
        %dma_wait3A_420 = arith.constant 0 : i32
        %dma_wait3A_421 = tpu.memref_slice %arg9[%dma_wait3A_419, %dma_wait3A_420] : memref<2x128xi32, #tpu.memory_space<vmem>> -> memref<1x128xi32, #tpu.memory_space<vmem>>
        %dma_wait3A_422 = tpu.memref_squeeze %dma_wait3A_421 : memref<1x128xi32, #tpu.memory_space<vmem>> -> memref<128xi32, #tpu.memory_space<vmem>>
        %dma_wait3A_423 = arith.constant 0 : i32
        %dma_wait3A_424 = arith.constant 0 : i32
        %dma_wait3A_425 = tpu.memref_slice %arg7[%dma_wait3A_423, %dma_wait3A_424] : memref<5120x128xf32, #tpu.memory_space<vmem_shared>> -> memref<5120x128xf32, #tpu.memory_space<vmem_shared>>
        tpu.wait_indirect_dma semaphore(%arg14 : memref<!tpu.dma_semaphore, #tpu.memory_space<semaphore_mem>>) src(%dma_wait3A_425 : memref<5120x128xf32, #tpu.memory_space<vmem_shared>>) dst(%arg12 : memref<128x128xf32, #tpu.memory_space<vmem>>)
        %run_scoped3A_426 = arith.constant 1 : i32
        "tpu.region"() ({
          %run_scoped3A_427 = tpu.sem_alloc : memref<!tpu.dma_semaphore, #tpu.memory_space<semaphore_mem>>
          %dma_start3A_428 = arith.constant 0 : i32
          %dma_start3A_429 = tpu.memref_slice %arg10[%run_scoped3A_426, %dma_start3A_428] : memref<2x128xi32, #tpu.memory_space<vmem>> -> memref<1x128xi32, #tpu.memory_space<vmem>>
          %dma_start3A_430 = tpu.memref_squeeze %dma_start3A_429 : memref<1x128xi32, #tpu.memory_space<vmem>> -> memref<128xi32, #tpu.memory_space<vmem>>
          %dma_start3A_431 = arith.constant 0 : i32
          %dma_start3A_432 = arith.constant 0 : i32
          %dma_start3A_433 = tpu.memref_slice %arg6[%dma_start3A_431, %dma_start3A_432] : memref<5120x128xf32, #tpu.memory_space<vmem_shared>> -> memref<5120x128xf32, #tpu.memory_space<vmem_shared>>
          tpu.enqueue_indirect_dma source(%arg12 : memref<128x128xf32, #tpu.memory_space<vmem>>) target(%dma_start3A_433 : memref<5120x128xf32, #tpu.memory_space<vmem_shared>>) offsets(%dma_start3A_430 : memref<128xi32, #tpu.memory_space<vmem>>) semaphore(%run_scoped3A_427 : memref<!tpu.dma_semaphore, #tpu.memory_space<semaphore_mem>>) {add = true}
          %dma_wait3A_434 = arith.constant 0 : i32
          %dma_wait3A_435 = tpu.memref_slice %arg10[%run_scoped3A_426, %dma_wait3A_434] : memref<2x128xi32, #tpu.memory_space<vmem>> -> memref<1x128xi32, #tpu.memory_space<vmem>>
          %dma_wait3A_436 = tpu.memref_squeeze %dma_wait3A_435 : memref<1x128xi32, #tpu.memory_space<vmem>> -> memref<128xi32, #tpu.memory_space<vmem>>
          %dma_wait3A_437 = arith.constant 0 : i32
          %dma_wait3A_438 = arith.constant 0 : i32
          %dma_wait3A_439 = tpu.memref_slice %arg6[%dma_wait3A_437, %dma_wait3A_438] : memref<5120x128xf32, #tpu.memory_space<vmem_shared>> -> memref<5120x128xf32, #tpu.memory_space<vmem_shared>>
          tpu.wait_indirect_dma semaphore(%run_scoped3A_427 : memref<!tpu.dma_semaphore, #tpu.memory_space<semaphore_mem>>) src(%arg12 : memref<128x128xf32, #tpu.memory_space<vmem>>) dst(%dma_wait3A_439 : memref<5120x128xf32, #tpu.memory_space<vmem_shared>>)
          tpu.yield
        }) : () -> ()
      } else {
      }
    }
    %scan3A_215 = arith.constant 40 : i32
    %barrier3A_216 = arith.constant 0 : index
    tpu.barrier barrier_id(%barrier3A_216)
    "tpu.region"() ({
      %run_scoped3A = tpu.sem_alloc : memref<!tpu.dma_semaphore, #tpu.memory_space<semaphore_mem>>
      %dma_start3A_217 = arith.constant 0 : i32
      %dma_start3A_218 = tpu.memref_slice %arg5[%arg0, %mul3A_4, %dma_start3A_217] : memref<2x5120x128xf32, #tpu.memory_space<hbm>> -> memref<1x320x128xf32, #tpu.memory_space<hbm>>
      %dma_start3A_219 = tpu.memref_squeeze %dma_start3A_218 : memref<1x320x128xf32, #tpu.memory_space<hbm>> -> memref<320x128xf32, #tpu.memory_space<hbm>>
      %dma_start3A_220 = arith.constant 0 : i32
      %dma_start3A_221 = tpu.memref_slice %arg6[%mul3A_4, %dma_start3A_220] : memref<5120x128xf32, #tpu.memory_space<vmem_shared>> -> memref<320x128xf32, #tpu.memory_space<vmem_shared>>
      tpu.enqueue_dma source(%dma_start3A_221 : memref<320x128xf32, #tpu.memory_space<vmem_shared>>) target(%dma_start3A_219 : memref<320x128xf32, #tpu.memory_space<hbm>>) target_semaphore(%run_scoped3A : memref<!tpu.dma_semaphore, #tpu.memory_space<semaphore_mem>>)
      %dma_wait3A = arith.constant 0 : i32
      %dma_wait3A_222 = tpu.memref_slice %arg5[%arg0, %mul3A_4, %dma_wait3A] : memref<2x5120x128xf32, #tpu.memory_space<hbm>> -> memref<1x320x128xf32, #tpu.memory_space<hbm>>
      %dma_wait3A_223 = tpu.memref_squeeze %dma_wait3A_222 : memref<1x320x128xf32, #tpu.memory_space<hbm>> -> memref<320x128xf32, #tpu.memory_space<hbm>>
      %dma_wait3A_224 = arith.constant 0 : i32
      %dma_wait3A_225 = tpu.memref_slice %arg6[%mul3A_4, %dma_wait3A_224] : memref<5120x128xf32, #tpu.memory_space<vmem_shared>> -> memref<320x128xf32, #tpu.memory_space<vmem_shared>>
      tpu.wait_dma2 semaphore(%run_scoped3A : memref<!tpu.dma_semaphore, #tpu.memory_space<semaphore_mem>>) src(%dma_wait3A_225 : memref<320x128xf32, #tpu.memory_space<vmem_shared>>) dst(%dma_wait3A_223 : memref<320x128xf32, #tpu.memory_space<hbm>>)
      tpu.yield
    }) : () -> ()
    return
  }
}

#map = affine_map<(d0, d1) -> (0, 0)>
#map1 = affine_map<(d0, d1) -> (0, 0, 0)>
module attributes {stable_mosaic.version = 14 : i64} {
  func.func @sc_degree(%arg0: i32, %arg1: i32, %arg2: memref<2560x128xi32, #tpu.memory_space<hbm>>, %arg3: memref<128x128xf32, #tpu.memory_space<hbm>>, %arg4: memref<80x128xf32, #tpu.memory_space<hbm>>, %arg5: memref<2x5120x128xf32, #tpu.memory_space<hbm>>, %arg6: memref<5120x128xf32, #tpu.memory_space<vmem_shared>>, %arg7: memref<80x128xi32, #tpu.memory_space<vmem>>, %arg8: memref<128x128xf32, #tpu.memory_space<vmem>>, %arg9: memref<80x128xf32, #tpu.memory_space<vmem>>, %arg10: memref<!tpu.dma_semaphore, #tpu.memory_space<semaphore_mem>>) attributes {dimension_semantics = [#tpu.dimension_semantics<core_parallel>, #tpu.dimension_semantics<subcore_parallel>], iteration_bounds = array<i64: 2, 16>, scalar_prefetch = 0 : i64, scratch_operands = 5 : i64, tpu.core_type = #tpu.core_type<sc_vector_subcore>, window_params = [{transform_indices = #map}, {transform_indices = #map}, {transform_indices = #map}, {transform_indices = #map1}]} {
    %mul3A = arith.constant 2 : i32
    %mul3A_0 = arith.muli %arg1, %mul3A : i32
    %add3A = arith.addi %mul3A_0, %arg0 : i32
    %mul3A_1 = arith.constant 80 : i32
    %mul3A_2 = arith.muli %add3A, %mul3A_1 : i32
    "tpu.region"() ({
      %run_scoped3A = tpu.sem_alloc : memref<!tpu.dma_semaphore, #tpu.memory_space<semaphore_mem>>
      %dma_start3A = arith.constant 0 : i32
      %dma_start3A_29 = tpu.memref_slice %arg2[%mul3A_2, %dma_start3A] : memref<2560x128xi32, #tpu.memory_space<hbm>> -> memref<80x128xi32, #tpu.memory_space<hbm>>
      %dma_start3A_30 = arith.constant 0 : i32
      %dma_start3A_31 = tpu.memref_slice %arg2[%mul3A_2, %dma_start3A_30] : memref<2560x128xi32, #tpu.memory_space<hbm>> -> memref<80x128xi32, #tpu.memory_space<hbm>>
      tpu.enqueue_dma source(%dma_start3A_31 : memref<80x128xi32, #tpu.memory_space<hbm>>) target(%arg7 : memref<80x128xi32, #tpu.memory_space<vmem>>) target_semaphore(%run_scoped3A : memref<!tpu.dma_semaphore, #tpu.memory_space<semaphore_mem>>)
      %dma_wait3A = arith.constant 0 : i32
      %dma_wait3A_32 = tpu.memref_slice %arg2[%mul3A_2, %dma_wait3A] : memref<2560x128xi32, #tpu.memory_space<hbm>> -> memref<80x128xi32, #tpu.memory_space<hbm>>
      %dma_wait3A_33 = arith.constant 0 : i32
      %dma_wait3A_34 = tpu.memref_slice %arg2[%mul3A_2, %dma_wait3A_33] : memref<2560x128xi32, #tpu.memory_space<hbm>> -> memref<80x128xi32, #tpu.memory_space<hbm>>
      tpu.wait_dma2 semaphore(%run_scoped3A : memref<!tpu.dma_semaphore, #tpu.memory_space<semaphore_mem>>) src(%dma_wait3A_34 : memref<80x128xi32, #tpu.memory_space<hbm>>) dst(%arg7 : memref<80x128xi32, #tpu.memory_space<vmem>>)
      tpu.yield
    }) : () -> ()
    "tpu.region"() ({
      %run_scoped3A = tpu.sem_alloc : memref<!tpu.dma_semaphore, #tpu.memory_space<semaphore_mem>>
      tpu.enqueue_dma source(%arg3 : memref<128x128xf32, #tpu.memory_space<hbm>>) target(%arg8 : memref<128x128xf32, #tpu.memory_space<vmem>>) target_semaphore(%run_scoped3A : memref<!tpu.dma_semaphore, #tpu.memory_space<semaphore_mem>>)
      tpu.wait_dma2 semaphore(%run_scoped3A : memref<!tpu.dma_semaphore, #tpu.memory_space<semaphore_mem>>) src(%arg3 : memref<128x128xf32, #tpu.memory_space<hbm>>) dst(%arg8 : memref<128x128xf32, #tpu.memory_space<vmem>>)
      tpu.yield
    }) : () -> ()
    "tpu.region"() ({
      %run_scoped3A = tpu.sem_alloc : memref<!tpu.dma_semaphore, #tpu.memory_space<semaphore_mem>>
      tpu.enqueue_dma source(%arg4 : memref<80x128xf32, #tpu.memory_space<hbm>>) target(%arg9 : memref<80x128xf32, #tpu.memory_space<vmem>>) target_semaphore(%run_scoped3A : memref<!tpu.dma_semaphore, #tpu.memory_space<semaphore_mem>>)
      tpu.wait_dma2 semaphore(%run_scoped3A : memref<!tpu.dma_semaphore, #tpu.memory_space<semaphore_mem>>) src(%arg4 : memref<80x128xf32, #tpu.memory_space<hbm>>) dst(%arg9 : memref<80x128xf32, #tpu.memory_space<vmem>>)
      tpu.yield
    }) : () -> ()
    %mul3A_3 = arith.constant 320 : i32
    %mul3A_4 = arith.muli %arg1, %mul3A_3 : i32
    %add3A_5 = arith.constant 0 : i32
    %add3A_6 = arith.addi %mul3A_4, %add3A_5 : i32
    "tpu.region"() ({
      %run_scoped3A = tpu.sem_alloc : memref<!tpu.dma_semaphore, #tpu.memory_space<semaphore_mem>>
      %dma_start3A = arith.constant 0 : i32
      %dma_start3A_29 = tpu.memref_slice %arg6[%add3A_6, %dma_start3A] : memref<5120x128xf32, #tpu.memory_space<vmem_shared>> -> memref<80x128xf32, #tpu.memory_space<vmem_shared>>
      %dma_start3A_30 = arith.constant 0 : i32
      %dma_start3A_31 = tpu.memref_slice %arg6[%add3A_6, %dma_start3A_30] : memref<5120x128xf32, #tpu.memory_space<vmem_shared>> -> memref<80x128xf32, #tpu.memory_space<vmem_shared>>
      tpu.enqueue_dma source(%arg9 : memref<80x128xf32, #tpu.memory_space<vmem>>) target(%dma_start3A_31 : memref<80x128xf32, #tpu.memory_space<vmem_shared>>) target_semaphore(%run_scoped3A : memref<!tpu.dma_semaphore, #tpu.memory_space<semaphore_mem>>)
      %dma_wait3A = arith.constant 0 : i32
      %dma_wait3A_32 = tpu.memref_slice %arg6[%add3A_6, %dma_wait3A] : memref<5120x128xf32, #tpu.memory_space<vmem_shared>> -> memref<80x128xf32, #tpu.memory_space<vmem_shared>>
      %dma_wait3A_33 = arith.constant 0 : i32
      %dma_wait3A_34 = tpu.memref_slice %arg6[%add3A_6, %dma_wait3A_33] : memref<5120x128xf32, #tpu.memory_space<vmem_shared>> -> memref<80x128xf32, #tpu.memory_space<vmem_shared>>
      tpu.wait_dma2 semaphore(%run_scoped3A : memref<!tpu.dma_semaphore, #tpu.memory_space<semaphore_mem>>) src(%arg9 : memref<80x128xf32, #tpu.memory_space<vmem>>) dst(%dma_wait3A_34 : memref<80x128xf32, #tpu.memory_space<vmem_shared>>)
      tpu.yield
    }) : () -> ()
    %mul3A_7 = arith.constant 320 : i32
    %mul3A_8 = arith.muli %arg1, %mul3A_7 : i32
    %add3A_9 = arith.constant 80 : i32
    %add3A_10 = arith.addi %mul3A_8, %add3A_9 : i32
    "tpu.region"() ({
      %run_scoped3A = tpu.sem_alloc : memref<!tpu.dma_semaphore, #tpu.memory_space<semaphore_mem>>
      %dma_start3A = arith.constant 0 : i32
      %dma_start3A_29 = tpu.memref_slice %arg6[%add3A_10, %dma_start3A] : memref<5120x128xf32, #tpu.memory_space<vmem_shared>> -> memref<80x128xf32, #tpu.memory_space<vmem_shared>>
      %dma_start3A_30 = arith.constant 0 : i32
      %dma_start3A_31 = tpu.memref_slice %arg6[%add3A_10, %dma_start3A_30] : memref<5120x128xf32, #tpu.memory_space<vmem_shared>> -> memref<80x128xf32, #tpu.memory_space<vmem_shared>>
      tpu.enqueue_dma source(%arg9 : memref<80x128xf32, #tpu.memory_space<vmem>>) target(%dma_start3A_31 : memref<80x128xf32, #tpu.memory_space<vmem_shared>>) target_semaphore(%run_scoped3A : memref<!tpu.dma_semaphore, #tpu.memory_space<semaphore_mem>>)
      %dma_wait3A = arith.constant 0 : i32
      %dma_wait3A_32 = tpu.memref_slice %arg6[%add3A_10, %dma_wait3A] : memref<5120x128xf32, #tpu.memory_space<vmem_shared>> -> memref<80x128xf32, #tpu.memory_space<vmem_shared>>
      %dma_wait3A_33 = arith.constant 0 : i32
      %dma_wait3A_34 = tpu.memref_slice %arg6[%add3A_10, %dma_wait3A_33] : memref<5120x128xf32, #tpu.memory_space<vmem_shared>> -> memref<80x128xf32, #tpu.memory_space<vmem_shared>>
      tpu.wait_dma2 semaphore(%run_scoped3A : memref<!tpu.dma_semaphore, #tpu.memory_space<semaphore_mem>>) src(%arg9 : memref<80x128xf32, #tpu.memory_space<vmem>>) dst(%dma_wait3A_34 : memref<80x128xf32, #tpu.memory_space<vmem_shared>>)
      tpu.yield
    }) : () -> ()
    %mul3A_11 = arith.constant 320 : i32
    %mul3A_12 = arith.muli %arg1, %mul3A_11 : i32
    %add3A_13 = arith.constant 160 : i32
    %add3A_14 = arith.addi %mul3A_12, %add3A_13 : i32
    "tpu.region"() ({
      %run_scoped3A = tpu.sem_alloc : memref<!tpu.dma_semaphore, #tpu.memory_space<semaphore_mem>>
      %dma_start3A = arith.constant 0 : i32
      %dma_start3A_29 = tpu.memref_slice %arg6[%add3A_14, %dma_start3A] : memref<5120x128xf32, #tpu.memory_space<vmem_shared>> -> memref<80x128xf32, #tpu.memory_space<vmem_shared>>
      %dma_start3A_30 = arith.constant 0 : i32
      %dma_start3A_31 = tpu.memref_slice %arg6[%add3A_14, %dma_start3A_30] : memref<5120x128xf32, #tpu.memory_space<vmem_shared>> -> memref<80x128xf32, #tpu.memory_space<vmem_shared>>
      tpu.enqueue_dma source(%arg9 : memref<80x128xf32, #tpu.memory_space<vmem>>) target(%dma_start3A_31 : memref<80x128xf32, #tpu.memory_space<vmem_shared>>) target_semaphore(%run_scoped3A : memref<!tpu.dma_semaphore, #tpu.memory_space<semaphore_mem>>)
      %dma_wait3A = arith.constant 0 : i32
      %dma_wait3A_32 = tpu.memref_slice %arg6[%add3A_14, %dma_wait3A] : memref<5120x128xf32, #tpu.memory_space<vmem_shared>> -> memref<80x128xf32, #tpu.memory_space<vmem_shared>>
      %dma_wait3A_33 = arith.constant 0 : i32
      %dma_wait3A_34 = tpu.memref_slice %arg6[%add3A_14, %dma_wait3A_33] : memref<5120x128xf32, #tpu.memory_space<vmem_shared>> -> memref<80x128xf32, #tpu.memory_space<vmem_shared>>
      tpu.wait_dma2 semaphore(%run_scoped3A : memref<!tpu.dma_semaphore, #tpu.memory_space<semaphore_mem>>) src(%arg9 : memref<80x128xf32, #tpu.memory_space<vmem>>) dst(%dma_wait3A_34 : memref<80x128xf32, #tpu.memory_space<vmem_shared>>)
      tpu.yield
    }) : () -> ()
    %mul3A_15 = arith.constant 320 : i32
    %mul3A_16 = arith.muli %arg1, %mul3A_15 : i32
    %add3A_17 = arith.constant 240 : i32
    %add3A_18 = arith.addi %mul3A_16, %add3A_17 : i32
    "tpu.region"() ({
      %run_scoped3A = tpu.sem_alloc : memref<!tpu.dma_semaphore, #tpu.memory_space<semaphore_mem>>
      %dma_start3A = arith.constant 0 : i32
      %dma_start3A_29 = tpu.memref_slice %arg6[%add3A_18, %dma_start3A] : memref<5120x128xf32, #tpu.memory_space<vmem_shared>> -> memref<80x128xf32, #tpu.memory_space<vmem_shared>>
      %dma_start3A_30 = arith.constant 0 : i32
      %dma_start3A_31 = tpu.memref_slice %arg6[%add3A_18, %dma_start3A_30] : memref<5120x128xf32, #tpu.memory_space<vmem_shared>> -> memref<80x128xf32, #tpu.memory_space<vmem_shared>>
      tpu.enqueue_dma source(%arg9 : memref<80x128xf32, #tpu.memory_space<vmem>>) target(%dma_start3A_31 : memref<80x128xf32, #tpu.memory_space<vmem_shared>>) target_semaphore(%run_scoped3A : memref<!tpu.dma_semaphore, #tpu.memory_space<semaphore_mem>>)
      %dma_wait3A = arith.constant 0 : i32
      %dma_wait3A_32 = tpu.memref_slice %arg6[%add3A_18, %dma_wait3A] : memref<5120x128xf32, #tpu.memory_space<vmem_shared>> -> memref<80x128xf32, #tpu.memory_space<vmem_shared>>
      %dma_wait3A_33 = arith.constant 0 : i32
      %dma_wait3A_34 = tpu.memref_slice %arg6[%add3A_18, %dma_wait3A_33] : memref<5120x128xf32, #tpu.memory_space<vmem_shared>> -> memref<80x128xf32, #tpu.memory_space<vmem_shared>>
      tpu.wait_dma2 semaphore(%run_scoped3A : memref<!tpu.dma_semaphore, #tpu.memory_space<semaphore_mem>>) src(%arg9 : memref<80x128xf32, #tpu.memory_space<vmem>>) dst(%dma_wait3A_34 : memref<80x128xf32, #tpu.memory_space<vmem_shared>>)
      tpu.yield
    }) : () -> ()
    %barrier3A = arith.constant 0 : index
    tpu.barrier barrier_id(%barrier3A)
    %scan3A = arith.constant 0 : i32
    %scan3A_19 = arith.constant 0 : i32
    %scan3A_20 = arith.constant 80 : i32
    %scan3A_21 = arith.addi %scan3A_19, %scan3A_20 : i32
    %scan3A_22 = arith.constant 1 : i32
    scf.for %scan3A_29 = %scan3A_19 to %scan3A_21 step %scan3A_22  : i32 {
      "tpu.region"() ({
        %run_scoped3A = tpu.sem_alloc : memref<!tpu.dma_semaphore, #tpu.memory_space<semaphore_mem>>
        %dma_start3A = arith.constant 0 : i32
        %dma_start3A_30 = tpu.memref_slice %arg7[%scan3A_29, %dma_start3A] : memref<80x128xi32, #tpu.memory_space<vmem>> -> memref<1x128xi32, #tpu.memory_space<vmem>>
        %dma_start3A_31 = tpu.memref_squeeze %dma_start3A_30 : memref<1x128xi32, #tpu.memory_space<vmem>> -> memref<128xi32, #tpu.memory_space<vmem>>
        %dma_start3A_32 = arith.constant 0 : i32
        %dma_start3A_33 = arith.constant 0 : i32
        %dma_start3A_34 = tpu.memref_slice %arg6[%dma_start3A_32, %dma_start3A_33] : memref<5120x128xf32, #tpu.memory_space<vmem_shared>> -> memref<5120x128xf32, #tpu.memory_space<vmem_shared>>
        tpu.enqueue_indirect_dma source(%arg8 : memref<128x128xf32, #tpu.memory_space<vmem>>) target(%dma_start3A_34 : memref<5120x128xf32, #tpu.memory_space<vmem_shared>>) offsets(%dma_start3A_31 : memref<128xi32, #tpu.memory_space<vmem>>) semaphore(%run_scoped3A : memref<!tpu.dma_semaphore, #tpu.memory_space<semaphore_mem>>) {add = true}
        %dma_wait3A = arith.constant 0 : i32
        %dma_wait3A_35 = tpu.memref_slice %arg7[%scan3A_29, %dma_wait3A] : memref<80x128xi32, #tpu.memory_space<vmem>> -> memref<1x128xi32, #tpu.memory_space<vmem>>
        %dma_wait3A_36 = tpu.memref_squeeze %dma_wait3A_35 : memref<1x128xi32, #tpu.memory_space<vmem>> -> memref<128xi32, #tpu.memory_space<vmem>>
        %dma_wait3A_37 = arith.constant 0 : i32
        %dma_wait3A_38 = arith.constant 0 : i32
        %dma_wait3A_39 = tpu.memref_slice %arg6[%dma_wait3A_37, %dma_wait3A_38] : memref<5120x128xf32, #tpu.memory_space<vmem_shared>> -> memref<5120x128xf32, #tpu.memory_space<vmem_shared>>
        tpu.wait_indirect_dma semaphore(%run_scoped3A : memref<!tpu.dma_semaphore, #tpu.memory_space<semaphore_mem>>) src(%arg8 : memref<128x128xf32, #tpu.memory_space<vmem>>) dst(%dma_wait3A_39 : memref<5120x128xf32, #tpu.memory_space<vmem_shared>>)
        tpu.yield
      }) : () -> ()
    }
    %scan3A_23 = arith.constant 80 : i32
    %barrier3A_24 = arith.constant 0 : index
    tpu.barrier barrier_id(%barrier3A_24)
    %mul3A_25 = arith.constant 320 : i32
    %mul3A_26 = arith.muli %arg1, %mul3A_25 : i32
    %mul3A_27 = arith.constant 320 : i32
    %mul3A_28 = arith.muli %arg1, %mul3A_27 : i32
    "tpu.region"() ({
      %run_scoped3A = tpu.sem_alloc : memref<!tpu.dma_semaphore, #tpu.memory_space<semaphore_mem>>
      %dma_start3A = arith.constant 0 : i32
      %dma_start3A_29 = tpu.memref_slice %arg5[%arg0, %mul3A_28, %dma_start3A] : memref<2x5120x128xf32, #tpu.memory_space<hbm>> -> memref<1x320x128xf32, #tpu.memory_space<hbm>>
      %dma_start3A_30 = tpu.memref_squeeze %dma_start3A_29 : memref<1x320x128xf32, #tpu.memory_space<hbm>> -> memref<320x128xf32, #tpu.memory_space<hbm>>
      %dma_start3A_31 = arith.constant 0 : i32
      %dma_start3A_32 = tpu.memref_slice %arg6[%mul3A_26, %dma_start3A_31] : memref<5120x128xf32, #tpu.memory_space<vmem_shared>> -> memref<320x128xf32, #tpu.memory_space<vmem_shared>>
      tpu.enqueue_dma source(%dma_start3A_32 : memref<320x128xf32, #tpu.memory_space<vmem_shared>>) target(%dma_start3A_30 : memref<320x128xf32, #tpu.memory_space<hbm>>) target_semaphore(%run_scoped3A : memref<!tpu.dma_semaphore, #tpu.memory_space<semaphore_mem>>)
      %dma_wait3A = arith.constant 0 : i32
      %dma_wait3A_33 = tpu.memref_slice %arg5[%arg0, %mul3A_28, %dma_wait3A] : memref<2x5120x128xf32, #tpu.memory_space<hbm>> -> memref<1x320x128xf32, #tpu.memory_space<hbm>>
      %dma_wait3A_34 = tpu.memref_squeeze %dma_wait3A_33 : memref<1x320x128xf32, #tpu.memory_space<hbm>> -> memref<320x128xf32, #tpu.memory_space<hbm>>
      %dma_wait3A_35 = arith.constant 0 : i32
      %dma_wait3A_36 = tpu.memref_slice %arg6[%mul3A_26, %dma_wait3A_35] : memref<5120x128xf32, #tpu.memory_space<vmem_shared>> -> memref<320x128xf32, #tpu.memory_space<vmem_shared>>
      tpu.wait_dma2 semaphore(%run_scoped3A : memref<!tpu.dma_semaphore, #tpu.memory_space<semaphore_mem>>) src(%dma_wait3A_36 : memref<320x128xf32, #tpu.memory_space<vmem_shared>>) dst(%dma_wait3A_34 : memref<320x128xf32, #tpu.memory_space<hbm>>)
      tpu.yield
    }) : () -> ()
    return
  }
}

#map = affine_map<(d0, d1) -> (0, 0)>
#map1 = affine_map<(d0, d1) -> (0, 0, 0)>
module attributes {stable_mosaic.version = 14 : i64} {
  func.func @sc_messages(%arg0: i32, %arg1: i32, %arg2: memref<5120x128xf32, #tpu.memory_space<hbm>>, %arg3: memref<2560x128xi32, #tpu.memory_space<hbm>>, %arg4: memref<80x128xf32, #tpu.memory_space<hbm>>, %arg5: memref<2x5120x128xf32, #tpu.memory_space<hbm>>, %arg6: memref<5120x128xf32, #tpu.memory_space<vmem_shared>>, %arg7: memref<5120x128xf32, #tpu.memory_space<vmem_shared>>, %arg8: memref<80x128xi32, #tpu.memory_space<vmem>>, %arg9: memref<2x128xi32, #tpu.memory_space<vmem>>, %arg10: memref<2x128xi32, #tpu.memory_space<vmem>>, %arg11: memref<128x128xf32, #tpu.memory_space<vmem>>, %arg12: memref<128x128xf32, #tpu.memory_space<vmem>>, %arg13: memref<!tpu.dma_semaphore, #tpu.memory_space<semaphore_mem>>, %arg14: memref<!tpu.dma_semaphore, #tpu.memory_space<semaphore_mem>>) attributes {dimension_semantics = [#tpu.dimension_semantics<core_parallel>, #tpu.dimension_semantics<subcore_parallel>], iteration_bounds = array<i64: 2, 16>, scalar_prefetch = 0 : i64, scratch_operands = 9 : i64, tpu.core_type = #tpu.core_type<sc_vector_subcore>, window_params = [{transform_indices = #map}, {transform_indices = #map}, {transform_indices = #map}, {transform_indices = #map1}]} {
    %mul3A = arith.constant 2 : i32
    %mul3A_0 = arith.muli %arg1, %mul3A : i32
    %add3A = arith.addi %mul3A_0, %arg0 : i32
    %mul3A_1 = arith.constant 80 : i32
    %mul3A_2 = arith.muli %add3A, %mul3A_1 : i32
    "tpu.region"() ({
      %run_scoped3A = tpu.sem_alloc : memref<!tpu.dma_semaphore, #tpu.memory_space<semaphore_mem>>
      %dma_start3A_217 = arith.constant 0 : i32
      %dma_start3A_218 = tpu.memref_slice %arg3[%mul3A_2, %dma_start3A_217] : memref<2560x128xi32, #tpu.memory_space<hbm>> -> memref<80x128xi32, #tpu.memory_space<hbm>>
      %dma_start3A_219 = arith.constant 0 : i32
      %dma_start3A_220 = tpu.memref_slice %arg3[%mul3A_2, %dma_start3A_219] : memref<2560x128xi32, #tpu.memory_space<hbm>> -> memref<80x128xi32, #tpu.memory_space<hbm>>
      tpu.enqueue_dma source(%dma_start3A_220 : memref<80x128xi32, #tpu.memory_space<hbm>>) target(%arg8 : memref<80x128xi32, #tpu.memory_space<vmem>>) target_semaphore(%run_scoped3A : memref<!tpu.dma_semaphore, #tpu.memory_space<semaphore_mem>>)
      %dma_wait3A = arith.constant 0 : i32
      %dma_wait3A_221 = tpu.memref_slice %arg3[%mul3A_2, %dma_wait3A] : memref<2560x128xi32, #tpu.memory_space<hbm>> -> memref<80x128xi32, #tpu.memory_space<hbm>>
      %dma_wait3A_222 = arith.constant 0 : i32
      %dma_wait3A_223 = tpu.memref_slice %arg3[%mul3A_2, %dma_wait3A_222] : memref<2560x128xi32, #tpu.memory_space<hbm>> -> memref<80x128xi32, #tpu.memory_space<hbm>>
      tpu.wait_dma2 semaphore(%run_scoped3A : memref<!tpu.dma_semaphore, #tpu.memory_space<semaphore_mem>>) src(%dma_wait3A_223 : memref<80x128xi32, #tpu.memory_space<hbm>>) dst(%arg8 : memref<80x128xi32, #tpu.memory_space<vmem>>)
      tpu.yield
    }) : () -> ()
    %mul3A_3 = arith.constant 320 : i32
    %mul3A_4 = arith.muli %arg1, %mul3A_3 : i32
    "tpu.region"() ({
      %run_scoped3A = tpu.sem_alloc : memref<!tpu.dma_semaphore, #tpu.memory_space<semaphore_mem>>
      %dma_start3A_217 = arith.constant 0 : i32
      %dma_start3A_218 = arith.constant 0 : i32
      %dma_start3A_219 = tpu.memref_slice %arg11[%dma_start3A_217, %dma_start3A_218] : memref<128x128xf32, #tpu.memory_space<vmem>> -> memref<80x128xf32, #tpu.memory_space<vmem>>
      %dma_start3A_220 = arith.constant 0 : i32
      %dma_start3A_221 = arith.constant 0 : i32
      %dma_start3A_222 = tpu.memref_slice %arg11[%dma_start3A_220, %dma_start3A_221] : memref<128x128xf32, #tpu.memory_space<vmem>> -> memref<80x128xf32, #tpu.memory_space<vmem>>
      tpu.enqueue_dma source(%arg4 : memref<80x128xf32, #tpu.memory_space<hbm>>) target(%dma_start3A_222 : memref<80x128xf32, #tpu.memory_space<vmem>>) target_semaphore(%run_scoped3A : memref<!tpu.dma_semaphore, #tpu.memory_space<semaphore_mem>>)
      %dma_wait3A = arith.constant 0 : i32
      %dma_wait3A_223 = arith.constant 0 : i32
      %dma_wait3A_224 = tpu.memref_slice %arg11[%dma_wait3A, %dma_wait3A_223] : memref<128x128xf32, #tpu.memory_space<vmem>> -> memref<80x128xf32, #tpu.memory_space<vmem>>
      %dma_wait3A_225 = arith.constant 0 : i32
      %dma_wait3A_226 = arith.constant 0 : i32
      %dma_wait3A_227 = tpu.memref_slice %arg11[%dma_wait3A_225, %dma_wait3A_226] : memref<128x128xf32, #tpu.memory_space<vmem>> -> memref<80x128xf32, #tpu.memory_space<vmem>>
      tpu.wait_dma2 semaphore(%run_scoped3A : memref<!tpu.dma_semaphore, #tpu.memory_space<semaphore_mem>>) src(%arg4 : memref<80x128xf32, #tpu.memory_space<hbm>>) dst(%dma_wait3A_227 : memref<80x128xf32, #tpu.memory_space<vmem>>)
      tpu.yield
    }) : () -> ()
    %add3A_5 = arith.constant 0 : i32
    %add3A_6 = arith.addi %mul3A_4, %add3A_5 : i32
    "tpu.region"() ({
      %run_scoped3A = tpu.sem_alloc : memref<!tpu.dma_semaphore, #tpu.memory_space<semaphore_mem>>
      %dma_start3A_217 = arith.constant 0 : i32
      %dma_start3A_218 = arith.constant 0 : i32
      %dma_start3A_219 = tpu.memref_slice %arg11[%dma_start3A_217, %dma_start3A_218] : memref<128x128xf32, #tpu.memory_space<vmem>> -> memref<80x128xf32, #tpu.memory_space<vmem>>
      %dma_start3A_220 = arith.constant 0 : i32
      %dma_start3A_221 = tpu.memref_slice %arg6[%add3A_6, %dma_start3A_220] : memref<5120x128xf32, #tpu.memory_space<vmem_shared>> -> memref<80x128xf32, #tpu.memory_space<vmem_shared>>
      %dma_start3A_222 = arith.constant 0 : i32
      %dma_start3A_223 = tpu.memref_slice %arg6[%add3A_6, %dma_start3A_222] : memref<5120x128xf32, #tpu.memory_space<vmem_shared>> -> memref<80x128xf32, #tpu.memory_space<vmem_shared>>
      %dma_start3A_224 = arith.constant 0 : i32
      %dma_start3A_225 = arith.constant 0 : i32
      %dma_start3A_226 = tpu.memref_slice %arg11[%dma_start3A_224, %dma_start3A_225] : memref<128x128xf32, #tpu.memory_space<vmem>> -> memref<80x128xf32, #tpu.memory_space<vmem>>
      tpu.enqueue_dma source(%dma_start3A_226 : memref<80x128xf32, #tpu.memory_space<vmem>>) target(%dma_start3A_223 : memref<80x128xf32, #tpu.memory_space<vmem_shared>>) target_semaphore(%run_scoped3A : memref<!tpu.dma_semaphore, #tpu.memory_space<semaphore_mem>>)
      %dma_wait3A = arith.constant 0 : i32
      %dma_wait3A_227 = arith.constant 0 : i32
      %dma_wait3A_228 = tpu.memref_slice %arg11[%dma_wait3A, %dma_wait3A_227] : memref<128x128xf32, #tpu.memory_space<vmem>> -> memref<80x128xf32, #tpu.memory_space<vmem>>
      %dma_wait3A_229 = arith.constant 0 : i32
      %dma_wait3A_230 = tpu.memref_slice %arg6[%add3A_6, %dma_wait3A_229] : memref<5120x128xf32, #tpu.memory_space<vmem_shared>> -> memref<80x128xf32, #tpu.memory_space<vmem_shared>>
      %dma_wait3A_231 = arith.constant 0 : i32
      %dma_wait3A_232 = tpu.memref_slice %arg6[%add3A_6, %dma_wait3A_231] : memref<5120x128xf32, #tpu.memory_space<vmem_shared>> -> memref<80x128xf32, #tpu.memory_space<vmem_shared>>
      %dma_wait3A_233 = arith.constant 0 : i32
      %dma_wait3A_234 = arith.constant 0 : i32
      %dma_wait3A_235 = tpu.memref_slice %arg11[%dma_wait3A_233, %dma_wait3A_234] : memref<128x128xf32, #tpu.memory_space<vmem>> -> memref<80x128xf32, #tpu.memory_space<vmem>>
      tpu.wait_dma2 semaphore(%run_scoped3A : memref<!tpu.dma_semaphore, #tpu.memory_space<semaphore_mem>>) src(%dma_wait3A_235 : memref<80x128xf32, #tpu.memory_space<vmem>>) dst(%dma_wait3A_232 : memref<80x128xf32, #tpu.memory_space<vmem_shared>>)
      tpu.yield
    }) : () -> ()
    %add3A_7 = arith.constant 80 : i32
    %add3A_8 = arith.addi %mul3A_4, %add3A_7 : i32
    "tpu.region"() ({
      %run_scoped3A = tpu.sem_alloc : memref<!tpu.dma_semaphore, #tpu.memory_space<semaphore_mem>>
      %dma_start3A_217 = arith.constant 0 : i32
      %dma_start3A_218 = arith.constant 0 : i32
      %dma_start3A_219 = tpu.memref_slice %arg11[%dma_start3A_217, %dma_start3A_218] : memref<128x128xf32, #tpu.memory_space<vmem>> -> memref<80x128xf32, #tpu.memory_space<vmem>>
      %dma_start3A_220 = arith.constant 0 : i32
      %dma_start3A_221 = tpu.memref_slice %arg6[%add3A_8, %dma_start3A_220] : memref<5120x128xf32, #tpu.memory_space<vmem_shared>> -> memref<80x128xf32, #tpu.memory_space<vmem_shared>>
      %dma_start3A_222 = arith.constant 0 : i32
      %dma_start3A_223 = tpu.memref_slice %arg6[%add3A_8, %dma_start3A_222] : memref<5120x128xf32, #tpu.memory_space<vmem_shared>> -> memref<80x128xf32, #tpu.memory_space<vmem_shared>>
      %dma_start3A_224 = arith.constant 0 : i32
      %dma_start3A_225 = arith.constant 0 : i32
      %dma_start3A_226 = tpu.memref_slice %arg11[%dma_start3A_224, %dma_start3A_225] : memref<128x128xf32, #tpu.memory_space<vmem>> -> memref<80x128xf32, #tpu.memory_space<vmem>>
      tpu.enqueue_dma source(%dma_start3A_226 : memref<80x128xf32, #tpu.memory_space<vmem>>) target(%dma_start3A_223 : memref<80x128xf32, #tpu.memory_space<vmem_shared>>) target_semaphore(%run_scoped3A : memref<!tpu.dma_semaphore, #tpu.memory_space<semaphore_mem>>)
      %dma_wait3A = arith.constant 0 : i32
      %dma_wait3A_227 = arith.constant 0 : i32
      %dma_wait3A_228 = tpu.memref_slice %arg11[%dma_wait3A, %dma_wait3A_227] : memref<128x128xf32, #tpu.memory_space<vmem>> -> memref<80x128xf32, #tpu.memory_space<vmem>>
      %dma_wait3A_229 = arith.constant 0 : i32
      %dma_wait3A_230 = tpu.memref_slice %arg6[%add3A_8, %dma_wait3A_229] : memref<5120x128xf32, #tpu.memory_space<vmem_shared>> -> memref<80x128xf32, #tpu.memory_space<vmem_shared>>
      %dma_wait3A_231 = arith.constant 0 : i32
      %dma_wait3A_232 = tpu.memref_slice %arg6[%add3A_8, %dma_wait3A_231] : memref<5120x128xf32, #tpu.memory_space<vmem_shared>> -> memref<80x128xf32, #tpu.memory_space<vmem_shared>>
      %dma_wait3A_233 = arith.constant 0 : i32
      %dma_wait3A_234 = arith.constant 0 : i32
      %dma_wait3A_235 = tpu.memref_slice %arg11[%dma_wait3A_233, %dma_wait3A_234] : memref<128x128xf32, #tpu.memory_space<vmem>> -> memref<80x128xf32, #tpu.memory_space<vmem>>
      tpu.wait_dma2 semaphore(%run_scoped3A : memref<!tpu.dma_semaphore, #tpu.memory_space<semaphore_mem>>) src(%dma_wait3A_235 : memref<80x128xf32, #tpu.memory_space<vmem>>) dst(%dma_wait3A_232 : memref<80x128xf32, #tpu.memory_space<vmem_shared>>)
      tpu.yield
    }) : () -> ()
    %add3A_9 = arith.constant 160 : i32
    %add3A_10 = arith.addi %mul3A_4, %add3A_9 : i32
    "tpu.region"() ({
      %run_scoped3A = tpu.sem_alloc : memref<!tpu.dma_semaphore, #tpu.memory_space<semaphore_mem>>
      %dma_start3A_217 = arith.constant 0 : i32
      %dma_start3A_218 = arith.constant 0 : i32
      %dma_start3A_219 = tpu.memref_slice %arg11[%dma_start3A_217, %dma_start3A_218] : memref<128x128xf32, #tpu.memory_space<vmem>> -> memref<80x128xf32, #tpu.memory_space<vmem>>
      %dma_start3A_220 = arith.constant 0 : i32
      %dma_start3A_221 = tpu.memref_slice %arg6[%add3A_10, %dma_start3A_220] : memref<5120x128xf32, #tpu.memory_space<vmem_shared>> -> memref<80x128xf32, #tpu.memory_space<vmem_shared>>
      %dma_start3A_222 = arith.constant 0 : i32
      %dma_start3A_223 = tpu.memref_slice %arg6[%add3A_10, %dma_start3A_222] : memref<5120x128xf32, #tpu.memory_space<vmem_shared>> -> memref<80x128xf32, #tpu.memory_space<vmem_shared>>
      %dma_start3A_224 = arith.constant 0 : i32
      %dma_start3A_225 = arith.constant 0 : i32
      %dma_start3A_226 = tpu.memref_slice %arg11[%dma_start3A_224, %dma_start3A_225] : memref<128x128xf32, #tpu.memory_space<vmem>> -> memref<80x128xf32, #tpu.memory_space<vmem>>
      tpu.enqueue_dma source(%dma_start3A_226 : memref<80x128xf32, #tpu.memory_space<vmem>>) target(%dma_start3A_223 : memref<80x128xf32, #tpu.memory_space<vmem_shared>>) target_semaphore(%run_scoped3A : memref<!tpu.dma_semaphore, #tpu.memory_space<semaphore_mem>>)
      %dma_wait3A = arith.constant 0 : i32
      %dma_wait3A_227 = arith.constant 0 : i32
      %dma_wait3A_228 = tpu.memref_slice %arg11[%dma_wait3A, %dma_wait3A_227] : memref<128x128xf32, #tpu.memory_space<vmem>> -> memref<80x128xf32, #tpu.memory_space<vmem>>
      %dma_wait3A_229 = arith.constant 0 : i32
      %dma_wait3A_230 = tpu.memref_slice %arg6[%add3A_10, %dma_wait3A_229] : memref<5120x128xf32, #tpu.memory_space<vmem_shared>> -> memref<80x128xf32, #tpu.memory_space<vmem_shared>>
      %dma_wait3A_231 = arith.constant 0 : i32
      %dma_wait3A_232 = tpu.memref_slice %arg6[%add3A_10, %dma_wait3A_231] : memref<5120x128xf32, #tpu.memory_space<vmem_shared>> -> memref<80x128xf32, #tpu.memory_space<vmem_shared>>
      %dma_wait3A_233 = arith.constant 0 : i32
      %dma_wait3A_234 = arith.constant 0 : i32
      %dma_wait3A_235 = tpu.memref_slice %arg11[%dma_wait3A_233, %dma_wait3A_234] : memref<128x128xf32, #tpu.memory_space<vmem>> -> memref<80x128xf32, #tpu.memory_space<vmem>>
      tpu.wait_dma2 semaphore(%run_scoped3A : memref<!tpu.dma_semaphore, #tpu.memory_space<semaphore_mem>>) src(%dma_wait3A_235 : memref<80x128xf32, #tpu.memory_space<vmem>>) dst(%dma_wait3A_232 : memref<80x128xf32, #tpu.memory_space<vmem_shared>>)
      tpu.yield
    }) : () -> ()
    %add3A_11 = arith.constant 240 : i32
    %add3A_12 = arith.addi %mul3A_4, %add3A_11 : i32
    "tpu.region"() ({
      %run_scoped3A = tpu.sem_alloc : memref<!tpu.dma_semaphore, #tpu.memory_space<semaphore_mem>>
      %dma_start3A_217 = arith.constant 0 : i32
      %dma_start3A_218 = arith.constant 0 : i32
      %dma_start3A_219 = tpu.memref_slice %arg11[%dma_start3A_217, %dma_start3A_218] : memref<128x128xf32, #tpu.memory_space<vmem>> -> memref<80x128xf32, #tpu.memory_space<vmem>>
      %dma_start3A_220 = arith.constant 0 : i32
      %dma_start3A_221 = tpu.memref_slice %arg6[%add3A_12, %dma_start3A_220] : memref<5120x128xf32, #tpu.memory_space<vmem_shared>> -> memref<80x128xf32, #tpu.memory_space<vmem_shared>>
      %dma_start3A_222 = arith.constant 0 : i32
      %dma_start3A_223 = tpu.memref_slice %arg6[%add3A_12, %dma_start3A_222] : memref<5120x128xf32, #tpu.memory_space<vmem_shared>> -> memref<80x128xf32, #tpu.memory_space<vmem_shared>>
      %dma_start3A_224 = arith.constant 0 : i32
      %dma_start3A_225 = arith.constant 0 : i32
      %dma_start3A_226 = tpu.memref_slice %arg11[%dma_start3A_224, %dma_start3A_225] : memref<128x128xf32, #tpu.memory_space<vmem>> -> memref<80x128xf32, #tpu.memory_space<vmem>>
      tpu.enqueue_dma source(%dma_start3A_226 : memref<80x128xf32, #tpu.memory_space<vmem>>) target(%dma_start3A_223 : memref<80x128xf32, #tpu.memory_space<vmem_shared>>) target_semaphore(%run_scoped3A : memref<!tpu.dma_semaphore, #tpu.memory_space<semaphore_mem>>)
      %dma_wait3A = arith.constant 0 : i32
      %dma_wait3A_227 = arith.constant 0 : i32
      %dma_wait3A_228 = tpu.memref_slice %arg11[%dma_wait3A, %dma_wait3A_227] : memref<128x128xf32, #tpu.memory_space<vmem>> -> memref<80x128xf32, #tpu.memory_space<vmem>>
      %dma_wait3A_229 = arith.constant 0 : i32
      %dma_wait3A_230 = tpu.memref_slice %arg6[%add3A_12, %dma_wait3A_229] : memref<5120x128xf32, #tpu.memory_space<vmem_shared>> -> memref<80x128xf32, #tpu.memory_space<vmem_shared>>
      %dma_wait3A_231 = arith.constant 0 : i32
      %dma_wait3A_232 = tpu.memref_slice %arg6[%add3A_12, %dma_wait3A_231] : memref<5120x128xf32, #tpu.memory_space<vmem_shared>> -> memref<80x128xf32, #tpu.memory_space<vmem_shared>>
      %dma_wait3A_233 = arith.constant 0 : i32
      %dma_wait3A_234 = arith.constant 0 : i32
      %dma_wait3A_235 = tpu.memref_slice %arg11[%dma_wait3A_233, %dma_wait3A_234] : memref<128x128xf32, #tpu.memory_space<vmem>> -> memref<80x128xf32, #tpu.memory_space<vmem>>
      tpu.wait_dma2 semaphore(%run_scoped3A : memref<!tpu.dma_semaphore, #tpu.memory_space<semaphore_mem>>) src(%dma_wait3A_235 : memref<80x128xf32, #tpu.memory_space<vmem>>) dst(%dma_wait3A_232 : memref<80x128xf32, #tpu.memory_space<vmem_shared>>)
      tpu.yield
    }) : () -> ()
    %add3A_13 = arith.constant 0 : i32
    %add3A_14 = arith.addi %mul3A_4, %add3A_13 : i32
    "tpu.region"() ({
      %run_scoped3A = tpu.sem_alloc : memref<!tpu.dma_semaphore, #tpu.memory_space<semaphore_mem>>
      %dma_start3A_217 = arith.constant 0 : i32
      %dma_start3A_218 = arith.constant 0 : i32
      %dma_start3A_219 = tpu.memref_slice %arg11[%dma_start3A_217, %dma_start3A_218] : memref<128x128xf32, #tpu.memory_space<vmem>> -> memref<128x128xf32, #tpu.memory_space<vmem>>
      %dma_start3A_220 = arith.constant 0 : i32
      %dma_start3A_221 = tpu.memref_slice %arg2[%add3A_14, %dma_start3A_220] : memref<5120x128xf32, #tpu.memory_space<hbm>> -> memref<128x128xf32, #tpu.memory_space<hbm>>
      %dma_start3A_222 = arith.constant 0 : i32
      %dma_start3A_223 = arith.constant 0 : i32
      %dma_start3A_224 = tpu.memref_slice %arg11[%dma_start3A_222, %dma_start3A_223] : memref<128x128xf32, #tpu.memory_space<vmem>> -> memref<128x128xf32, #tpu.memory_space<vmem>>
      %dma_start3A_225 = arith.constant 0 : i32
      %dma_start3A_226 = tpu.memref_slice %arg2[%add3A_14, %dma_start3A_225] : memref<5120x128xf32, #tpu.memory_space<hbm>> -> memref<128x128xf32, #tpu.memory_space<hbm>>
      tpu.enqueue_dma source(%dma_start3A_226 : memref<128x128xf32, #tpu.memory_space<hbm>>) target(%dma_start3A_224 : memref<128x128xf32, #tpu.memory_space<vmem>>) target_semaphore(%run_scoped3A : memref<!tpu.dma_semaphore, #tpu.memory_space<semaphore_mem>>)
      %dma_wait3A = arith.constant 0 : i32
      %dma_wait3A_227 = arith.constant 0 : i32
      %dma_wait3A_228 = tpu.memref_slice %arg11[%dma_wait3A, %dma_wait3A_227] : memref<128x128xf32, #tpu.memory_space<vmem>> -> memref<128x128xf32, #tpu.memory_space<vmem>>
      %dma_wait3A_229 = arith.constant 0 : i32
      %dma_wait3A_230 = tpu.memref_slice %arg2[%add3A_14, %dma_wait3A_229] : memref<5120x128xf32, #tpu.memory_space<hbm>> -> memref<128x128xf32, #tpu.memory_space<hbm>>
      %dma_wait3A_231 = arith.constant 0 : i32
      %dma_wait3A_232 = arith.constant 0 : i32
      %dma_wait3A_233 = tpu.memref_slice %arg11[%dma_wait3A_231, %dma_wait3A_232] : memref<128x128xf32, #tpu.memory_space<vmem>> -> memref<128x128xf32, #tpu.memory_space<vmem>>
      %dma_wait3A_234 = arith.constant 0 : i32
      %dma_wait3A_235 = tpu.memref_slice %arg2[%add3A_14, %dma_wait3A_234] : memref<5120x128xf32, #tpu.memory_space<hbm>> -> memref<128x128xf32, #tpu.memory_space<hbm>>
      tpu.wait_dma2 semaphore(%run_scoped3A : memref<!tpu.dma_semaphore, #tpu.memory_space<semaphore_mem>>) src(%dma_wait3A_235 : memref<128x128xf32, #tpu.memory_space<hbm>>) dst(%dma_wait3A_233 : memref<128x128xf32, #tpu.memory_space<vmem>>)
      tpu.yield
    }) : () -> ()
    %add3A_15 = arith.constant 0 : i32
    %add3A_16 = arith.addi %mul3A_4, %add3A_15 : i32
    "tpu.region"() ({
      %run_scoped3A = tpu.sem_alloc : memref<!tpu.dma_semaphore, #tpu.memory_space<semaphore_mem>>
      %dma_start3A_217 = arith.constant 0 : i32
      %dma_start3A_218 = arith.constant 0 : i32
      %dma_start3A_219 = tpu.memref_slice %arg11[%dma_start3A_217, %dma_start3A_218] : memref<128x128xf32, #tpu.memory_space<vmem>> -> memref<128x128xf32, #tpu.memory_space<vmem>>
      %dma_start3A_220 = arith.constant 0 : i32
      %dma_start3A_221 = tpu.memref_slice %arg7[%add3A_16, %dma_start3A_220] : memref<5120x128xf32, #tpu.memory_space<vmem_shared>> -> memref<128x128xf32, #tpu.memory_space<vmem_shared>>
      %dma_start3A_222 = arith.constant 0 : i32
      %dma_start3A_223 = tpu.memref_slice %arg7[%add3A_16, %dma_start3A_222] : memref<5120x128xf32, #tpu.memory_space<vmem_shared>> -> memref<128x128xf32, #tpu.memory_space<vmem_shared>>
      %dma_start3A_224 = arith.constant 0 : i32
      %dma_start3A_225 = arith.constant 0 : i32
      %dma_start3A_226 = tpu.memref_slice %arg11[%dma_start3A_224, %dma_start3A_225] : memref<128x128xf32, #tpu.memory_space<vmem>> -> memref<128x128xf32, #tpu.memory_space<vmem>>
      tpu.enqueue_dma source(%dma_start3A_226 : memref<128x128xf32, #tpu.memory_space<vmem>>) target(%dma_start3A_223 : memref<128x128xf32, #tpu.memory_space<vmem_shared>>) target_semaphore(%run_scoped3A : memref<!tpu.dma_semaphore, #tpu.memory_space<semaphore_mem>>)
      %dma_wait3A = arith.constant 0 : i32
      %dma_wait3A_227 = arith.constant 0 : i32
      %dma_wait3A_228 = tpu.memref_slice %arg11[%dma_wait3A, %dma_wait3A_227] : memref<128x128xf32, #tpu.memory_space<vmem>> -> memref<128x128xf32, #tpu.memory_space<vmem>>
      %dma_wait3A_229 = arith.constant 0 : i32
      %dma_wait3A_230 = tpu.memref_slice %arg7[%add3A_16, %dma_wait3A_229] : memref<5120x128xf32, #tpu.memory_space<vmem_shared>> -> memref<128x128xf32, #tpu.memory_space<vmem_shared>>
      %dma_wait3A_231 = arith.constant 0 : i32
      %dma_wait3A_232 = tpu.memref_slice %arg7[%add3A_16, %dma_wait3A_231] : memref<5120x128xf32, #tpu.memory_space<vmem_shared>> -> memref<128x128xf32, #tpu.memory_space<vmem_shared>>
      %dma_wait3A_233 = arith.constant 0 : i32
      %dma_wait3A_234 = arith.constant 0 : i32
      %dma_wait3A_235 = tpu.memref_slice %arg11[%dma_wait3A_233, %dma_wait3A_234] : memref<128x128xf32, #tpu.memory_space<vmem>> -> memref<128x128xf32, #tpu.memory_space<vmem>>
      tpu.wait_dma2 semaphore(%run_scoped3A : memref<!tpu.dma_semaphore, #tpu.memory_space<semaphore_mem>>) src(%dma_wait3A_235 : memref<128x128xf32, #tpu.memory_space<vmem>>) dst(%dma_wait3A_232 : memref<128x128xf32, #tpu.memory_space<vmem_shared>>)
      tpu.yield
    }) : () -> ()
    %add3A_17 = arith.constant 128 : i32
    %add3A_18 = arith.addi %mul3A_4, %add3A_17 : i32
    "tpu.region"() ({
      %run_scoped3A = tpu.sem_alloc : memref<!tpu.dma_semaphore, #tpu.memory_space<semaphore_mem>>
      %dma_start3A_217 = arith.constant 0 : i32
      %dma_start3A_218 = arith.constant 0 : i32
      %dma_start3A_219 = tpu.memref_slice %arg11[%dma_start3A_217, %dma_start3A_218] : memref<128x128xf32, #tpu.memory_space<vmem>> -> memref<128x128xf32, #tpu.memory_space<vmem>>
      %dma_start3A_220 = arith.constant 0 : i32
      %dma_start3A_221 = tpu.memref_slice %arg2[%add3A_18, %dma_start3A_220] : memref<5120x128xf32, #tpu.memory_space<hbm>> -> memref<128x128xf32, #tpu.memory_space<hbm>>
      %dma_start3A_222 = arith.constant 0 : i32
      %dma_start3A_223 = arith.constant 0 : i32
      %dma_start3A_224 = tpu.memref_slice %arg11[%dma_start3A_222, %dma_start3A_223] : memref<128x128xf32, #tpu.memory_space<vmem>> -> memref<128x128xf32, #tpu.memory_space<vmem>>
      %dma_start3A_225 = arith.constant 0 : i32
      %dma_start3A_226 = tpu.memref_slice %arg2[%add3A_18, %dma_start3A_225] : memref<5120x128xf32, #tpu.memory_space<hbm>> -> memref<128x128xf32, #tpu.memory_space<hbm>>
      tpu.enqueue_dma source(%dma_start3A_226 : memref<128x128xf32, #tpu.memory_space<hbm>>) target(%dma_start3A_224 : memref<128x128xf32, #tpu.memory_space<vmem>>) target_semaphore(%run_scoped3A : memref<!tpu.dma_semaphore, #tpu.memory_space<semaphore_mem>>)
      %dma_wait3A = arith.constant 0 : i32
      %dma_wait3A_227 = arith.constant 0 : i32
      %dma_wait3A_228 = tpu.memref_slice %arg11[%dma_wait3A, %dma_wait3A_227] : memref<128x128xf32, #tpu.memory_space<vmem>> -> memref<128x128xf32, #tpu.memory_space<vmem>>
      %dma_wait3A_229 = arith.constant 0 : i32
      %dma_wait3A_230 = tpu.memref_slice %arg2[%add3A_18, %dma_wait3A_229] : memref<5120x128xf32, #tpu.memory_space<hbm>> -> memref<128x128xf32, #tpu.memory_space<hbm>>
      %dma_wait3A_231 = arith.constant 0 : i32
      %dma_wait3A_232 = arith.constant 0 : i32
      %dma_wait3A_233 = tpu.memref_slice %arg11[%dma_wait3A_231, %dma_wait3A_232] : memref<128x128xf32, #tpu.memory_space<vmem>> -> memref<128x128xf32, #tpu.memory_space<vmem>>
      %dma_wait3A_234 = arith.constant 0 : i32
      %dma_wait3A_235 = tpu.memref_slice %arg2[%add3A_18, %dma_wait3A_234] : memref<5120x128xf32, #tpu.memory_space<hbm>> -> memref<128x128xf32, #tpu.memory_space<hbm>>
      tpu.wait_dma2 semaphore(%run_scoped3A : memref<!tpu.dma_semaphore, #tpu.memory_space<semaphore_mem>>) src(%dma_wait3A_235 : memref<128x128xf32, #tpu.memory_space<hbm>>) dst(%dma_wait3A_233 : memref<128x128xf32, #tpu.memory_space<vmem>>)
      tpu.yield
    }) : () -> ()
    %add3A_19 = arith.constant 128 : i32
    %add3A_20 = arith.addi %mul3A_4, %add3A_19 : i32
    "tpu.region"() ({
      %run_scoped3A = tpu.sem_alloc : memref<!tpu.dma_semaphore, #tpu.memory_space<semaphore_mem>>
      %dma_start3A_217 = arith.constant 0 : i32
      %dma_start3A_218 = arith.constant 0 : i32
      %dma_start3A_219 = tpu.memref_slice %arg11[%dma_start3A_217, %dma_start3A_218] : memref<128x128xf32, #tpu.memory_space<vmem>> -> memref<128x128xf32, #tpu.memory_space<vmem>>
      %dma_start3A_220 = arith.constant 0 : i32
      %dma_start3A_221 = tpu.memref_slice %arg7[%add3A_20, %dma_start3A_220] : memref<5120x128xf32, #tpu.memory_space<vmem_shared>> -> memref<128x128xf32, #tpu.memory_space<vmem_shared>>
      %dma_start3A_222 = arith.constant 0 : i32
      %dma_start3A_223 = tpu.memref_slice %arg7[%add3A_20, %dma_start3A_222] : memref<5120x128xf32, #tpu.memory_space<vmem_shared>> -> memref<128x128xf32, #tpu.memory_space<vmem_shared>>
      %dma_start3A_224 = arith.constant 0 : i32
      %dma_start3A_225 = arith.constant 0 : i32
      %dma_start3A_226 = tpu.memref_slice %arg11[%dma_start3A_224, %dma_start3A_225] : memref<128x128xf32, #tpu.memory_space<vmem>> -> memref<128x128xf32, #tpu.memory_space<vmem>>
      tpu.enqueue_dma source(%dma_start3A_226 : memref<128x128xf32, #tpu.memory_space<vmem>>) target(%dma_start3A_223 : memref<128x128xf32, #tpu.memory_space<vmem_shared>>) target_semaphore(%run_scoped3A : memref<!tpu.dma_semaphore, #tpu.memory_space<semaphore_mem>>)
      %dma_wait3A = arith.constant 0 : i32
      %dma_wait3A_227 = arith.constant 0 : i32
      %dma_wait3A_228 = tpu.memref_slice %arg11[%dma_wait3A, %dma_wait3A_227] : memref<128x128xf32, #tpu.memory_space<vmem>> -> memref<128x128xf32, #tpu.memory_space<vmem>>
      %dma_wait3A_229 = arith.constant 0 : i32
      %dma_wait3A_230 = tpu.memref_slice %arg7[%add3A_20, %dma_wait3A_229] : memref<5120x128xf32, #tpu.memory_space<vmem_shared>> -> memref<128x128xf32, #tpu.memory_space<vmem_shared>>
      %dma_wait3A_231 = arith.constant 0 : i32
      %dma_wait3A_232 = tpu.memref_slice %arg7[%add3A_20, %dma_wait3A_231] : memref<5120x128xf32, #tpu.memory_space<vmem_shared>> -> memref<128x128xf32, #tpu.memory_space<vmem_shared>>
      %dma_wait3A_233 = arith.constant 0 : i32
      %dma_wait3A_234 = arith.constant 0 : i32
      %dma_wait3A_235 = tpu.memref_slice %arg11[%dma_wait3A_233, %dma_wait3A_234] : memref<128x128xf32, #tpu.memory_space<vmem>> -> memref<128x128xf32, #tpu.memory_space<vmem>>
      tpu.wait_dma2 semaphore(%run_scoped3A : memref<!tpu.dma_semaphore, #tpu.memory_space<semaphore_mem>>) src(%dma_wait3A_235 : memref<128x128xf32, #tpu.memory_space<vmem>>) dst(%dma_wait3A_232 : memref<128x128xf32, #tpu.memory_space<vmem_shared>>)
      tpu.yield
    }) : () -> ()
    %add3A_21 = arith.constant 256 : i32
    %add3A_22 = arith.addi %mul3A_4, %add3A_21 : i32
    "tpu.region"() ({
      %run_scoped3A = tpu.sem_alloc : memref<!tpu.dma_semaphore, #tpu.memory_space<semaphore_mem>>
      %dma_start3A_217 = arith.constant 0 : i32
      %dma_start3A_218 = arith.constant 0 : i32
      %dma_start3A_219 = tpu.memref_slice %arg11[%dma_start3A_217, %dma_start3A_218] : memref<128x128xf32, #tpu.memory_space<vmem>> -> memref<64x128xf32, #tpu.memory_space<vmem>>
      %dma_start3A_220 = arith.constant 0 : i32
      %dma_start3A_221 = tpu.memref_slice %arg2[%add3A_22, %dma_start3A_220] : memref<5120x128xf32, #tpu.memory_space<hbm>> -> memref<64x128xf32, #tpu.memory_space<hbm>>
      %dma_start3A_222 = arith.constant 0 : i32
      %dma_start3A_223 = arith.constant 0 : i32
      %dma_start3A_224 = tpu.memref_slice %arg11[%dma_start3A_222, %dma_start3A_223] : memref<128x128xf32, #tpu.memory_space<vmem>> -> memref<64x128xf32, #tpu.memory_space<vmem>>
      %dma_start3A_225 = arith.constant 0 : i32
      %dma_start3A_226 = tpu.memref_slice %arg2[%add3A_22, %dma_start3A_225] : memref<5120x128xf32, #tpu.memory_space<hbm>> -> memref<64x128xf32, #tpu.memory_space<hbm>>
      tpu.enqueue_dma source(%dma_start3A_226 : memref<64x128xf32, #tpu.memory_space<hbm>>) target(%dma_start3A_224 : memref<64x128xf32, #tpu.memory_space<vmem>>) target_semaphore(%run_scoped3A : memref<!tpu.dma_semaphore, #tpu.memory_space<semaphore_mem>>)
      %dma_wait3A = arith.constant 0 : i32
      %dma_wait3A_227 = arith.constant 0 : i32
      %dma_wait3A_228 = tpu.memref_slice %arg11[%dma_wait3A, %dma_wait3A_227] : memref<128x128xf32, #tpu.memory_space<vmem>> -> memref<64x128xf32, #tpu.memory_space<vmem>>
      %dma_wait3A_229 = arith.constant 0 : i32
      %dma_wait3A_230 = tpu.memref_slice %arg2[%add3A_22, %dma_wait3A_229] : memref<5120x128xf32, #tpu.memory_space<hbm>> -> memref<64x128xf32, #tpu.memory_space<hbm>>
      %dma_wait3A_231 = arith.constant 0 : i32
      %dma_wait3A_232 = arith.constant 0 : i32
      %dma_wait3A_233 = tpu.memref_slice %arg11[%dma_wait3A_231, %dma_wait3A_232] : memref<128x128xf32, #tpu.memory_space<vmem>> -> memref<64x128xf32, #tpu.memory_space<vmem>>
      %dma_wait3A_234 = arith.constant 0 : i32
      %dma_wait3A_235 = tpu.memref_slice %arg2[%add3A_22, %dma_wait3A_234] : memref<5120x128xf32, #tpu.memory_space<hbm>> -> memref<64x128xf32, #tpu.memory_space<hbm>>
      tpu.wait_dma2 semaphore(%run_scoped3A : memref<!tpu.dma_semaphore, #tpu.memory_space<semaphore_mem>>) src(%dma_wait3A_235 : memref<64x128xf32, #tpu.memory_space<hbm>>) dst(%dma_wait3A_233 : memref<64x128xf32, #tpu.memory_space<vmem>>)
      tpu.yield
    }) : () -> ()
    %add3A_23 = arith.constant 256 : i32
    %add3A_24 = arith.addi %mul3A_4, %add3A_23 : i32
    "tpu.region"() ({
      %run_scoped3A = tpu.sem_alloc : memref<!tpu.dma_semaphore, #tpu.memory_space<semaphore_mem>>
      %dma_start3A_217 = arith.constant 0 : i32
      %dma_start3A_218 = arith.constant 0 : i32
      %dma_start3A_219 = tpu.memref_slice %arg11[%dma_start3A_217, %dma_start3A_218] : memref<128x128xf32, #tpu.memory_space<vmem>> -> memref<64x128xf32, #tpu.memory_space<vmem>>
      %dma_start3A_220 = arith.constant 0 : i32
      %dma_start3A_221 = tpu.memref_slice %arg7[%add3A_24, %dma_start3A_220] : memref<5120x128xf32, #tpu.memory_space<vmem_shared>> -> memref<64x128xf32, #tpu.memory_space<vmem_shared>>
      %dma_start3A_222 = arith.constant 0 : i32
      %dma_start3A_223 = tpu.memref_slice %arg7[%add3A_24, %dma_start3A_222] : memref<5120x128xf32, #tpu.memory_space<vmem_shared>> -> memref<64x128xf32, #tpu.memory_space<vmem_shared>>
      %dma_start3A_224 = arith.constant 0 : i32
      %dma_start3A_225 = arith.constant 0 : i32
      %dma_start3A_226 = tpu.memref_slice %arg11[%dma_start3A_224, %dma_start3A_225] : memref<128x128xf32, #tpu.memory_space<vmem>> -> memref<64x128xf32, #tpu.memory_space<vmem>>
      tpu.enqueue_dma source(%dma_start3A_226 : memref<64x128xf32, #tpu.memory_space<vmem>>) target(%dma_start3A_223 : memref<64x128xf32, #tpu.memory_space<vmem_shared>>) target_semaphore(%run_scoped3A : memref<!tpu.dma_semaphore, #tpu.memory_space<semaphore_mem>>)
      %dma_wait3A = arith.constant 0 : i32
      %dma_wait3A_227 = arith.constant 0 : i32
      %dma_wait3A_228 = tpu.memref_slice %arg11[%dma_wait3A, %dma_wait3A_227] : memref<128x128xf32, #tpu.memory_space<vmem>> -> memref<64x128xf32, #tpu.memory_space<vmem>>
      %dma_wait3A_229 = arith.constant 0 : i32
      %dma_wait3A_230 = tpu.memref_slice %arg7[%add3A_24, %dma_wait3A_229] : memref<5120x128xf32, #tpu.memory_space<vmem_shared>> -> memref<64x128xf32, #tpu.memory_space<vmem_shared>>
      %dma_wait3A_231 = arith.constant 0 : i32
      %dma_wait3A_232 = tpu.memref_slice %arg7[%add3A_24, %dma_wait3A_231] : memref<5120x128xf32, #tpu.memory_space<vmem_shared>> -> memref<64x128xf32, #tpu.memory_space<vmem_shared>>
      %dma_wait3A_233 = arith.constant 0 : i32
      %dma_wait3A_234 = arith.constant 0 : i32
      %dma_wait3A_235 = tpu.memref_slice %arg11[%dma_wait3A_233, %dma_wait3A_234] : memref<128x128xf32, #tpu.memory_space<vmem>> -> memref<64x128xf32, #tpu.memory_space<vmem>>
      tpu.wait_dma2 semaphore(%run_scoped3A : memref<!tpu.dma_semaphore, #tpu.memory_space<semaphore_mem>>) src(%dma_wait3A_235 : memref<64x128xf32, #tpu.memory_space<vmem>>) dst(%dma_wait3A_232 : memref<64x128xf32, #tpu.memory_space<vmem_shared>>)
      tpu.yield
    }) : () -> ()
    %barrier3A = arith.constant 0 : index
    tpu.barrier barrier_id(%barrier3A)
    %get3A = arith.constant 0 : i32
    %get3A_25 = arith.index_cast %get3A : i32 to index
    %get3A_26 = arith.constant 0 : index
    %get3A_27 = tpu.vector_load %arg8[%get3A_25, %get3A_26] {strides = array<i32>} : memref<80x128xi32, #tpu.memory_space<vmem>>, vector<1x16xi32>,
    %get3A_28 = vector.shape_cast %get3A_27 : vector<1x16xi32> to vector<16xi32>
    %and3A = arith.constant 65535 : i32
    %and3A_29 = vector.broadcast %and3A : i32 to vector<16xi32>
    %and3A_30 = arith.andi %get3A_28, %and3A_29 : vector<16xi32>
    %swap3A = arith.constant 0 : i32
    %swap3A_31 = arith.index_cast %swap3A : i32 to index
    %swap3A_32 = arith.constant 0 : index
    %swap3A_33 = tpu.vector_load %arg9[%swap3A_31, %swap3A_32] {strides = array<i32>} : memref<2x128xi32, #tpu.memory_space<vmem>>, vector<1x16xi32>,
    %swap3A_34 = vector.shape_cast %swap3A_33 : vector<1x16xi32> to vector<16xi32>
    %swap3A_35 = vector.shape_cast %and3A_30 : vector<16xi32> to vector<1x16xi32>
    tpu.vector_store %arg9[%swap3A_31, %swap3A_32], %swap3A_35 {strides = array<i32>} : memref<2x128xi32, #tpu.memory_space<vmem>>, vector<1x16xi32>,
    %shift_right_logical3A = arith.constant 16 : i32
    %shift_right_logical3A_36 = vector.broadcast %shift_right_logical3A : i32 to vector<16xi32>
    %shift_right_logical3A_37 = arith.shrui %get3A_28, %shift_right_logical3A_36 : vector<16xi32>
    %swap3A_38 = arith.constant 0 : i32
    %swap3A_39 = arith.index_cast %swap3A_38 : i32 to index
    %swap3A_40 = arith.constant 0 : index
    %swap3A_41 = tpu.vector_load %arg10[%swap3A_39, %swap3A_40] {strides = array<i32>} : memref<2x128xi32, #tpu.memory_space<vmem>>, vector<1x16xi32>,
    %swap3A_42 = vector.shape_cast %swap3A_41 : vector<1x16xi32> to vector<16xi32>
    %swap3A_43 = vector.shape_cast %shift_right_logical3A_37 : vector<16xi32> to vector<1x16xi32>
    tpu.vector_store %arg10[%swap3A_39, %swap3A_40], %swap3A_43 {strides = array<i32>} : memref<2x128xi32, #tpu.memory_space<vmem>>, vector<1x16xi32>,
    %get3A_44 = arith.constant 0 : i32
    %get3A_45 = arith.index_cast %get3A_44 : i32 to index
    %get3A_46 = arith.constant 16 : index
    %get3A_47 = tpu.vector_load %arg8[%get3A_45, %get3A_46] {strides = array<i32>} : memref<80x128xi32, #tpu.memory_space<vmem>>, vector<1x16xi32>,
    %get3A_48 = vector.shape_cast %get3A_47 : vector<1x16xi32> to vector<16xi32>
    %and3A_49 = arith.constant 65535 : i32
    %and3A_50 = vector.broadcast %and3A_49 : i32 to vector<16xi32>
    %and3A_51 = arith.andi %get3A_48, %and3A_50 : vector<16xi32>
    %swap3A_52 = arith.constant 0 : i32
    %swap3A_53 = arith.index_cast %swap3A_52 : i32 to index
    %swap3A_54 = arith.constant 16 : index
    %swap3A_55 = tpu.vector_load %arg9[%swap3A_53, %swap3A_54] {strides = array<i32>} : memref<2x128xi32, #tpu.memory_space<vmem>>, vector<1x16xi32>,
    %swap3A_56 = vector.shape_cast %swap3A_55 : vector<1x16xi32> to vector<16xi32>
    %swap3A_57 = vector.shape_cast %and3A_51 : vector<16xi32> to vector<1x16xi32>
    tpu.vector_store %arg9[%swap3A_53, %swap3A_54], %swap3A_57 {strides = array<i32>} : memref<2x128xi32, #tpu.memory_space<vmem>>, vector<1x16xi32>,
    %shift_right_logical3A_58 = arith.constant 16 : i32
    %shift_right_logical3A_59 = vector.broadcast %shift_right_logical3A_58 : i32 to vector<16xi32>
    %shift_right_logical3A_60 = arith.shrui %get3A_48, %shift_right_logical3A_59 : vector<16xi32>
    %swap3A_61 = arith.constant 0 : i32
    %swap3A_62 = arith.index_cast %swap3A_61 : i32 to index
    %swap3A_63 = arith.constant 16 : index
    %swap3A_64 = tpu.vector_load %arg10[%swap3A_62, %swap3A_63] {strides = array<i32>} : memref<2x128xi32, #tpu.memory_space<vmem>>, vector<1x16xi32>,
    %swap3A_65 = vector.shape_cast %swap3A_64 : vector<1x16xi32> to vector<16xi32>
    %swap3A_66 = vector.shape_cast %shift_right_logical3A_60 : vector<16xi32> to vector<1x16xi32>
    tpu.vector_store %arg10[%swap3A_62, %swap3A_63], %swap3A_66 {strides = array<i32>} : memref<2x128xi32, #tpu.memory_space<vmem>>, vector<1x16xi32>,
    %get3A_67 = arith.constant 0 : i32
    %get3A_68 = arith.index_cast %get3A_67 : i32 to index
    %get3A_69 = arith.constant 32 : index
    %get3A_70 = tpu.vector_load %arg8[%get3A_68, %get3A_69] {strides = array<i32>} : memref<80x128xi32, #tpu.memory_space<vmem>>, vector<1x16xi32>,
    %get3A_71 = vector.shape_cast %get3A_70 : vector<1x16xi32> to vector<16xi32>
    %and3A_72 = arith.constant 65535 : i32
    %and3A_73 = vector.broadcast %and3A_72 : i32 to vector<16xi32>
    %and3A_74 = arith.andi %get3A_71, %and3A_73 : vector<16xi32>
    %swap3A_75 = arith.constant 0 : i32
    %swap3A_76 = arith.index_cast %swap3A_75 : i32 to index
    %swap3A_77 = arith.constant 32 : index
    %swap3A_78 = tpu.vector_load %arg9[%swap3A_76, %swap3A_77] {strides = array<i32>} : memref<2x128xi32, #tpu.memory_space<vmem>>, vector<1x16xi32>,
    %swap3A_79 = vector.shape_cast %swap3A_78 : vector<1x16xi32> to vector<16xi32>
    %swap3A_80 = vector.shape_cast %and3A_74 : vector<16xi32> to vector<1x16xi32>
    tpu.vector_store %arg9[%swap3A_76, %swap3A_77], %swap3A_80 {strides = array<i32>} : memref<2x128xi32, #tpu.memory_space<vmem>>, vector<1x16xi32>,
    %shift_right_logical3A_81 = arith.constant 16 : i32
    %shift_right_logical3A_82 = vector.broadcast %shift_right_logical3A_81 : i32 to vector<16xi32>
    %shift_right_logical3A_83 = arith.shrui %get3A_71, %shift_right_logical3A_82 : vector<16xi32>
    %swap3A_84 = arith.constant 0 : i32
    %swap3A_85 = arith.index_cast %swap3A_84 : i32 to index
    %swap3A_86 = arith.constant 32 : index
    %swap3A_87 = tpu.vector_load %arg10[%swap3A_85, %swap3A_86] {strides = array<i32>} : memref<2x128xi32, #tpu.memory_space<vmem>>, vector<1x16xi32>,
    %swap3A_88 = vector.shape_cast %swap3A_87 : vector<1x16xi32> to vector<16xi32>
    %swap3A_89 = vector.shape_cast %shift_right_logical3A_83 : vector<16xi32> to vector<1x16xi32>
    tpu.vector_store %arg10[%swap3A_85, %swap3A_86], %swap3A_89 {strides = array<i32>} : memref<2x128xi32, #tpu.memory_space<vmem>>, vector<1x16xi32>,
    %get3A_90 = arith.constant 0 : i32
    %get3A_91 = arith.index_cast %get3A_90 : i32 to index
    %get3A_92 = arith.constant 48 : index
    %get3A_93 = tpu.vector_load %arg8[%get3A_91, %get3A_92] {strides = array<i32>} : memref<80x128xi32, #tpu.memory_space<vmem>>, vector<1x16xi32>,
    %get3A_94 = vector.shape_cast %get3A_93 : vector<1x16xi32> to vector<16xi32>
    %and3A_95 = arith.constant 65535 : i32
    %and3A_96 = vector.broadcast %and3A_95 : i32 to vector<16xi32>
    %and3A_97 = arith.andi %get3A_94, %and3A_96 : vector<16xi32>
    %swap3A_98 = arith.constant 0 : i32
    %swap3A_99 = arith.index_cast %swap3A_98 : i32 to index
    %swap3A_100 = arith.constant 48 : index
    %swap3A_101 = tpu.vector_load %arg9[%swap3A_99, %swap3A_100] {strides = array<i32>} : memref<2x128xi32, #tpu.memory_space<vmem>>, vector<1x16xi32>,
    %swap3A_102 = vector.shape_cast %swap3A_101 : vector<1x16xi32> to vector<16xi32>
    %swap3A_103 = vector.shape_cast %and3A_97 : vector<16xi32> to vector<1x16xi32>
    tpu.vector_store %arg9[%swap3A_99, %swap3A_100], %swap3A_103 {strides = array<i32>} : memref<2x128xi32, #tpu.memory_space<vmem>>, vector<1x16xi32>,
    %shift_right_logical3A_104 = arith.constant 16 : i32
    %shift_right_logical3A_105 = vector.broadcast %shift_right_logical3A_104 : i32 to vector<16xi32>
    %shift_right_logical3A_106 = arith.shrui %get3A_94, %shift_right_logical3A_105 : vector<16xi32>
    %swap3A_107 = arith.constant 0 : i32
    %swap3A_108 = arith.index_cast %swap3A_107 : i32 to index
    %swap3A_109 = arith.constant 48 : index
    %swap3A_110 = tpu.vector_load %arg10[%swap3A_108, %swap3A_109] {strides = array<i32>} : memref<2x128xi32, #tpu.memory_space<vmem>>, vector<1x16xi32>,
    %swap3A_111 = vector.shape_cast %swap3A_110 : vector<1x16xi32> to vector<16xi32>
    %swap3A_112 = vector.shape_cast %shift_right_logical3A_106 : vector<16xi32> to vector<1x16xi32>
    tpu.vector_store %arg10[%swap3A_108, %swap3A_109], %swap3A_112 {strides = array<i32>} : memref<2x128xi32, #tpu.memory_space<vmem>>, vector<1x16xi32>,
    %get3A_113 = arith.constant 0 : i32
    %get3A_114 = arith.index_cast %get3A_113 : i32 to index
    %get3A_115 = arith.constant 64 : index
    %get3A_116 = tpu.vector_load %arg8[%get3A_114, %get3A_115] {strides = array<i32>} : memref<80x128xi32, #tpu.memory_space<vmem>>, vector<1x16xi32>,
    %get3A_117 = vector.shape_cast %get3A_116 : vector<1x16xi32> to vector<16xi32>
    %and3A_118 = arith.constant 65535 : i32
    %and3A_119 = vector.broadcast %and3A_118 : i32 to vector<16xi32>
    %and3A_120 = arith.andi %get3A_117, %and3A_119 : vector<16xi32>
    %swap3A_121 = arith.constant 0 : i32
    %swap3A_122 = arith.index_cast %swap3A_121 : i32 to index
    %swap3A_123 = arith.constant 64 : index
    %swap3A_124 = tpu.vector_load %arg9[%swap3A_122, %swap3A_123] {strides = array<i32>} : memref<2x128xi32, #tpu.memory_space<vmem>>, vector<1x16xi32>,
    %swap3A_125 = vector.shape_cast %swap3A_124 : vector<1x16xi32> to vector<16xi32>
    %swap3A_126 = vector.shape_cast %and3A_120 : vector<16xi32> to vector<1x16xi32>
    tpu.vector_store %arg9[%swap3A_122, %swap3A_123], %swap3A_126 {strides = array<i32>} : memref<2x128xi32, #tpu.memory_space<vmem>>, vector<1x16xi32>,
    %shift_right_logical3A_127 = arith.constant 16 : i32
    %shift_right_logical3A_128 = vector.broadcast %shift_right_logical3A_127 : i32 to vector<16xi32>
    %shift_right_logical3A_129 = arith.shrui %get3A_117, %shift_right_logical3A_128 : vector<16xi32>
    %swap3A_130 = arith.constant 0 : i32
    %swap3A_131 = arith.index_cast %swap3A_130 : i32 to index
    %swap3A_132 = arith.constant 64 : index
    %swap3A_133 = tpu.vector_load %arg10[%swap3A_131, %swap3A_132] {strides = array<i32>} : memref<2x128xi32, #tpu.memory_space<vmem>>, vector<1x16xi32>,
    %swap3A_134 = vector.shape_cast %swap3A_133 : vector<1x16xi32> to vector<16xi32>
    %swap3A_135 = vector.shape_cast %shift_right_logical3A_129 : vector<16xi32> to vector<1x16xi32>
    tpu.vector_store %arg10[%swap3A_131, %swap3A_132], %swap3A_135 {strides = array<i32>} : memref<2x128xi32, #tpu.memory_space<vmem>>, vector<1x16xi32>,
    %get3A_136 = arith.constant 0 : i32
    %get3A_137 = arith.index_cast %get3A_136 : i32 to index
    %get3A_138 = arith.constant 80 : index
    %get3A_139 = tpu.vector_load %arg8[%get3A_137, %get3A_138] {strides = array<i32>} : memref<80x128xi32, #tpu.memory_space<vmem>>, vector<1x16xi32>,
    %get3A_140 = vector.shape_cast %get3A_139 : vector<1x16xi32> to vector<16xi32>
    %and3A_141 = arith.constant 65535 : i32
    %and3A_142 = vector.broadcast %and3A_141 : i32 to vector<16xi32>
    %and3A_143 = arith.andi %get3A_140, %and3A_142 : vector<16xi32>
    %swap3A_144 = arith.constant 0 : i32
    %swap3A_145 = arith.index_cast %swap3A_144 : i32 to index
    %swap3A_146 = arith.constant 80 : index
    %swap3A_147 = tpu.vector_load %arg9[%swap3A_145, %swap3A_146] {strides = array<i32>} : memref<2x128xi32, #tpu.memory_space<vmem>>, vector<1x16xi32>,
    %swap3A_148 = vector.shape_cast %swap3A_147 : vector<1x16xi32> to vector<16xi32>
    %swap3A_149 = vector.shape_cast %and3A_143 : vector<16xi32> to vector<1x16xi32>
    tpu.vector_store %arg9[%swap3A_145, %swap3A_146], %swap3A_149 {strides = array<i32>} : memref<2x128xi32, #tpu.memory_space<vmem>>, vector<1x16xi32>,
    %shift_right_logical3A_150 = arith.constant 16 : i32
    %shift_right_logical3A_151 = vector.broadcast %shift_right_logical3A_150 : i32 to vector<16xi32>
    %shift_right_logical3A_152 = arith.shrui %get3A_140, %shift_right_logical3A_151 : vector<16xi32>
    %swap3A_153 = arith.constant 0 : i32
    %swap3A_154 = arith.index_cast %swap3A_153 : i32 to index
    %swap3A_155 = arith.constant 80 : index
    %swap3A_156 = tpu.vector_load %arg10[%swap3A_154, %swap3A_155] {strides = array<i32>} : memref<2x128xi32, #tpu.memory_space<vmem>>, vector<1x16xi32>,
    %swap3A_157 = vector.shape_cast %swap3A_156 : vector<1x16xi32> to vector<16xi32>
    %swap3A_158 = vector.shape_cast %shift_right_logical3A_152 : vector<16xi32> to vector<1x16xi32>
    tpu.vector_store %arg10[%swap3A_154, %swap3A_155], %swap3A_158 {strides = array<i32>} : memref<2x128xi32, #tpu.memory_space<vmem>>, vector<1x16xi32>,
    %get3A_159 = arith.constant 0 : i32
    %get3A_160 = arith.index_cast %get3A_159 : i32 to index
    %get3A_161 = arith.constant 96 : index
    %get3A_162 = tpu.vector_load %arg8[%get3A_160, %get3A_161] {strides = array<i32>} : memref<80x128xi32, #tpu.memory_space<vmem>>, vector<1x16xi32>,
    %get3A_163 = vector.shape_cast %get3A_162 : vector<1x16xi32> to vector<16xi32>
    %and3A_164 = arith.constant 65535 : i32
    %and3A_165 = vector.broadcast %and3A_164 : i32 to vector<16xi32>
    %and3A_166 = arith.andi %get3A_163, %and3A_165 : vector<16xi32>
    %swap3A_167 = arith.constant 0 : i32
    %swap3A_168 = arith.index_cast %swap3A_167 : i32 to index
    %swap3A_169 = arith.constant 96 : index
    %swap3A_170 = tpu.vector_load %arg9[%swap3A_168, %swap3A_169] {strides = array<i32>} : memref<2x128xi32, #tpu.memory_space<vmem>>, vector<1x16xi32>,
    %swap3A_171 = vector.shape_cast %swap3A_170 : vector<1x16xi32> to vector<16xi32>
    %swap3A_172 = vector.shape_cast %and3A_166 : vector<16xi32> to vector<1x16xi32>
    tpu.vector_store %arg9[%swap3A_168, %swap3A_169], %swap3A_172 {strides = array<i32>} : memref<2x128xi32, #tpu.memory_space<vmem>>, vector<1x16xi32>,
    %shift_right_logical3A_173 = arith.constant 16 : i32
    %shift_right_logical3A_174 = vector.broadcast %shift_right_logical3A_173 : i32 to vector<16xi32>
    %shift_right_logical3A_175 = arith.shrui %get3A_163, %shift_right_logical3A_174 : vector<16xi32>
    %swap3A_176 = arith.constant 0 : i32
    %swap3A_177 = arith.index_cast %swap3A_176 : i32 to index
    %swap3A_178 = arith.constant 96 : index
    %swap3A_179 = tpu.vector_load %arg10[%swap3A_177, %swap3A_178] {strides = array<i32>} : memref<2x128xi32, #tpu.memory_space<vmem>>, vector<1x16xi32>,
    %swap3A_180 = vector.shape_cast %swap3A_179 : vector<1x16xi32> to vector<16xi32>
    %swap3A_181 = vector.shape_cast %shift_right_logical3A_175 : vector<16xi32> to vector<1x16xi32>
    tpu.vector_store %arg10[%swap3A_177, %swap3A_178], %swap3A_181 {strides = array<i32>} : memref<2x128xi32, #tpu.memory_space<vmem>>, vector<1x16xi32>,
    %get3A_182 = arith.constant 0 : i32
    %get3A_183 = arith.index_cast %get3A_182 : i32 to index
    %get3A_184 = arith.constant 112 : index
    %get3A_185 = tpu.vector_load %arg8[%get3A_183, %get3A_184] {strides = array<i32>} : memref<80x128xi32, #tpu.memory_space<vmem>>, vector<1x16xi32>,
    %get3A_186 = vector.shape_cast %get3A_185 : vector<1x16xi32> to vector<16xi32>
    %and3A_187 = arith.constant 65535 : i32
    %and3A_188 = vector.broadcast %and3A_187 : i32 to vector<16xi32>
    %and3A_189 = arith.andi %get3A_186, %and3A_188 : vector<16xi32>
    %swap3A_190 = arith.constant 0 : i32
    %swap3A_191 = arith.index_cast %swap3A_190 : i32 to index
    %swap3A_192 = arith.constant 112 : index
    %swap3A_193 = tpu.vector_load %arg9[%swap3A_191, %swap3A_192] {strides = array<i32>} : memref<2x128xi32, #tpu.memory_space<vmem>>, vector<1x16xi32>,
    %swap3A_194 = vector.shape_cast %swap3A_193 : vector<1x16xi32> to vector<16xi32>
    %swap3A_195 = vector.shape_cast %and3A_189 : vector<16xi32> to vector<1x16xi32>
    tpu.vector_store %arg9[%swap3A_191, %swap3A_192], %swap3A_195 {strides = array<i32>} : memref<2x128xi32, #tpu.memory_space<vmem>>, vector<1x16xi32>,
    %shift_right_logical3A_196 = arith.constant 16 : i32
    %shift_right_logical3A_197 = vector.broadcast %shift_right_logical3A_196 : i32 to vector<16xi32>
    %shift_right_logical3A_198 = arith.shrui %get3A_186, %shift_right_logical3A_197 : vector<16xi32>
    %swap3A_199 = arith.constant 0 : i32
    %swap3A_200 = arith.index_cast %swap3A_199 : i32 to index
    %swap3A_201 = arith.constant 112 : index
    %swap3A_202 = tpu.vector_load %arg10[%swap3A_200, %swap3A_201] {strides = array<i32>} : memref<2x128xi32, #tpu.memory_space<vmem>>, vector<1x16xi32>,
    %swap3A_203 = vector.shape_cast %swap3A_202 : vector<1x16xi32> to vector<16xi32>
    %swap3A_204 = vector.shape_cast %shift_right_logical3A_198 : vector<16xi32> to vector<1x16xi32>
    tpu.vector_store %arg10[%swap3A_200, %swap3A_201], %swap3A_204 {strides = array<i32>} : memref<2x128xi32, #tpu.memory_space<vmem>>, vector<1x16xi32>,
    %dma_start3A = arith.constant 0 : i32
    %dma_start3A_205 = arith.constant 0 : i32
    %dma_start3A_206 = tpu.memref_slice %arg9[%dma_start3A, %dma_start3A_205] : memref<2x128xi32, #tpu.memory_space<vmem>> -> memref<1x128xi32, #tpu.memory_space<vmem>>
    %dma_start3A_207 = tpu.memref_squeeze %dma_start3A_206 : memref<1x128xi32, #tpu.memory_space<vmem>> -> memref<128xi32, #tpu.memory_space<vmem>>
    %dma_start3A_208 = arith.constant 0 : i32
    %dma_start3A_209 = arith.constant 0 : i32
    %dma_start3A_210 = tpu.memref_slice %arg7[%dma_start3A_208, %dma_start3A_209] : memref<5120x128xf32, #tpu.memory_space<vmem_shared>> -> memref<5120x128xf32, #tpu.memory_space<vmem_shared>>
    tpu.enqueue_indirect_dma source(%dma_start3A_210 : memref<5120x128xf32, #tpu.memory_space<vmem_shared>>) target(%arg11 : memref<128x128xf32, #tpu.memory_space<vmem>>) offsets(%dma_start3A_207 : memref<128xi32, #tpu.memory_space<vmem>>) semaphore(%arg13 : memref<!tpu.dma_semaphore, #tpu.memory_space<semaphore_mem>>)
    %scan3A = arith.constant 0 : i32
    %scan3A_211 = arith.constant 0 : i32
    %scan3A_212 = arith.constant 40 : i32
    %scan3A_213 = arith.addi %scan3A_211, %scan3A_212 : i32
    %scan3A_214 = arith.constant 1 : i32
    scf.for %scan3A_217 = %scan3A_211 to %scan3A_213 step %scan3A_214  : i32 {
      %mul3A_218 = arith.constant 2 : i32
      %mul3A_219 = arith.muli %mul3A_218, %scan3A_217 : i32
      %mul3A_220 = arith.constant 2 : i32
      %mul3A_221 = arith.muli %mul3A_220, %scan3A_217 : i32
      %add3A_222 = arith.constant 1 : i32
      %add3A_223 = arith.addi %mul3A_221, %add3A_222 : i32
      %get3A_224 = arith.index_cast %add3A_223 : i32 to index
      %get3A_225 = arith.constant 0 : index
      %get3A_226 = tpu.vector_load %arg8[%get3A_224, %get3A_225] {strides = array<i32>} : memref<80x128xi32, #tpu.memory_space<vmem>>, vector<1x16xi32>,
      %get3A_227 = vector.shape_cast %get3A_226 : vector<1x16xi32> to vector<16xi32>
      %and3A_228 = arith.constant 65535 : i32
      %and3A_229 = vector.broadcast %and3A_228 : i32 to vector<16xi32>
      %and3A_230 = arith.andi %get3A_227, %and3A_229 : vector<16xi32>
      %swap3A_231 = arith.constant 1 : i32
      %swap3A_232 = arith.index_cast %swap3A_231 : i32 to index
      %swap3A_233 = arith.constant 0 : index
      %swap3A_234 = tpu.vector_load %arg9[%swap3A_232, %swap3A_233] {strides = array<i32>} : memref<2x128xi32, #tpu.memory_space<vmem>>, vector<1x16xi32>,
      %swap3A_235 = vector.shape_cast %swap3A_234 : vector<1x16xi32> to vector<16xi32>
      %swap3A_236 = vector.shape_cast %and3A_230 : vector<16xi32> to vector<1x16xi32>
      tpu.vector_store %arg9[%swap3A_232, %swap3A_233], %swap3A_236 {strides = array<i32>} : memref<2x128xi32, #tpu.memory_space<vmem>>, vector<1x16xi32>,
      %shift_right_logical3A_237 = arith.constant 16 : i32
      %shift_right_logical3A_238 = vector.broadcast %shift_right_logical3A_237 : i32 to vector<16xi32>
      %shift_right_logical3A_239 = arith.shrui %get3A_227, %shift_right_logical3A_238 : vector<16xi32>
      %swap3A_240 = arith.constant 1 : i32
      %swap3A_241 = arith.index_cast %swap3A_240 : i32 to index
      %swap3A_242 = arith.constant 0 : index
      %swap3A_243 = tpu.vector_load %arg10[%swap3A_241, %swap3A_242] {strides = array<i32>} : memref<2x128xi32, #tpu.memory_space<vmem>>, vector<1x16xi32>,
      %swap3A_244 = vector.shape_cast %swap3A_243 : vector<1x16xi32> to vector<16xi32>
      %swap3A_245 = vector.shape_cast %shift_right_logical3A_239 : vector<16xi32> to vector<1x16xi32>
      tpu.vector_store %arg10[%swap3A_241, %swap3A_242], %swap3A_245 {strides = array<i32>} : memref<2x128xi32, #tpu.memory_space<vmem>>, vector<1x16xi32>,
      %get3A_246 = arith.index_cast %add3A_223 : i32 to index
      %get3A_247 = arith.constant 16 : index
      %get3A_248 = tpu.vector_load %arg8[%get3A_246, %get3A_247] {strides = array<i32>} : memref<80x128xi32, #tpu.memory_space<vmem>>, vector<1x16xi32>,
      %get3A_249 = vector.shape_cast %get3A_248 : vector<1x16xi32> to vector<16xi32>
      %and3A_250 = arith.constant 65535 : i32
      %and3A_251 = vector.broadcast %and3A_250 : i32 to vector<16xi32>
      %and3A_252 = arith.andi %get3A_249, %and3A_251 : vector<16xi32>
      %swap3A_253 = arith.constant 1 : i32
      %swap3A_254 = arith.index_cast %swap3A_253 : i32 to index
      %swap3A_255 = arith.constant 16 : index
      %swap3A_256 = tpu.vector_load %arg9[%swap3A_254, %swap3A_255] {strides = array<i32>} : memref<2x128xi32, #tpu.memory_space<vmem>>, vector<1x16xi32>,
      %swap3A_257 = vector.shape_cast %swap3A_256 : vector<1x16xi32> to vector<16xi32>
      %swap3A_258 = vector.shape_cast %and3A_252 : vector<16xi32> to vector<1x16xi32>
      tpu.vector_store %arg9[%swap3A_254, %swap3A_255], %swap3A_258 {strides = array<i32>} : memref<2x128xi32, #tpu.memory_space<vmem>>, vector<1x16xi32>,
      %shift_right_logical3A_259 = arith.constant 16 : i32
      %shift_right_logical3A_260 = vector.broadcast %shift_right_logical3A_259 : i32 to vector<16xi32>
      %shift_right_logical3A_261 = arith.shrui %get3A_249, %shift_right_logical3A_260 : vector<16xi32>
      %swap3A_262 = arith.constant 1 : i32
      %swap3A_263 = arith.index_cast %swap3A_262 : i32 to index
      %swap3A_264 = arith.constant 16 : index
      %swap3A_265 = tpu.vector_load %arg10[%swap3A_263, %swap3A_264] {strides = array<i32>} : memref<2x128xi32, #tpu.memory_space<vmem>>, vector<1x16xi32>,
      %swap3A_266 = vector.shape_cast %swap3A_265 : vector<1x16xi32> to vector<16xi32>
      %swap3A_267 = vector.shape_cast %shift_right_logical3A_261 : vector<16xi32> to vector<1x16xi32>
      tpu.vector_store %arg10[%swap3A_263, %swap3A_264], %swap3A_267 {strides = array<i32>} : memref<2x128xi32, #tpu.memory_space<vmem>>, vector<1x16xi32>,
      %get3A_268 = arith.index_cast %add3A_223 : i32 to index
      %get3A_269 = arith.constant 32 : index
      %get3A_270 = tpu.vector_load %arg8[%get3A_268, %get3A_269] {strides = array<i32>} : memref<80x128xi32, #tpu.memory_space<vmem>>, vector<1x16xi32>,
      %get3A_271 = vector.shape_cast %get3A_270 : vector<1x16xi32> to vector<16xi32>
      %and3A_272 = arith.constant 65535 : i32
      %and3A_273 = vector.broadcast %and3A_272 : i32 to vector<16xi32>
      %and3A_274 = arith.andi %get3A_271, %and3A_273 : vector<16xi32>
      %swap3A_275 = arith.constant 1 : i32
      %swap3A_276 = arith.index_cast %swap3A_275 : i32 to index
      %swap3A_277 = arith.constant 32 : index
      %swap3A_278 = tpu.vector_load %arg9[%swap3A_276, %swap3A_277] {strides = array<i32>} : memref<2x128xi32, #tpu.memory_space<vmem>>, vector<1x16xi32>,
      %swap3A_279 = vector.shape_cast %swap3A_278 : vector<1x16xi32> to vector<16xi32>
      %swap3A_280 = vector.shape_cast %and3A_274 : vector<16xi32> to vector<1x16xi32>
      tpu.vector_store %arg9[%swap3A_276, %swap3A_277], %swap3A_280 {strides = array<i32>} : memref<2x128xi32, #tpu.memory_space<vmem>>, vector<1x16xi32>,
      %shift_right_logical3A_281 = arith.constant 16 : i32
      %shift_right_logical3A_282 = vector.broadcast %shift_right_logical3A_281 : i32 to vector<16xi32>
      %shift_right_logical3A_283 = arith.shrui %get3A_271, %shift_right_logical3A_282 : vector<16xi32>
      %swap3A_284 = arith.constant 1 : i32
      %swap3A_285 = arith.index_cast %swap3A_284 : i32 to index
      %swap3A_286 = arith.constant 32 : index
      %swap3A_287 = tpu.vector_load %arg10[%swap3A_285, %swap3A_286] {strides = array<i32>} : memref<2x128xi32, #tpu.memory_space<vmem>>, vector<1x16xi32>,
      %swap3A_288 = vector.shape_cast %swap3A_287 : vector<1x16xi32> to vector<16xi32>
      %swap3A_289 = vector.shape_cast %shift_right_logical3A_283 : vector<16xi32> to vector<1x16xi32>
      tpu.vector_store %arg10[%swap3A_285, %swap3A_286], %swap3A_289 {strides = array<i32>} : memref<2x128xi32, #tpu.memory_space<vmem>>, vector<1x16xi32>,
      %get3A_290 = arith.index_cast %add3A_223 : i32 to index
      %get3A_291 = arith.constant 48 : index
      %get3A_292 = tpu.vector_load %arg8[%get3A_290, %get3A_291] {strides = array<i32>} : memref<80x128xi32, #tpu.memory_space<vmem>>, vector<1x16xi32>,
      %get3A_293 = vector.shape_cast %get3A_292 : vector<1x16xi32> to vector<16xi32>
      %and3A_294 = arith.constant 65535 : i32
      %and3A_295 = vector.broadcast %and3A_294 : i32 to vector<16xi32>
      %and3A_296 = arith.andi %get3A_293, %and3A_295 : vector<16xi32>
      %swap3A_297 = arith.constant 1 : i32
      %swap3A_298 = arith.index_cast %swap3A_297 : i32 to index
      %swap3A_299 = arith.constant 48 : index
      %swap3A_300 = tpu.vector_load %arg9[%swap3A_298, %swap3A_299] {strides = array<i32>} : memref<2x128xi32, #tpu.memory_space<vmem>>, vector<1x16xi32>,
      %swap3A_301 = vector.shape_cast %swap3A_300 : vector<1x16xi32> to vector<16xi32>
      %swap3A_302 = vector.shape_cast %and3A_296 : vector<16xi32> to vector<1x16xi32>
      tpu.vector_store %arg9[%swap3A_298, %swap3A_299], %swap3A_302 {strides = array<i32>} : memref<2x128xi32, #tpu.memory_space<vmem>>, vector<1x16xi32>,
      %shift_right_logical3A_303 = arith.constant 16 : i32
      %shift_right_logical3A_304 = vector.broadcast %shift_right_logical3A_303 : i32 to vector<16xi32>
      %shift_right_logical3A_305 = arith.shrui %get3A_293, %shift_right_logical3A_304 : vector<16xi32>
      %swap3A_306 = arith.constant 1 : i32
      %swap3A_307 = arith.index_cast %swap3A_306 : i32 to index
      %swap3A_308 = arith.constant 48 : index
      %swap3A_309 = tpu.vector_load %arg10[%swap3A_307, %swap3A_308] {strides = array<i32>} : memref<2x128xi32, #tpu.memory_space<vmem>>, vector<1x16xi32>,
      %swap3A_310 = vector.shape_cast %swap3A_309 : vector<1x16xi32> to vector<16xi32>
      %swap3A_311 = vector.shape_cast %shift_right_logical3A_305 : vector<16xi32> to vector<1x16xi32>
      tpu.vector_store %arg10[%swap3A_307, %swap3A_308], %swap3A_311 {strides = array<i32>} : memref<2x128xi32, #tpu.memory_space<vmem>>, vector<1x16xi32>,
      %get3A_312 = arith.index_cast %add3A_223 : i32 to index
      %get3A_313 = arith.constant 64 : index
      %get3A_314 = tpu.vector_load %arg8[%get3A_312, %get3A_313] {strides = array<i32>} : memref<80x128xi32, #tpu.memory_space<vmem>>, vector<1x16xi32>,
      %get3A_315 = vector.shape_cast %get3A_314 : vector<1x16xi32> to vector<16xi32>
      %and3A_316 = arith.constant 65535 : i32
      %and3A_317 = vector.broadcast %and3A_316 : i32 to vector<16xi32>
      %and3A_318 = arith.andi %get3A_315, %and3A_317 : vector<16xi32>
      %swap3A_319 = arith.constant 1 : i32
      %swap3A_320 = arith.index_cast %swap3A_319 : i32 to index
      %swap3A_321 = arith.constant 64 : index
      %swap3A_322 = tpu.vector_load %arg9[%swap3A_320, %swap3A_321] {strides = array<i32>} : memref<2x128xi32, #tpu.memory_space<vmem>>, vector<1x16xi32>,
      %swap3A_323 = vector.shape_cast %swap3A_322 : vector<1x16xi32> to vector<16xi32>
      %swap3A_324 = vector.shape_cast %and3A_318 : vector<16xi32> to vector<1x16xi32>
      tpu.vector_store %arg9[%swap3A_320, %swap3A_321], %swap3A_324 {strides = array<i32>} : memref<2x128xi32, #tpu.memory_space<vmem>>, vector<1x16xi32>,
      %shift_right_logical3A_325 = arith.constant 16 : i32
      %shift_right_logical3A_326 = vector.broadcast %shift_right_logical3A_325 : i32 to vector<16xi32>
      %shift_right_logical3A_327 = arith.shrui %get3A_315, %shift_right_logical3A_326 : vector<16xi32>
      %swap3A_328 = arith.constant 1 : i32
      %swap3A_329 = arith.index_cast %swap3A_328 : i32 to index
      %swap3A_330 = arith.constant 64 : index
      %swap3A_331 = tpu.vector_load %arg10[%swap3A_329, %swap3A_330] {strides = array<i32>} : memref<2x128xi32, #tpu.memory_space<vmem>>, vector<1x16xi32>,
      %swap3A_332 = vector.shape_cast %swap3A_331 : vector<1x16xi32> to vector<16xi32>
      %swap3A_333 = vector.shape_cast %shift_right_logical3A_327 : vector<16xi32> to vector<1x16xi32>
      tpu.vector_store %arg10[%swap3A_329, %swap3A_330], %swap3A_333 {strides = array<i32>} : memref<2x128xi32, #tpu.memory_space<vmem>>, vector<1x16xi32>,
      %get3A_334 = arith.index_cast %add3A_223 : i32 to index
      %get3A_335 = arith.constant 80 : index
      %get3A_336 = tpu.vector_load %arg8[%get3A_334, %get3A_335] {strides = array<i32>} : memref<80x128xi32, #tpu.memory_space<vmem>>, vector<1x16xi32>,
      %get3A_337 = vector.shape_cast %get3A_336 : vector<1x16xi32> to vector<16xi32>
      %and3A_338 = arith.constant 65535 : i32
      %and3A_339 = vector.broadcast %and3A_338 : i32 to vector<16xi32>
      %and3A_340 = arith.andi %get3A_337, %and3A_339 : vector<16xi32>
      %swap3A_341 = arith.constant 1 : i32
      %swap3A_342 = arith.index_cast %swap3A_341 : i32 to index
      %swap3A_343 = arith.constant 80 : index
      %swap3A_344 = tpu.vector_load %arg9[%swap3A_342, %swap3A_343] {strides = array<i32>} : memref<2x128xi32, #tpu.memory_space<vmem>>, vector<1x16xi32>,
      %swap3A_345 = vector.shape_cast %swap3A_344 : vector<1x16xi32> to vector<16xi32>
      %swap3A_346 = vector.shape_cast %and3A_340 : vector<16xi32> to vector<1x16xi32>
      tpu.vector_store %arg9[%swap3A_342, %swap3A_343], %swap3A_346 {strides = array<i32>} : memref<2x128xi32, #tpu.memory_space<vmem>>, vector<1x16xi32>,
      %shift_right_logical3A_347 = arith.constant 16 : i32
      %shift_right_logical3A_348 = vector.broadcast %shift_right_logical3A_347 : i32 to vector<16xi32>
      %shift_right_logical3A_349 = arith.shrui %get3A_337, %shift_right_logical3A_348 : vector<16xi32>
      %swap3A_350 = arith.constant 1 : i32
      %swap3A_351 = arith.index_cast %swap3A_350 : i32 to index
      %swap3A_352 = arith.constant 80 : index
      %swap3A_353 = tpu.vector_load %arg10[%swap3A_351, %swap3A_352] {strides = array<i32>} : memref<2x128xi32, #tpu.memory_space<vmem>>, vector<1x16xi32>,
      %swap3A_354 = vector.shape_cast %swap3A_353 : vector<1x16xi32> to vector<16xi32>
      %swap3A_355 = vector.shape_cast %shift_right_logical3A_349 : vector<16xi32> to vector<1x16xi32>
      tpu.vector_store %arg10[%swap3A_351, %swap3A_352], %swap3A_355 {strides = array<i32>} : memref<2x128xi32, #tpu.memory_space<vmem>>, vector<1x16xi32>,
      %get3A_356 = arith.index_cast %add3A_223 : i32 to index
      %get3A_357 = arith.constant 96 : index
      %get3A_358 = tpu.vector_load %arg8[%get3A_356, %get3A_357] {strides = array<i32>} : memref<80x128xi32, #tpu.memory_space<vmem>>, vector<1x16xi32>,
      %get3A_359 = vector.shape_cast %get3A_358 : vector<1x16xi32> to vector<16xi32>
      %and3A_360 = arith.constant 65535 : i32
      %and3A_361 = vector.broadcast %and3A_360 : i32 to vector<16xi32>
      %and3A_362 = arith.andi %get3A_359, %and3A_361 : vector<16xi32>
      %swap3A_363 = arith.constant 1 : i32
      %swap3A_364 = arith.index_cast %swap3A_363 : i32 to index
      %swap3A_365 = arith.constant 96 : index
      %swap3A_366 = tpu.vector_load %arg9[%swap3A_364, %swap3A_365] {strides = array<i32>} : memref<2x128xi32, #tpu.memory_space<vmem>>, vector<1x16xi32>,
      %swap3A_367 = vector.shape_cast %swap3A_366 : vector<1x16xi32> to vector<16xi32>
      %swap3A_368 = vector.shape_cast %and3A_362 : vector<16xi32> to vector<1x16xi32>
      tpu.vector_store %arg9[%swap3A_364, %swap3A_365], %swap3A_368 {strides = array<i32>} : memref<2x128xi32, #tpu.memory_space<vmem>>, vector<1x16xi32>,
      %shift_right_logical3A_369 = arith.constant 16 : i32
      %shift_right_logical3A_370 = vector.broadcast %shift_right_logical3A_369 : i32 to vector<16xi32>
      %shift_right_logical3A_371 = arith.shrui %get3A_359, %shift_right_logical3A_370 : vector<16xi32>
      %swap3A_372 = arith.constant 1 : i32
      %swap3A_373 = arith.index_cast %swap3A_372 : i32 to index
      %swap3A_374 = arith.constant 96 : index
      %swap3A_375 = tpu.vector_load %arg10[%swap3A_373, %swap3A_374] {strides = array<i32>} : memref<2x128xi32, #tpu.memory_space<vmem>>, vector<1x16xi32>,
      %swap3A_376 = vector.shape_cast %swap3A_375 : vector<1x16xi32> to vector<16xi32>
      %swap3A_377 = vector.shape_cast %shift_right_logical3A_371 : vector<16xi32> to vector<1x16xi32>
      tpu.vector_store %arg10[%swap3A_373, %swap3A_374], %swap3A_377 {strides = array<i32>} : memref<2x128xi32, #tpu.memory_space<vmem>>, vector<1x16xi32>,
      %get3A_378 = arith.index_cast %add3A_223 : i32 to index
      %get3A_379 = arith.constant 112 : index
      %get3A_380 = tpu.vector_load %arg8[%get3A_378, %get3A_379] {strides = array<i32>} : memref<80x128xi32, #tpu.memory_space<vmem>>, vector<1x16xi32>,
      %get3A_381 = vector.shape_cast %get3A_380 : vector<1x16xi32> to vector<16xi32>
      %and3A_382 = arith.constant 65535 : i32
      %and3A_383 = vector.broadcast %and3A_382 : i32 to vector<16xi32>
      %and3A_384 = arith.andi %get3A_381, %and3A_383 : vector<16xi32>
      %swap3A_385 = arith.constant 1 : i32
      %swap3A_386 = arith.index_cast %swap3A_385 : i32 to index
      %swap3A_387 = arith.constant 112 : index
      %swap3A_388 = tpu.vector_load %arg9[%swap3A_386, %swap3A_387] {strides = array<i32>} : memref<2x128xi32, #tpu.memory_space<vmem>>, vector<1x16xi32>,
      %swap3A_389 = vector.shape_cast %swap3A_388 : vector<1x16xi32> to vector<16xi32>
      %swap3A_390 = vector.shape_cast %and3A_384 : vector<16xi32> to vector<1x16xi32>
      tpu.vector_store %arg9[%swap3A_386, %swap3A_387], %swap3A_390 {strides = array<i32>} : memref<2x128xi32, #tpu.memory_space<vmem>>, vector<1x16xi32>,
      %shift_right_logical3A_391 = arith.constant 16 : i32
      %shift_right_logical3A_392 = vector.broadcast %shift_right_logical3A_391 : i32 to vector<16xi32>
      %shift_right_logical3A_393 = arith.shrui %get3A_381, %shift_right_logical3A_392 : vector<16xi32>
      %swap3A_394 = arith.constant 1 : i32
      %swap3A_395 = arith.index_cast %swap3A_394 : i32 to index
      %swap3A_396 = arith.constant 112 : index
      %swap3A_397 = tpu.vector_load %arg10[%swap3A_395, %swap3A_396] {strides = array<i32>} : memref<2x128xi32, #tpu.memory_space<vmem>>, vector<1x16xi32>,
      %swap3A_398 = vector.shape_cast %swap3A_397 : vector<1x16xi32> to vector<16xi32>
      %swap3A_399 = vector.shape_cast %shift_right_logical3A_393 : vector<16xi32> to vector<1x16xi32>
      tpu.vector_store %arg10[%swap3A_395, %swap3A_396], %swap3A_399 {strides = array<i32>} : memref<2x128xi32, #tpu.memory_space<vmem>>, vector<1x16xi32>,
      %dma_wait3A = arith.constant 0 : i32
      %dma_wait3A_400 = arith.constant 0 : i32
      %dma_wait3A_401 = tpu.memref_slice %arg9[%dma_wait3A, %dma_wait3A_400] : memref<2x128xi32, #tpu.memory_space<vmem>> -> memref<1x128xi32, #tpu.memory_space<vmem>>
      %dma_wait3A_402 = tpu.memref_squeeze %dma_wait3A_401 : memref<1x128xi32, #tpu.memory_space<vmem>> -> memref<128xi32, #tpu.memory_space<vmem>>
      %dma_wait3A_403 = arith.constant 0 : i32
      %dma_wait3A_404 = arith.constant 0 : i32
      %dma_wait3A_405 = tpu.memref_slice %arg7[%dma_wait3A_403, %dma_wait3A_404] : memref<5120x128xf32, #tpu.memory_space<vmem_shared>> -> memref<5120x128xf32, #tpu.memory_space<vmem_shared>>
      tpu.wait_indirect_dma semaphore(%arg13 : memref<!tpu.dma_semaphore, #tpu.memory_space<semaphore_mem>>) src(%dma_wait3A_405 : memref<5120x128xf32, #tpu.memory_space<vmem_shared>>) dst(%arg11 : memref<128x128xf32, #tpu.memory_space<vmem>>)
      %dma_start3A_406 = arith.constant 1 : i32
      %dma_start3A_407 = arith.constant 0 : i32
      %dma_start3A_408 = tpu.memref_slice %arg9[%dma_start3A_406, %dma_start3A_407] : memref<2x128xi32, #tpu.memory_space<vmem>> -> memref<1x128xi32, #tpu.memory_space<vmem>>
      %dma_start3A_409 = tpu.memref_squeeze %dma_start3A_408 : memref<1x128xi32, #tpu.memory_space<vmem>> -> memref<128xi32, #tpu.memory_space<vmem>>
      %dma_start3A_410 = arith.constant 0 : i32
      %dma_start3A_411 = arith.constant 0 : i32
      %dma_start3A_412 = tpu.memref_slice %arg7[%dma_start3A_410, %dma_start3A_411] : memref<5120x128xf32, #tpu.memory_space<vmem_shared>> -> memref<5120x128xf32, #tpu.memory_space<vmem_shared>>
      tpu.enqueue_indirect_dma source(%dma_start3A_412 : memref<5120x128xf32, #tpu.memory_space<vmem_shared>>) target(%arg12 : memref<128x128xf32, #tpu.memory_space<vmem>>) offsets(%dma_start3A_409 : memref<128xi32, #tpu.memory_space<vmem>>) semaphore(%arg14 : memref<!tpu.dma_semaphore, #tpu.memory_space<semaphore_mem>>)
      %run_scoped3A = arith.constant 0 : i32
      "tpu.region"() ({
        %run_scoped3A_419 = tpu.sem_alloc : memref<!tpu.dma_semaphore, #tpu.memory_space<semaphore_mem>>
        %dma_start3A_420 = arith.constant 0 : i32
        %dma_start3A_421 = tpu.memref_slice %arg10[%run_scoped3A, %dma_start3A_420] : memref<2x128xi32, #tpu.memory_space<vmem>> -> memref<1x128xi32, #tpu.memory_space<vmem>>
        %dma_start3A_422 = tpu.memref_squeeze %dma_start3A_421 : memref<1x128xi32, #tpu.memory_space<vmem>> -> memref<128xi32, #tpu.memory_space<vmem>>
        %dma_start3A_423 = arith.constant 0 : i32
        %dma_start3A_424 = arith.constant 0 : i32
        %dma_start3A_425 = tpu.memref_slice %arg6[%dma_start3A_423, %dma_start3A_424] : memref<5120x128xf32, #tpu.memory_space<vmem_shared>> -> memref<5120x128xf32, #tpu.memory_space<vmem_shared>>
        tpu.enqueue_indirect_dma source(%arg11 : memref<128x128xf32, #tpu.memory_space<vmem>>) target(%dma_start3A_425 : memref<5120x128xf32, #tpu.memory_space<vmem_shared>>) offsets(%dma_start3A_422 : memref<128xi32, #tpu.memory_space<vmem>>) semaphore(%run_scoped3A_419 : memref<!tpu.dma_semaphore, #tpu.memory_space<semaphore_mem>>) {add = true}
        %dma_wait3A_426 = arith.constant 0 : i32
        %dma_wait3A_427 = tpu.memref_slice %arg10[%run_scoped3A, %dma_wait3A_426] : memref<2x128xi32, #tpu.memory_space<vmem>> -> memref<1x128xi32, #tpu.memory_space<vmem>>
        %dma_wait3A_428 = tpu.memref_squeeze %dma_wait3A_427 : memref<1x128xi32, #tpu.memory_space<vmem>> -> memref<128xi32, #tpu.memory_space<vmem>>
        %dma_wait3A_429 = arith.constant 0 : i32
        %dma_wait3A_430 = arith.constant 0 : i32
        %dma_wait3A_431 = tpu.memref_slice %arg6[%dma_wait3A_429, %dma_wait3A_430] : memref<5120x128xf32, #tpu.memory_space<vmem_shared>> -> memref<5120x128xf32, #tpu.memory_space<vmem_shared>>
        tpu.wait_indirect_dma semaphore(%run_scoped3A_419 : memref<!tpu.dma_semaphore, #tpu.memory_space<semaphore_mem>>) src(%arg11 : memref<128x128xf32, #tpu.memory_space<vmem>>) dst(%dma_wait3A_431 : memref<5120x128xf32, #tpu.memory_space<vmem_shared>>)
        tpu.yield
      }) : () -> ()
      %lt3A = arith.constant 39 : i32
      %lt3A_413 = arith.cmpi slt, %scan3A_217, %lt3A : i32
      %convert_element_type3A = arith.extui %lt3A_413 : i1 to i32
      %cond3A = arith.constant 0 : i32
      %cond3A_414 = arith.cmpi ne, %convert_element_type3A, %cond3A : i32
      scf.if %cond3A_414 {
        %add3A_419 = arith.constant 1 : i32
        %add3A_420 = arith.addi %add3A_223, %add3A_419 : i32
        %get3A_421 = arith.index_cast %add3A_420 : i32 to index
        %get3A_422 = arith.constant 0 : index
        %get3A_423 = tpu.vector_load %arg8[%get3A_421, %get3A_422] {strides = array<i32>} : memref<80x128xi32, #tpu.memory_space<vmem>>, vector<1x16xi32>,
        %get3A_424 = vector.shape_cast %get3A_423 : vector<1x16xi32> to vector<16xi32>
        %and3A_425 = arith.constant 65535 : i32
        %and3A_426 = vector.broadcast %and3A_425 : i32 to vector<16xi32>
        %and3A_427 = arith.andi %get3A_424, %and3A_426 : vector<16xi32>
        %swap3A_428 = arith.constant 0 : i32
        %swap3A_429 = arith.index_cast %swap3A_428 : i32 to index
        %swap3A_430 = arith.constant 0 : index
        %swap3A_431 = tpu.vector_load %arg9[%swap3A_429, %swap3A_430] {strides = array<i32>} : memref<2x128xi32, #tpu.memory_space<vmem>>, vector<1x16xi32>,
        %swap3A_432 = vector.shape_cast %swap3A_431 : vector<1x16xi32> to vector<16xi32>
        %swap3A_433 = vector.shape_cast %and3A_427 : vector<16xi32> to vector<1x16xi32>
        tpu.vector_store %arg9[%swap3A_429, %swap3A_430], %swap3A_433 {strides = array<i32>} : memref<2x128xi32, #tpu.memory_space<vmem>>, vector<1x16xi32>,
        %shift_right_logical3A_434 = arith.constant 16 : i32
        %shift_right_logical3A_435 = vector.broadcast %shift_right_logical3A_434 : i32 to vector<16xi32>
        %shift_right_logical3A_436 = arith.shrui %get3A_424, %shift_right_logical3A_435 : vector<16xi32>
        %swap3A_437 = arith.constant 0 : i32
        %swap3A_438 = arith.index_cast %swap3A_437 : i32 to index
        %swap3A_439 = arith.constant 0 : index
        %swap3A_440 = tpu.vector_load %arg10[%swap3A_438, %swap3A_439] {strides = array<i32>} : memref<2x128xi32, #tpu.memory_space<vmem>>, vector<1x16xi32>,
        %swap3A_441 = vector.shape_cast %swap3A_440 : vector<1x16xi32> to vector<16xi32>
        %swap3A_442 = vector.shape_cast %shift_right_logical3A_436 : vector<16xi32> to vector<1x16xi32>
        tpu.vector_store %arg10[%swap3A_438, %swap3A_439], %swap3A_442 {strides = array<i32>} : memref<2x128xi32, #tpu.memory_space<vmem>>, vector<1x16xi32>,
        %get3A_443 = arith.index_cast %add3A_420 : i32 to index
        %get3A_444 = arith.constant 16 : index
        %get3A_445 = tpu.vector_load %arg8[%get3A_443, %get3A_444] {strides = array<i32>} : memref<80x128xi32, #tpu.memory_space<vmem>>, vector<1x16xi32>,
        %get3A_446 = vector.shape_cast %get3A_445 : vector<1x16xi32> to vector<16xi32>
        %and3A_447 = arith.constant 65535 : i32
        %and3A_448 = vector.broadcast %and3A_447 : i32 to vector<16xi32>
        %and3A_449 = arith.andi %get3A_446, %and3A_448 : vector<16xi32>
        %swap3A_450 = arith.constant 0 : i32
        %swap3A_451 = arith.index_cast %swap3A_450 : i32 to index
        %swap3A_452 = arith.constant 16 : index
        %swap3A_453 = tpu.vector_load %arg9[%swap3A_451, %swap3A_452] {strides = array<i32>} : memref<2x128xi32, #tpu.memory_space<vmem>>, vector<1x16xi32>,
        %swap3A_454 = vector.shape_cast %swap3A_453 : vector<1x16xi32> to vector<16xi32>
        %swap3A_455 = vector.shape_cast %and3A_449 : vector<16xi32> to vector<1x16xi32>
        tpu.vector_store %arg9[%swap3A_451, %swap3A_452], %swap3A_455 {strides = array<i32>} : memref<2x128xi32, #tpu.memory_space<vmem>>, vector<1x16xi32>,
        %shift_right_logical3A_456 = arith.constant 16 : i32
        %shift_right_logical3A_457 = vector.broadcast %shift_right_logical3A_456 : i32 to vector<16xi32>
        %shift_right_logical3A_458 = arith.shrui %get3A_446, %shift_right_logical3A_457 : vector<16xi32>
        %swap3A_459 = arith.constant 0 : i32
        %swap3A_460 = arith.index_cast %swap3A_459 : i32 to index
        %swap3A_461 = arith.constant 16 : index
        %swap3A_462 = tpu.vector_load %arg10[%swap3A_460, %swap3A_461] {strides = array<i32>} : memref<2x128xi32, #tpu.memory_space<vmem>>, vector<1x16xi32>,
        %swap3A_463 = vector.shape_cast %swap3A_462 : vector<1x16xi32> to vector<16xi32>
        %swap3A_464 = vector.shape_cast %shift_right_logical3A_458 : vector<16xi32> to vector<1x16xi32>
        tpu.vector_store %arg10[%swap3A_460, %swap3A_461], %swap3A_464 {strides = array<i32>} : memref<2x128xi32, #tpu.memory_space<vmem>>, vector<1x16xi32>,
        %get3A_465 = arith.index_cast %add3A_420 : i32 to index
        %get3A_466 = arith.constant 32 : index
        %get3A_467 = tpu.vector_load %arg8[%get3A_465, %get3A_466] {strides = array<i32>} : memref<80x128xi32, #tpu.memory_space<vmem>>, vector<1x16xi32>,
        %get3A_468 = vector.shape_cast %get3A_467 : vector<1x16xi32> to vector<16xi32>
        %and3A_469 = arith.constant 65535 : i32
        %and3A_470 = vector.broadcast %and3A_469 : i32 to vector<16xi32>
        %and3A_471 = arith.andi %get3A_468, %and3A_470 : vector<16xi32>
        %swap3A_472 = arith.constant 0 : i32
        %swap3A_473 = arith.index_cast %swap3A_472 : i32 to index
        %swap3A_474 = arith.constant 32 : index
        %swap3A_475 = tpu.vector_load %arg9[%swap3A_473, %swap3A_474] {strides = array<i32>} : memref<2x128xi32, #tpu.memory_space<vmem>>, vector<1x16xi32>,
        %swap3A_476 = vector.shape_cast %swap3A_475 : vector<1x16xi32> to vector<16xi32>
        %swap3A_477 = vector.shape_cast %and3A_471 : vector<16xi32> to vector<1x16xi32>
        tpu.vector_store %arg9[%swap3A_473, %swap3A_474], %swap3A_477 {strides = array<i32>} : memref<2x128xi32, #tpu.memory_space<vmem>>, vector<1x16xi32>,
        %shift_right_logical3A_478 = arith.constant 16 : i32
        %shift_right_logical3A_479 = vector.broadcast %shift_right_logical3A_478 : i32 to vector<16xi32>
        %shift_right_logical3A_480 = arith.shrui %get3A_468, %shift_right_logical3A_479 : vector<16xi32>
        %swap3A_481 = arith.constant 0 : i32
        %swap3A_482 = arith.index_cast %swap3A_481 : i32 to index
        %swap3A_483 = arith.constant 32 : index
        %swap3A_484 = tpu.vector_load %arg10[%swap3A_482, %swap3A_483] {strides = array<i32>} : memref<2x128xi32, #tpu.memory_space<vmem>>, vector<1x16xi32>,
        %swap3A_485 = vector.shape_cast %swap3A_484 : vector<1x16xi32> to vector<16xi32>
        %swap3A_486 = vector.shape_cast %shift_right_logical3A_480 : vector<16xi32> to vector<1x16xi32>
        tpu.vector_store %arg10[%swap3A_482, %swap3A_483], %swap3A_486 {strides = array<i32>} : memref<2x128xi32, #tpu.memory_space<vmem>>, vector<1x16xi32>,
        %get3A_487 = arith.index_cast %add3A_420 : i32 to index
        %get3A_488 = arith.constant 48 : index
        %get3A_489 = tpu.vector_load %arg8[%get3A_487, %get3A_488] {strides = array<i32>} : memref<80x128xi32, #tpu.memory_space<vmem>>, vector<1x16xi32>,
        %get3A_490 = vector.shape_cast %get3A_489 : vector<1x16xi32> to vector<16xi32>
        %and3A_491 = arith.constant 65535 : i32
        %and3A_492 = vector.broadcast %and3A_491 : i32 to vector<16xi32>
        %and3A_493 = arith.andi %get3A_490, %and3A_492 : vector<16xi32>
        %swap3A_494 = arith.constant 0 : i32
        %swap3A_495 = arith.index_cast %swap3A_494 : i32 to index
        %swap3A_496 = arith.constant 48 : index
        %swap3A_497 = tpu.vector_load %arg9[%swap3A_495, %swap3A_496] {strides = array<i32>} : memref<2x128xi32, #tpu.memory_space<vmem>>, vector<1x16xi32>,
        %swap3A_498 = vector.shape_cast %swap3A_497 : vector<1x16xi32> to vector<16xi32>
        %swap3A_499 = vector.shape_cast %and3A_493 : vector<16xi32> to vector<1x16xi32>
        tpu.vector_store %arg9[%swap3A_495, %swap3A_496], %swap3A_499 {strides = array<i32>} : memref<2x128xi32, #tpu.memory_space<vmem>>, vector<1x16xi32>,
        %shift_right_logical3A_500 = arith.constant 16 : i32
        %shift_right_logical3A_501 = vector.broadcast %shift_right_logical3A_500 : i32 to vector<16xi32>
        %shift_right_logical3A_502 = arith.shrui %get3A_490, %shift_right_logical3A_501 : vector<16xi32>
        %swap3A_503 = arith.constant 0 : i32
        %swap3A_504 = arith.index_cast %swap3A_503 : i32 to index
        %swap3A_505 = arith.constant 48 : index
        %swap3A_506 = tpu.vector_load %arg10[%swap3A_504, %swap3A_505] {strides = array<i32>} : memref<2x128xi32, #tpu.memory_space<vmem>>, vector<1x16xi32>,
        %swap3A_507 = vector.shape_cast %swap3A_506 : vector<1x16xi32> to vector<16xi32>
        %swap3A_508 = vector.shape_cast %shift_right_logical3A_502 : vector<16xi32> to vector<1x16xi32>
        tpu.vector_store %arg10[%swap3A_504, %swap3A_505], %swap3A_508 {strides = array<i32>} : memref<2x128xi32, #tpu.memory_space<vmem>>, vector<1x16xi32>,
        %get3A_509 = arith.index_cast %add3A_420 : i32 to index
        %get3A_510 = arith.constant 64 : index
        %get3A_511 = tpu.vector_load %arg8[%get3A_509, %get3A_510] {strides = array<i32>} : memref<80x128xi32, #tpu.memory_space<vmem>>, vector<1x16xi32>,
        %get3A_512 = vector.shape_cast %get3A_511 : vector<1x16xi32> to vector<16xi32>
        %and3A_513 = arith.constant 65535 : i32
        %and3A_514 = vector.broadcast %and3A_513 : i32 to vector<16xi32>
        %and3A_515 = arith.andi %get3A_512, %and3A_514 : vector<16xi32>
        %swap3A_516 = arith.constant 0 : i32
        %swap3A_517 = arith.index_cast %swap3A_516 : i32 to index
        %swap3A_518 = arith.constant 64 : index
        %swap3A_519 = tpu.vector_load %arg9[%swap3A_517, %swap3A_518] {strides = array<i32>} : memref<2x128xi32, #tpu.memory_space<vmem>>, vector<1x16xi32>,
        %swap3A_520 = vector.shape_cast %swap3A_519 : vector<1x16xi32> to vector<16xi32>
        %swap3A_521 = vector.shape_cast %and3A_515 : vector<16xi32> to vector<1x16xi32>
        tpu.vector_store %arg9[%swap3A_517, %swap3A_518], %swap3A_521 {strides = array<i32>} : memref<2x128xi32, #tpu.memory_space<vmem>>, vector<1x16xi32>,
        %shift_right_logical3A_522 = arith.constant 16 : i32
        %shift_right_logical3A_523 = vector.broadcast %shift_right_logical3A_522 : i32 to vector<16xi32>
        %shift_right_logical3A_524 = arith.shrui %get3A_512, %shift_right_logical3A_523 : vector<16xi32>
        %swap3A_525 = arith.constant 0 : i32
        %swap3A_526 = arith.index_cast %swap3A_525 : i32 to index
        %swap3A_527 = arith.constant 64 : index
        %swap3A_528 = tpu.vector_load %arg10[%swap3A_526, %swap3A_527] {strides = array<i32>} : memref<2x128xi32, #tpu.memory_space<vmem>>, vector<1x16xi32>,
        %swap3A_529 = vector.shape_cast %swap3A_528 : vector<1x16xi32> to vector<16xi32>
        %swap3A_530 = vector.shape_cast %shift_right_logical3A_524 : vector<16xi32> to vector<1x16xi32>
        tpu.vector_store %arg10[%swap3A_526, %swap3A_527], %swap3A_530 {strides = array<i32>} : memref<2x128xi32, #tpu.memory_space<vmem>>, vector<1x16xi32>,
        %get3A_531 = arith.index_cast %add3A_420 : i32 to index
        %get3A_532 = arith.constant 80 : index
        %get3A_533 = tpu.vector_load %arg8[%get3A_531, %get3A_532] {strides = array<i32>} : memref<80x128xi32, #tpu.memory_space<vmem>>, vector<1x16xi32>,
        %get3A_534 = vector.shape_cast %get3A_533 : vector<1x16xi32> to vector<16xi32>
        %and3A_535 = arith.constant 65535 : i32
        %and3A_536 = vector.broadcast %and3A_535 : i32 to vector<16xi32>
        %and3A_537 = arith.andi %get3A_534, %and3A_536 : vector<16xi32>
        %swap3A_538 = arith.constant 0 : i32
        %swap3A_539 = arith.index_cast %swap3A_538 : i32 to index
        %swap3A_540 = arith.constant 80 : index
        %swap3A_541 = tpu.vector_load %arg9[%swap3A_539, %swap3A_540] {strides = array<i32>} : memref<2x128xi32, #tpu.memory_space<vmem>>, vector<1x16xi32>,
        %swap3A_542 = vector.shape_cast %swap3A_541 : vector<1x16xi32> to vector<16xi32>
        %swap3A_543 = vector.shape_cast %and3A_537 : vector<16xi32> to vector<1x16xi32>
        tpu.vector_store %arg9[%swap3A_539, %swap3A_540], %swap3A_543 {strides = array<i32>} : memref<2x128xi32, #tpu.memory_space<vmem>>, vector<1x16xi32>,
        %shift_right_logical3A_544 = arith.constant 16 : i32
        %shift_right_logical3A_545 = vector.broadcast %shift_right_logical3A_544 : i32 to vector<16xi32>
        %shift_right_logical3A_546 = arith.shrui %get3A_534, %shift_right_logical3A_545 : vector<16xi32>
        %swap3A_547 = arith.constant 0 : i32
        %swap3A_548 = arith.index_cast %swap3A_547 : i32 to index
        %swap3A_549 = arith.constant 80 : index
        %swap3A_550 = tpu.vector_load %arg10[%swap3A_548, %swap3A_549] {strides = array<i32>} : memref<2x128xi32, #tpu.memory_space<vmem>>, vector<1x16xi32>,
        %swap3A_551 = vector.shape_cast %swap3A_550 : vector<1x16xi32> to vector<16xi32>
        %swap3A_552 = vector.shape_cast %shift_right_logical3A_546 : vector<16xi32> to vector<1x16xi32>
        tpu.vector_store %arg10[%swap3A_548, %swap3A_549], %swap3A_552 {strides = array<i32>} : memref<2x128xi32, #tpu.memory_space<vmem>>, vector<1x16xi32>,
        %get3A_553 = arith.index_cast %add3A_420 : i32 to index
        %get3A_554 = arith.constant 96 : index
        %get3A_555 = tpu.vector_load %arg8[%get3A_553, %get3A_554] {strides = array<i32>} : memref<80x128xi32, #tpu.memory_space<vmem>>, vector<1x16xi32>,
        %get3A_556 = vector.shape_cast %get3A_555 : vector<1x16xi32> to vector<16xi32>
        %and3A_557 = arith.constant 65535 : i32
        %and3A_558 = vector.broadcast %and3A_557 : i32 to vector<16xi32>
        %and3A_559 = arith.andi %get3A_556, %and3A_558 : vector<16xi32>
        %swap3A_560 = arith.constant 0 : i32
        %swap3A_561 = arith.index_cast %swap3A_560 : i32 to index
        %swap3A_562 = arith.constant 96 : index
        %swap3A_563 = tpu.vector_load %arg9[%swap3A_561, %swap3A_562] {strides = array<i32>} : memref<2x128xi32, #tpu.memory_space<vmem>>, vector<1x16xi32>,
        %swap3A_564 = vector.shape_cast %swap3A_563 : vector<1x16xi32> to vector<16xi32>
        %swap3A_565 = vector.shape_cast %and3A_559 : vector<16xi32> to vector<1x16xi32>
        tpu.vector_store %arg9[%swap3A_561, %swap3A_562], %swap3A_565 {strides = array<i32>} : memref<2x128xi32, #tpu.memory_space<vmem>>, vector<1x16xi32>,
        %shift_right_logical3A_566 = arith.constant 16 : i32
        %shift_right_logical3A_567 = vector.broadcast %shift_right_logical3A_566 : i32 to vector<16xi32>
        %shift_right_logical3A_568 = arith.shrui %get3A_556, %shift_right_logical3A_567 : vector<16xi32>
        %swap3A_569 = arith.constant 0 : i32
        %swap3A_570 = arith.index_cast %swap3A_569 : i32 to index
        %swap3A_571 = arith.constant 96 : index
        %swap3A_572 = tpu.vector_load %arg10[%swap3A_570, %swap3A_571] {strides = array<i32>} : memref<2x128xi32, #tpu.memory_space<vmem>>, vector<1x16xi32>,
        %swap3A_573 = vector.shape_cast %swap3A_572 : vector<1x16xi32> to vector<16xi32>
        %swap3A_574 = vector.shape_cast %shift_right_logical3A_568 : vector<16xi32> to vector<1x16xi32>
        tpu.vector_store %arg10[%swap3A_570, %swap3A_571], %swap3A_574 {strides = array<i32>} : memref<2x128xi32, #tpu.memory_space<vmem>>, vector<1x16xi32>,
        %get3A_575 = arith.index_cast %add3A_420 : i32 to index
        %get3A_576 = arith.constant 112 : index
        %get3A_577 = tpu.vector_load %arg8[%get3A_575, %get3A_576] {strides = array<i32>} : memref<80x128xi32, #tpu.memory_space<vmem>>, vector<1x16xi32>,
        %get3A_578 = vector.shape_cast %get3A_577 : vector<1x16xi32> to vector<16xi32>
        %and3A_579 = arith.constant 65535 : i32
        %and3A_580 = vector.broadcast %and3A_579 : i32 to vector<16xi32>
        %and3A_581 = arith.andi %get3A_578, %and3A_580 : vector<16xi32>
        %swap3A_582 = arith.constant 0 : i32
        %swap3A_583 = arith.index_cast %swap3A_582 : i32 to index
        %swap3A_584 = arith.constant 112 : index
        %swap3A_585 = tpu.vector_load %arg9[%swap3A_583, %swap3A_584] {strides = array<i32>} : memref<2x128xi32, #tpu.memory_space<vmem>>, vector<1x16xi32>,
        %swap3A_586 = vector.shape_cast %swap3A_585 : vector<1x16xi32> to vector<16xi32>
        %swap3A_587 = vector.shape_cast %and3A_581 : vector<16xi32> to vector<1x16xi32>
        tpu.vector_store %arg9[%swap3A_583, %swap3A_584], %swap3A_587 {strides = array<i32>} : memref<2x128xi32, #tpu.memory_space<vmem>>, vector<1x16xi32>,
        %shift_right_logical3A_588 = arith.constant 16 : i32
        %shift_right_logical3A_589 = vector.broadcast %shift_right_logical3A_588 : i32 to vector<16xi32>
        %shift_right_logical3A_590 = arith.shrui %get3A_578, %shift_right_logical3A_589 : vector<16xi32>
        %swap3A_591 = arith.constant 0 : i32
        %swap3A_592 = arith.index_cast %swap3A_591 : i32 to index
        %swap3A_593 = arith.constant 112 : index
        %swap3A_594 = tpu.vector_load %arg10[%swap3A_592, %swap3A_593] {strides = array<i32>} : memref<2x128xi32, #tpu.memory_space<vmem>>, vector<1x16xi32>,
        %swap3A_595 = vector.shape_cast %swap3A_594 : vector<1x16xi32> to vector<16xi32>
        %swap3A_596 = vector.shape_cast %shift_right_logical3A_590 : vector<16xi32> to vector<1x16xi32>
        tpu.vector_store %arg10[%swap3A_592, %swap3A_593], %swap3A_596 {strides = array<i32>} : memref<2x128xi32, #tpu.memory_space<vmem>>, vector<1x16xi32>,
        %dma_wait3A_597 = arith.constant 1 : i32
        %dma_wait3A_598 = arith.constant 0 : i32
        %dma_wait3A_599 = tpu.memref_slice %arg9[%dma_wait3A_597, %dma_wait3A_598] : memref<2x128xi32, #tpu.memory_space<vmem>> -> memref<1x128xi32, #tpu.memory_space<vmem>>
        %dma_wait3A_600 = tpu.memref_squeeze %dma_wait3A_599 : memref<1x128xi32, #tpu.memory_space<vmem>> -> memref<128xi32, #tpu.memory_space<vmem>>
        %dma_wait3A_601 = arith.constant 0 : i32
        %dma_wait3A_602 = arith.constant 0 : i32
        %dma_wait3A_603 = tpu.memref_slice %arg7[%dma_wait3A_601, %dma_wait3A_602] : memref<5120x128xf32, #tpu.memory_space<vmem_shared>> -> memref<5120x128xf32, #tpu.memory_space<vmem_shared>>
        tpu.wait_indirect_dma semaphore(%arg14 : memref<!tpu.dma_semaphore, #tpu.memory_space<semaphore_mem>>) src(%dma_wait3A_603 : memref<5120x128xf32, #tpu.memory_space<vmem_shared>>) dst(%arg12 : memref<128x128xf32, #tpu.memory_space<vmem>>)
        %dma_start3A_604 = arith.constant 0 : i32
        %dma_start3A_605 = arith.constant 0 : i32
        %dma_start3A_606 = tpu.memref_slice %arg9[%dma_start3A_604, %dma_start3A_605] : memref<2x128xi32, #tpu.memory_space<vmem>> -> memref<1x128xi32, #tpu.memory_space<vmem>>
        %dma_start3A_607 = tpu.memref_squeeze %dma_start3A_606 : memref<1x128xi32, #tpu.memory_space<vmem>> -> memref<128xi32, #tpu.memory_space<vmem>>
        %dma_start3A_608 = arith.constant 0 : i32
        %dma_start3A_609 = arith.constant 0 : i32
        %dma_start3A_610 = tpu.memref_slice %arg7[%dma_start3A_608, %dma_start3A_609] : memref<5120x128xf32, #tpu.memory_space<vmem_shared>> -> memref<5120x128xf32, #tpu.memory_space<vmem_shared>>
        tpu.enqueue_indirect_dma source(%dma_start3A_610 : memref<5120x128xf32, #tpu.memory_space<vmem_shared>>) target(%arg11 : memref<128x128xf32, #tpu.memory_space<vmem>>) offsets(%dma_start3A_607 : memref<128xi32, #tpu.memory_space<vmem>>) semaphore(%arg13 : memref<!tpu.dma_semaphore, #tpu.memory_space<semaphore_mem>>)
        %run_scoped3A_611 = arith.constant 1 : i32
        "tpu.region"() ({
          %run_scoped3A_612 = tpu.sem_alloc : memref<!tpu.dma_semaphore, #tpu.memory_space<semaphore_mem>>
          %dma_start3A_613 = arith.constant 0 : i32
          %dma_start3A_614 = tpu.memref_slice %arg10[%run_scoped3A_611, %dma_start3A_613] : memref<2x128xi32, #tpu.memory_space<vmem>> -> memref<1x128xi32, #tpu.memory_space<vmem>>
          %dma_start3A_615 = tpu.memref_squeeze %dma_start3A_614 : memref<1x128xi32, #tpu.memory_space<vmem>> -> memref<128xi32, #tpu.memory_space<vmem>>
          %dma_start3A_616 = arith.constant 0 : i32
          %dma_start3A_617 = arith.constant 0 : i32
          %dma_start3A_618 = tpu.memref_slice %arg6[%dma_start3A_616, %dma_start3A_617] : memref<5120x128xf32, #tpu.memory_space<vmem_shared>> -> memref<5120x128xf32, #tpu.memory_space<vmem_shared>>
          tpu.enqueue_indirect_dma source(%arg12 : memref<128x128xf32, #tpu.memory_space<vmem>>) target(%dma_start3A_618 : memref<5120x128xf32, #tpu.memory_space<vmem_shared>>) offsets(%dma_start3A_615 : memref<128xi32, #tpu.memory_space<vmem>>) semaphore(%run_scoped3A_612 : memref<!tpu.dma_semaphore, #tpu.memory_space<semaphore_mem>>) {add = true}
          %dma_wait3A_619 = arith.constant 0 : i32
          %dma_wait3A_620 = tpu.memref_slice %arg10[%run_scoped3A_611, %dma_wait3A_619] : memref<2x128xi32, #tpu.memory_space<vmem>> -> memref<1x128xi32, #tpu.memory_space<vmem>>
          %dma_wait3A_621 = tpu.memref_squeeze %dma_wait3A_620 : memref<1x128xi32, #tpu.memory_space<vmem>> -> memref<128xi32, #tpu.memory_space<vmem>>
          %dma_wait3A_622 = arith.constant 0 : i32
          %dma_wait3A_623 = arith.constant 0 : i32
          %dma_wait3A_624 = tpu.memref_slice %arg6[%dma_wait3A_622, %dma_wait3A_623] : memref<5120x128xf32, #tpu.memory_space<vmem_shared>> -> memref<5120x128xf32, #tpu.memory_space<vmem_shared>>
          tpu.wait_indirect_dma semaphore(%run_scoped3A_612 : memref<!tpu.dma_semaphore, #tpu.memory_space<semaphore_mem>>) src(%arg12 : memref<128x128xf32, #tpu.memory_space<vmem>>) dst(%dma_wait3A_624 : memref<5120x128xf32, #tpu.memory_space<vmem_shared>>)
          tpu.yield
        }) : () -> ()
      } else {
      }
      %eq3A = arith.constant 39 : i32
      %eq3A_415 = arith.cmpi eq, %scan3A_217, %eq3A : i32
      %convert_element_type3A_416 = arith.extui %eq3A_415 : i1 to i32
      %cond3A_417 = arith.constant 0 : i32
      %cond3A_418 = arith.cmpi ne, %convert_element_type3A_416, %cond3A_417 : i32
      scf.if %cond3A_418 {
        %dma_wait3A_419 = arith.constant 1 : i32
        %dma_wait3A_420 = arith.constant 0 : i32
        %dma_wait3A_421 = tpu.memref_slice %arg9[%dma_wait3A_419, %dma_wait3A_420] : memref<2x128xi32, #tpu.memory_space<vmem>> -> memref<1x128xi32, #tpu.memory_space<vmem>>
        %dma_wait3A_422 = tpu.memref_squeeze %dma_wait3A_421 : memref<1x128xi32, #tpu.memory_space<vmem>> -> memref<128xi32, #tpu.memory_space<vmem>>
        %dma_wait3A_423 = arith.constant 0 : i32
        %dma_wait3A_424 = arith.constant 0 : i32
        %dma_wait3A_425 = tpu.memref_slice %arg7[%dma_wait3A_423, %dma_wait3A_424] : memref<5120x128xf32, #tpu.memory_space<vmem_shared>> -> memref<5120x128xf32, #tpu.memory_space<vmem_shared>>
        tpu.wait_indirect_dma semaphore(%arg14 : memref<!tpu.dma_semaphore, #tpu.memory_space<semaphore_mem>>) src(%dma_wait3A_425 : memref<5120x128xf32, #tpu.memory_space<vmem_shared>>) dst(%arg12 : memref<128x128xf32, #tpu.memory_space<vmem>>)
        %run_scoped3A_426 = arith.constant 1 : i32
        "tpu.region"() ({
          %run_scoped3A_427 = tpu.sem_alloc : memref<!tpu.dma_semaphore, #tpu.memory_space<semaphore_mem>>
          %dma_start3A_428 = arith.constant 0 : i32
          %dma_start3A_429 = tpu.memref_slice %arg10[%run_scoped3A_426, %dma_start3A_428] : memref<2x128xi32, #tpu.memory_space<vmem>> -> memref<1x128xi32, #tpu.memory_space<vmem>>
          %dma_start3A_430 = tpu.memref_squeeze %dma_start3A_429 : memref<1x128xi32, #tpu.memory_space<vmem>> -> memref<128xi32, #tpu.memory_space<vmem>>
          %dma_start3A_431 = arith.constant 0 : i32
          %dma_start3A_432 = arith.constant 0 : i32
          %dma_start3A_433 = tpu.memref_slice %arg6[%dma_start3A_431, %dma_start3A_432] : memref<5120x128xf32, #tpu.memory_space<vmem_shared>> -> memref<5120x128xf32, #tpu.memory_space<vmem_shared>>
          tpu.enqueue_indirect_dma source(%arg12 : memref<128x128xf32, #tpu.memory_space<vmem>>) target(%dma_start3A_433 : memref<5120x128xf32, #tpu.memory_space<vmem_shared>>) offsets(%dma_start3A_430 : memref<128xi32, #tpu.memory_space<vmem>>) semaphore(%run_scoped3A_427 : memref<!tpu.dma_semaphore, #tpu.memory_space<semaphore_mem>>) {add = true}
          %dma_wait3A_434 = arith.constant 0 : i32
          %dma_wait3A_435 = tpu.memref_slice %arg10[%run_scoped3A_426, %dma_wait3A_434] : memref<2x128xi32, #tpu.memory_space<vmem>> -> memref<1x128xi32, #tpu.memory_space<vmem>>
          %dma_wait3A_436 = tpu.memref_squeeze %dma_wait3A_435 : memref<1x128xi32, #tpu.memory_space<vmem>> -> memref<128xi32, #tpu.memory_space<vmem>>
          %dma_wait3A_437 = arith.constant 0 : i32
          %dma_wait3A_438 = arith.constant 0 : i32
          %dma_wait3A_439 = tpu.memref_slice %arg6[%dma_wait3A_437, %dma_wait3A_438] : memref<5120x128xf32, #tpu.memory_space<vmem_shared>> -> memref<5120x128xf32, #tpu.memory_space<vmem_shared>>
          tpu.wait_indirect_dma semaphore(%run_scoped3A_427 : memref<!tpu.dma_semaphore, #tpu.memory_space<semaphore_mem>>) src(%arg12 : memref<128x128xf32, #tpu.memory_space<vmem>>) dst(%dma_wait3A_439 : memref<5120x128xf32, #tpu.memory_space<vmem_shared>>)
          tpu.yield
        }) : () -> ()
      } else {
      }
    }
    %scan3A_215 = arith.constant 40 : i32
    %barrier3A_216 = arith.constant 0 : index
    tpu.barrier barrier_id(%barrier3A_216)
    "tpu.region"() ({
      %run_scoped3A = tpu.sem_alloc : memref<!tpu.dma_semaphore, #tpu.memory_space<semaphore_mem>>
      %dma_start3A_217 = arith.constant 0 : i32
      %dma_start3A_218 = tpu.memref_slice %arg5[%arg0, %mul3A_4, %dma_start3A_217] : memref<2x5120x128xf32, #tpu.memory_space<hbm>> -> memref<1x320x128xf32, #tpu.memory_space<hbm>>
      %dma_start3A_219 = tpu.memref_squeeze %dma_start3A_218 : memref<1x320x128xf32, #tpu.memory_space<hbm>> -> memref<320x128xf32, #tpu.memory_space<hbm>>
      %dma_start3A_220 = arith.constant 0 : i32
      %dma_start3A_221 = tpu.memref_slice %arg6[%mul3A_4, %dma_start3A_220] : memref<5120x128xf32, #tpu.memory_space<vmem_shared>> -> memref<320x128xf32, #tpu.memory_space<vmem_shared>>
      tpu.enqueue_dma source(%dma_start3A_221 : memref<320x128xf32, #tpu.memory_space<vmem_shared>>) target(%dma_start3A_219 : memref<320x128xf32, #tpu.memory_space<hbm>>) target_semaphore(%run_scoped3A : memref<!tpu.dma_semaphore, #tpu.memory_space<semaphore_mem>>)
      %dma_wait3A = arith.constant 0 : i32
      %dma_wait3A_222 = tpu.memref_slice %arg5[%arg0, %mul3A_4, %dma_wait3A] : memref<2x5120x128xf32, #tpu.memory_space<hbm>> -> memref<1x320x128xf32, #tpu.memory_space<hbm>>
      %dma_wait3A_223 = tpu.memref_squeeze %dma_wait3A_222 : memref<1x320x128xf32, #tpu.memory_space<hbm>> -> memref<320x128xf32, #tpu.memory_space<hbm>>
      %dma_wait3A_224 = arith.constant 0 : i32
      %dma_wait3A_225 = tpu.memref_slice %arg6[%mul3A_4, %dma_wait3A_224] : memref<5120x128xf32, #tpu.memory_space<vmem_shared>> -> memref<320x128xf32, #tpu.memory_space<vmem_shared>>
      tpu.wait_dma2 semaphore(%run_scoped3A : memref<!tpu.dma_semaphore, #tpu.memory_space<semaphore_mem>>) src(%dma_wait3A_225 : memref<320x128xf32, #tpu.memory_space<vmem_shared>>) dst(%dma_wait3A_223 : memref<320x128xf32, #tpu.memory_space<hbm>>)
      tpu.yield
    }) : () -> ()
    return
  }
}

module attributes {stable_mosaic.version = 14 : i64} {
  func.func @_tc_mm_body(%arg0: memref<5000x128xf32, #tpu.memory_space<vmem>>, %arg1: memref<5000x128xf32, #tpu.memory_space<vmem>>, %arg2: memref<128x128xf32, #tpu.memory_space<vmem>>, %arg3: memref<5000x128xf32, #tpu.memory_space<vmem>>) attributes {dimension_semantics = [], scalar_prefetch = 0 : i64, scratch_operands = 0 : i64, tpu.core_type = #tpu.core_type<tc>} {
    %get3A = arith.constant 0 : index
    %get3A_0 = arith.constant 0 : index
    %get3A_1 = vector.load %arg0[%get3A, %get3A_0] : memref<5000x128xf32, #tpu.memory_space<vmem>>, vector<5000x128xf32>
    %get3A_2 = arith.constant 0 : index
    %get3A_3 = arith.constant 0 : index
    %get3A_4 = vector.load %arg1[%get3A_2, %get3A_3] : memref<5000x128xf32, #tpu.memory_space<vmem>>, vector<5000x128xf32>
    %add3A = arith.addf %get3A_1, %get3A_4 : vector<5000x128xf32>
    %get3A_5 = arith.constant 0 : index
    %get3A_6 = arith.constant 0 : index
    %get3A_7 = vector.load %arg2[%get3A_5, %get3A_6] : memref<128x128xf32, #tpu.memory_space<vmem>>, vector<128x128xf32>
    %dot_general3A = arith.constant dense<0.000000e+00> : vector<5000x128xf32>
    %dot_general3A_8 = tpu.matmul %add3A, %get3A_7, %dot_general3A {dimension_numbers = #tpu.dot_dimension_numbers<[1], [0], [0], [1], [0, 0, 1, 1], [], []>, transpose_lhs_hint = false} : vector<5000x128xf32>, vector<128x128xf32>, vector<5000x128xf32> -> vector<5000x128xf32>
    %swap3A = arith.constant 0 : index
    %swap3A_9 = arith.constant 0 : index
    %swap3A_10 = vector.load %arg3[%swap3A, %swap3A_9] : memref<5000x128xf32, #tpu.memory_space<vmem>>, vector<5000x128xf32>
    tpu.vector_store %arg3[%swap3A, %swap3A_9], %dot_general3A_8 {strides = array<i32>} : memref<5000x128xf32, #tpu.memory_space<vmem>>, vector<5000x128xf32>,
    return
  }
}

module attributes {stable_mosaic.version = 14 : i64} {
  func.func @_tc_scale_body(%arg0: memref<5000x128xf32, #tpu.memory_space<vmem>>, %arg1: memref<2x5120x128xf32, #tpu.memory_space<vmem>>, %arg2: memref<5120x128xf32, #tpu.memory_space<vmem>>, %arg3: memref<5000x1xf32, #tpu.memory_space<vmem>>) attributes {dimension_semantics = [], scalar_prefetch = 0 : i64, scratch_operands = 0 : i64, tpu.core_type = #tpu.core_type<tc>} {
    %get3A = arith.constant 0 : index
    %get3A_0 = arith.constant 0 : index
    %get3A_1 = arith.constant 0 : index
    %get3A_2 = vector.load %arg1[%get3A, %get3A_0, %get3A_1] : memref<2x5120x128xf32, #tpu.memory_space<vmem>>, vector<1x5000x1xf32>
    %get3A_3 = vector.shape_cast %get3A_2 : vector<1x5000x1xf32> to vector<5000x1xf32>
    %get3A_4 = arith.constant 1 : index
    %get3A_5 = arith.constant 0 : index
    %get3A_6 = arith.constant 0 : index
    %get3A_7 = vector.load %arg1[%get3A_4, %get3A_5, %get3A_6] : memref<2x5120x128xf32, #tpu.memory_space<vmem>>, vector<1x5000x1xf32>
    %get3A_8 = vector.shape_cast %get3A_7 : vector<1x5000x1xf32> to vector<5000x1xf32>
    %add3A = arith.addf %get3A_3, %get3A_8 : vector<5000x1xf32>
    %add3A_9 = arith.constant 1.000000e+00 : f32
    %add3A_10 = vector.broadcast %add3A_9 : f32 to vector<5000x1xf32>
    %add3A_11 = arith.addf %add3A, %add3A_10 : vector<5000x1xf32>
    %rsqrt3A = math.rsqrt %add3A_11 : vector<5000x1xf32>
    %get3A_12 = arith.constant 0 : index
    %get3A_13 = arith.constant 0 : index
    %get3A_14 = vector.load %arg0[%get3A_12, %get3A_13] : memref<5000x128xf32, #tpu.memory_space<vmem>>, vector<5000x128xf32>
    %mul3A = vector.broadcast %rsqrt3A : vector<5000x1xf32> to vector<5000x128xf32>
    %mul3A_15 = arith.mulf %mul3A, %get3A_14 : vector<5000x128xf32>
    %swap3A = arith.constant 0 : index
    %swap3A_16 = arith.constant 0 : index
    %swap3A_17 = vector.load %arg2[%swap3A, %swap3A_16] : memref<5120x128xf32, #tpu.memory_space<vmem>>, vector<5000x128xf32>
    tpu.vector_store %arg2[%swap3A, %swap3A_16], %mul3A_15 {strides = array<i32>} : memref<5120x128xf32, #tpu.memory_space<vmem>>, vector<5000x128xf32>,
    %broadcast_in_dim3A = arith.constant 0.000000e+00 : f32
    %broadcast_in_dim3A_18 = vector.broadcast %broadcast_in_dim3A : f32 to vector<120x128xf32>
    %swap3A_19 = arith.constant 5000 : index
    %swap3A_20 = arith.constant 0 : index
    %swap3A_21 = vector.load %arg2[%swap3A_19, %swap3A_20] : memref<5120x128xf32, #tpu.memory_space<vmem>>, vector<120x128xf32>
    tpu.vector_store %arg2[%swap3A_19, %swap3A_20], %broadcast_in_dim3A_18 {strides = array<i32>} : memref<5120x128xf32, #tpu.memory_space<vmem>>, vector<120x128xf32>,
    %swap3A_22 = arith.constant 0 : index
    %swap3A_23 = arith.constant 0 : index
    %swap3A_24 = vector.load %arg3[%swap3A_22, %swap3A_23] : memref<5000x1xf32, #tpu.memory_space<vmem>>, vector<5000x1xf32>
    tpu.vector_store %arg3[%swap3A_22, %swap3A_23], %rsqrt3A {strides = array<i32>} : memref<5000x1xf32, #tpu.memory_space<vmem>>, vector<5000x1xf32>,
    return
  }
}

module attributes {stable_mosaic.version = 14 : i64} {
  func.func @_tc_mid_body(%arg0: memref<2x5120x128xf32, #tpu.memory_space<vmem>>, %arg1: memref<5120x128xf32, #tpu.memory_space<vmem>>, %arg2: memref<5000x1xf32, #tpu.memory_space<vmem>>, %arg3: memref<1x128xf32, #tpu.memory_space<vmem>>, %arg4: memref<1x128xf32, #tpu.memory_space<vmem>>, %arg5: memref<1x128xf32, #tpu.memory_space<vmem>>, %arg6: memref<128x128xf32, #tpu.memory_space<vmem>>, %arg7: memref<5120x128xf32, #tpu.memory_space<vmem>>) attributes {dimension_semantics = [], scalar_prefetch = 0 : i64, scratch_operands = 0 : i64, tpu.core_type = #tpu.core_type<tc>} {
    %get3A = arith.constant 0 : index
    %get3A_0 = arith.constant 0 : index
    %get3A_1 = arith.constant 0 : index
    %get3A_2 = vector.load %arg0[%get3A, %get3A_0, %get3A_1] : memref<2x5120x128xf32, #tpu.memory_space<vmem>>, vector<1x5000x128xf32>
    %get3A_3 = vector.shape_cast %get3A_2 : vector<1x5000x128xf32> to vector<5000x128xf32>
    %get3A_4 = arith.constant 1 : index
    %get3A_5 = arith.constant 0 : index
    %get3A_6 = arith.constant 0 : index
    %get3A_7 = vector.load %arg0[%get3A_4, %get3A_5, %get3A_6] : memref<2x5120x128xf32, #tpu.memory_space<vmem>>, vector<1x5000x128xf32>
    %get3A_8 = vector.shape_cast %get3A_7 : vector<1x5000x128xf32> to vector<5000x128xf32>
    %add3A = arith.addf %get3A_3, %get3A_8 : vector<5000x128xf32>
    %get3A_9 = arith.constant 0 : index
    %get3A_10 = arith.constant 0 : index
    %get3A_11 = vector.load %arg2[%get3A_9, %get3A_10] : memref<5000x1xf32, #tpu.memory_space<vmem>>, vector<5000x1xf32>
    %get3A_12 = arith.constant 0 : index
    %get3A_13 = arith.constant 0 : index
    %get3A_14 = vector.load %arg1[%get3A_12, %get3A_13] : memref<5120x128xf32, #tpu.memory_space<vmem>>, vector<5000x128xf32>
    %add3A_15 = arith.addf %add3A, %get3A_14 : vector<5000x128xf32>
    %mul3A = vector.broadcast %get3A_11 : vector<5000x1xf32> to vector<5000x128xf32>
    %mul3A_16 = arith.mulf %mul3A, %add3A_15 : vector<5000x128xf32>
    %get3A_17 = arith.constant 0 : index
    %get3A_18 = arith.constant 0 : index
    %get3A_19 = vector.load %arg3[%get3A_17, %get3A_18] : memref<1x128xf32, #tpu.memory_space<vmem>>, vector<1x128xf32>
    %add3A_20 = vector.broadcast %get3A_19 : vector<1x128xf32> to vector<5000x128xf32>
    %add3A_21 = arith.addf %mul3A_16, %add3A_20 : vector<5000x128xf32>
    %reduce_sum3A = arith.constant dense<0.000000e+00> : vector<128xf32>
    %reduce_sum3A_22 = vector.multi_reduction <add>, %add3A_21, %reduce_sum3A [0] : vector<5000x128xf32> to vector<128xf32>
    %broadcast_in_dim3A = vector.shape_cast %reduce_sum3A_22 : vector<128xf32> to vector<1x128xf32>
    %div3A = arith.constant 5.000000e+03 : f32
    %div3A_23 = vector.broadcast %div3A : f32 to vector<1x128xf32>
    %div3A_24 = arith.divf %broadcast_in_dim3A, %div3A_23 : vector<1x128xf32>
    %sub3A = vector.broadcast %div3A_24 : vector<1x128xf32> to vector<5000x128xf32>
    %sub3A_25 = arith.subf %add3A_21, %sub3A : vector<5000x128xf32>
    %sub3A_26 = vector.broadcast %div3A_24 : vector<1x128xf32> to vector<5000x128xf32>
    %sub3A_27 = arith.subf %add3A_21, %sub3A_26 : vector<5000x128xf32>
    %mul3A_28 = arith.mulf %sub3A_25, %sub3A_27 : vector<5000x128xf32>
    %reduce_sum3A_29 = arith.constant dense<0.000000e+00> : vector<128xf32>
    %reduce_sum3A_30 = vector.multi_reduction <add>, %mul3A_28, %reduce_sum3A_29 [0] : vector<5000x128xf32> to vector<128xf32>
    %broadcast_in_dim3A_31 = vector.shape_cast %reduce_sum3A_30 : vector<128xf32> to vector<1x128xf32>
    %div3A_32 = arith.constant 5.000000e+03 : f32
    %div3A_33 = vector.broadcast %div3A_32 : f32 to vector<1x128xf32>
    %div3A_34 = arith.divf %broadcast_in_dim3A_31, %div3A_33 : vector<1x128xf32>
    %get3A_35 = arith.constant 0 : index
    %get3A_36 = arith.constant 0 : index
    %get3A_37 = vector.load %arg4[%get3A_35, %get3A_36] : memref<1x128xf32, #tpu.memory_space<vmem>>, vector<1x128xf32>
    %sub3A_38 = vector.broadcast %div3A_24 : vector<1x128xf32> to vector<5000x128xf32>
    %sub3A_39 = arith.subf %add3A_21, %sub3A_38 : vector<5000x128xf32>
    %mul3A_40 = vector.broadcast %get3A_37 : vector<1x128xf32> to vector<5000x128xf32>
    %mul3A_41 = arith.mulf %mul3A_40, %sub3A_39 : vector<5000x128xf32>
    %add3A_42 = arith.constant 9.99999974E-6 : f32
    %add3A_43 = vector.broadcast %add3A_42 : f32 to vector<1x128xf32>
    %add3A_44 = arith.addf %div3A_34, %add3A_43 : vector<1x128xf32>
    %rsqrt3A = math.rsqrt %add3A_44 : vector<1x128xf32>
    %mul3A_45 = vector.broadcast %rsqrt3A : vector<1x128xf32> to vector<5000x128xf32>
    %mul3A_46 = arith.mulf %mul3A_41, %mul3A_45 : vector<5000x128xf32>
    %get3A_47 = arith.constant 0 : index
    %get3A_48 = arith.constant 0 : index
    %get3A_49 = vector.load %arg5[%get3A_47, %get3A_48] : memref<1x128xf32, #tpu.memory_space<vmem>>, vector<1x128xf32>
    %add3A_50 = vector.broadcast %get3A_49 : vector<1x128xf32> to vector<5000x128xf32>
    %add3A_51 = arith.addf %mul3A_46, %add3A_50 : vector<5000x128xf32>
    %max3A = arith.constant 0.000000e+00 : f32
    %max3A_52 = vector.broadcast %max3A : f32 to vector<5000x128xf32>
    %max3A_53 = arith.maximumf %add3A_51, %max3A_52 : vector<5000x128xf32>
    %get3A_54 = arith.constant 0 : index
    %get3A_55 = arith.constant 0 : index
    %get3A_56 = vector.load %arg2[%get3A_54, %get3A_55] : memref<5000x1xf32, #tpu.memory_space<vmem>>, vector<5000x1xf32>
    %get3A_57 = arith.constant 0 : index
    %get3A_58 = arith.constant 0 : index
    %get3A_59 = vector.load %arg6[%get3A_57, %get3A_58] : memref<128x128xf32, #tpu.memory_space<vmem>>, vector<128x128xf32>
    %dot_general3A = arith.constant dense<0.000000e+00> : vector<5000x128xf32>
    %dot_general3A_60 = tpu.matmul %max3A_53, %get3A_59, %dot_general3A {dimension_numbers = #tpu.dot_dimension_numbers<[1], [0], [0], [1], [0, 0, 1, 1], [], []>, transpose_lhs_hint = false} : vector<5000x128xf32>, vector<128x128xf32>, vector<5000x128xf32> -> vector<5000x128xf32>
    %mul3A_61 = vector.broadcast %get3A_56 : vector<5000x1xf32> to vector<5000x128xf32>
    %mul3A_62 = arith.mulf %mul3A_61, %dot_general3A_60 : vector<5000x128xf32>
    %swap3A = arith.constant 0 : index
    %swap3A_63 = arith.constant 0 : index
    %swap3A_64 = vector.load %arg7[%swap3A, %swap3A_63] : memref<5120x128xf32, #tpu.memory_space<vmem>>, vector<5000x128xf32>
    tpu.vector_store %arg7[%swap3A, %swap3A_63], %mul3A_62 {strides = array<i32>} : memref<5120x128xf32, #tpu.memory_space<vmem>>, vector<5000x128xf32>,
    %broadcast_in_dim3A_65 = arith.constant 0.000000e+00 : f32
    %broadcast_in_dim3A_66 = vector.broadcast %broadcast_in_dim3A_65 : f32 to vector<120x128xf32>
    %swap3A_67 = arith.constant 5000 : index
    %swap3A_68 = arith.constant 0 : index
    %swap3A_69 = vector.load %arg7[%swap3A_67, %swap3A_68] : memref<5120x128xf32, #tpu.memory_space<vmem>>, vector<120x128xf32>
    tpu.vector_store %arg7[%swap3A_67, %swap3A_68], %broadcast_in_dim3A_66 {strides = array<i32>} : memref<5120x128xf32, #tpu.memory_space<vmem>>, vector<120x128xf32>,
    return
  }
}

module attributes {stable_mosaic.version = 14 : i64} {
  func.func @_tc_final_body(%arg0: memref<2x5120x128xf32, #tpu.memory_space<vmem>>, %arg1: memref<5120x128xf32, #tpu.memory_space<vmem>>, %arg2: memref<5000x1xf32, #tpu.memory_space<vmem>>, %arg3: memref<1x128xf32, #tpu.memory_space<vmem>>, %arg4: memref<5000x128xf32, #tpu.memory_space<vmem>>) attributes {dimension_semantics = [], scalar_prefetch = 0 : i64, scratch_operands = 0 : i64, tpu.core_type = #tpu.core_type<tc>} {
    %get3A = arith.constant 0 : index
    %get3A_0 = arith.constant 0 : index
    %get3A_1 = arith.constant 0 : index
    %get3A_2 = vector.load %arg0[%get3A, %get3A_0, %get3A_1] : memref<2x5120x128xf32, #tpu.memory_space<vmem>>, vector<1x5000x128xf32>
    %get3A_3 = vector.shape_cast %get3A_2 : vector<1x5000x128xf32> to vector<5000x128xf32>
    %get3A_4 = arith.constant 1 : index
    %get3A_5 = arith.constant 0 : index
    %get3A_6 = arith.constant 0 : index
    %get3A_7 = vector.load %arg0[%get3A_4, %get3A_5, %get3A_6] : memref<2x5120x128xf32, #tpu.memory_space<vmem>>, vector<1x5000x128xf32>
    %get3A_8 = vector.shape_cast %get3A_7 : vector<1x5000x128xf32> to vector<5000x128xf32>
    %add3A = arith.addf %get3A_3, %get3A_8 : vector<5000x128xf32>
    %get3A_9 = arith.constant 0 : index
    %get3A_10 = arith.constant 0 : index
    %get3A_11 = vector.load %arg2[%get3A_9, %get3A_10] : memref<5000x1xf32, #tpu.memory_space<vmem>>, vector<5000x1xf32>
    %get3A_12 = arith.constant 0 : index
    %get3A_13 = arith.constant 0 : index
    %get3A_14 = vector.load %arg1[%get3A_12, %get3A_13] : memref<5120x128xf32, #tpu.memory_space<vmem>>, vector<5000x128xf32>
    %add3A_15 = arith.addf %add3A, %get3A_14 : vector<5000x128xf32>
    %mul3A = vector.broadcast %get3A_11 : vector<5000x1xf32> to vector<5000x128xf32>
    %mul3A_16 = arith.mulf %mul3A, %add3A_15 : vector<5000x128xf32>
    %get3A_17 = arith.constant 0 : index
    %get3A_18 = arith.constant 0 : index
    %get3A_19 = vector.load %arg3[%get3A_17, %get3A_18] : memref<1x128xf32, #tpu.memory_space<vmem>>, vector<1x128xf32>
    %add3A_20 = vector.broadcast %get3A_19 : vector<1x128xf32> to vector<5000x128xf32>
    %add3A_21 = arith.addf %mul3A_16, %add3A_20 : vector<5000x128xf32>
    %max3A = arith.constant 0.000000e+00 : f32
    %max3A_22 = vector.broadcast %max3A : f32 to vector<5000x128xf32>
    %max3A_23 = arith.maximumf %add3A_21, %max3A_22 : vector<5000x128xf32>
    %swap3A = arith.constant 0 : index
    %swap3A_24 = arith.constant 0 : index
    %swap3A_25 = vector.load %arg4[%swap3A, %swap3A_24] : memref<5000x128xf32, #tpu.memory_space<vmem>>, vector<5000x128xf32>
    tpu.vector_store %arg4[%swap3A, %swap3A_24], %max3A_23 {strides = array<i32>} : memref<5000x128xf32, #tpu.memory_space<vmem>>, vector<5000x128xf32>,
    return
  }
}

</mosaic_0001>

<sc_bundles>
// kernel: kernel.12.cloned.1.call-start
scs
__scs_entry_jumppad:
0x0: {  	(pc) =	sbr.rel $0x88, $3  }
0x1: {  	(tag) =	ssettag $0x0;
	lr =	simm.s32 $0x1  }
0x2: {  	[smem:$0x3F99] =	sst lr;
	_ =	strace $0xD0000000  }
0x3: {  	_ = 	snop  }
0x4: {  	_ = 	snop  }
0x5: {  	_ = 	snop  }
0x6: {  	_ = 	snop  }
0x7: {  	_ = 	snop  }
__scs_overlays_trampoline_lowered:
0x8: {  	[smem:$0x3FA8] =	sst s0  }
0x9: {  	[smem:$0x3FA9] =	sst s1  }
0xa: {  	[smem:$0x3FAA] =	sst s2  }
0xb: {  	[smem:$0x3FAB] =	sst s3  }
0xc: {  	[smem:$0x3FAC] =	sst s4  }
0xd: {  	[smem:$0x3FAD] =	sst s5  }
0xe: {  	[smem:$0x3FAE] =	sst s6  }
0xf: {  	[smem:$0x3FAF] =	sst s7  }
0x10: {  	[smem:$0x3FB0] =	sst s8  }
0x11: {  	[smem:$0x3FB1] =	sst s9;
	s0 =	simm.s32 @!p0 $0x0  }
0x12: {  	s1 =	sld [smem:$0x3F97];
	s0 =	simm.s32 @p0 $0x1  }
0x13: {  	[smem:$0x3FB2] =	sst s0;
	s0 =	simm.s32 @!p1 $0x0  }
0x14: {  	s2 =	sld [smem:$0x3F96];
	s0 =	simm.s32 @p1 $0x1  }
0x15: {  	[smem:$0x3FB3] =	sst s0;
	s0 =	simm.s32 @!p2 $0x0  }
0x16: {  	s3 =	sld [smem:$0x3FDB];
	s0 =	simm.s32 @p2 $0x1  }
0x17: {  	s4 =	simm.s32 $0x1BF5;
	[smem:$0x3FB5] =	sst s0  }
0x18: {  	s0 =	sld [smem:$0x3F98];
	_ =	swait.ge [sflag:s4], $0x0  }
0x19: {  	s7 =	sld [smem:$0x3F99]  }
0x1a: {  	s8 =	sadd.s32 $0xFFFFE003, lr  }
0x1b: {  	s9 =	sadd.s32 $0xFFFFFEF7, lr;
	s5 =	simm.s32 $0xFFFFFFFF;
	p2 =	slt.u32 s8, $0xFFFFF086  }
0x1c: {  	p1 =	slt.u32 s9, $0xF7A;
	s5 =	simm.s32 @!p2 $0x0  }
0x1d: {  	s5 =	simm.s32 @p1 $0x1;
	p0 =	seq.s32 s7, s2  }
0x1e: {  	s7 =	smul.u32 @!p0 $0xF7A, s2;
	p2 =	seq.s32 @!p0 s5, $0x0  }
0x1f: {  	s9 =	smul.u32 $0xF7A, s1;
	s8 =	simm.s32 @!p0 $0x1BF5;
	p2 =	por !p2, p0  }
0x20: {  	[sflag:s8] =	ssyncset.s32 @!p0 $0xFFFFF086;
	s6 =	sadd.s32 @!p0 s3, s7;
	s7 =	simm.s32 @!p0 $0x108  }
0x21: {  	s3 =	sadd.s32 s3, s9;
	s6 =	sadd.s32 @!p0 $0x88, s6;
	s7 =	simm.s32 @p2 $0x1082  }
0x22: {  	[simem:s7], [sflag:s8] =	dma.local @!p0 [hbm:s6], $0xF7A  }
0x23: {  	s9 =	sor.u32 $0xD0000000, s2;
	s6 =	simm.s32 $0x108;
	_ =	swait.ge @!p0 [sflag:s8], $0x0  }
0x24: {  	s3 =	sadd.s32 $0x88, s3;
	s6 =	simm.s32 @!p1 $0x1082;
	[sflag:s4] =	ssyncset.s32 $0xFFFFF086  }
0x25: {  	[simem:s6], [sflag:s4] =	dma.local [hbm:s3], $0xF7A  }
0x26: {  	[smem:$0x3F99] =	sst s1;
	(tag) =	ssettag s2;
	_ =	strace s9  }
0x27: {  	s1 =	sld [smem:$0x3FA9]  }
0x28: {  	s2 =	sld [smem:$0x3FAA]  }
0x29: {  	s4 =	sld [smem:$0x3FAC]  }
0x2a: {  	p0 =	seq.s32 s5, $0x0;
	s5 =	sld [smem:$0x3FAD]  }
0x2b: {  	s6 =	sld [smem:$0x3FAE]  }
0x2c: {  	s7 =	sld [smem:$0x3FAF]  }
0x2d: {  	s3 =	simm.s32 $0x108;
	s8 =	sld [smem:$0x3FB0]  }
0x2e: {  	s3 =	simm.s32 @!p0 $0x1082;
	s9 =	sld [smem:$0x3FB1]  }
0x2f: {  	lr =	sadd.s32 s0, s3;
	s0 =	sld [smem:$0x3FA8]  }
0x30: {  	s3 =	sld [smem:$0x3FAB]  }
0x31: {  	[smem:$0x3FB4] =	sst s10  }
0x32: {  	s10 =	sld [smem:$0x3FB2];
	_ =	sdelay $0x3  }
0x33: {  	p0 =	seq.s32 s10, $0x1;
	s10 =	sld [smem:$0x3FB4];
	_ =	sdelay $0x3  }
0x34: {  	[smem:$0x3FB4] =	sst s10  }
0x35: {  	s10 =	sld [smem:$0x3FB3];
	_ =	sdelay $0x3  }
0x36: {  	p1 =	seq.s32 s10, $0x1;
	s10 =	sld [smem:$0x3FB4];
	_ =	sdelay $0x3  }
0x37: {  	[smem:$0x3FB4] =	sst s10  }
0x38: {  	s10 =	sld [smem:$0x3FB5]  }
0x39: {  	_ = 	snop;
	(pc) =	sbr.ind lr, $3  }
0x3a: {  	_ = 	snop  }
0x3b: {  	_ = 	snop  }
0x3c: {  	p2 =	seq.s32 s10, $0x1;
	s10 =	sld [smem:$0x3FB4]  }
0x3d: {  	_ =	shalt  }
0x3e: {  	_ =	shalt  }
0x3f: {  	_ =	shalt  }
0x40: {  	_ =	shalt  }
0x41: {  	_ =	shalt  }
0x42: {  	_ =	shalt  }
0x43: {  	_ =	shalt  }
0x44: {  	_ =	shalt  }
0x45: {  	_ =	shalt  }
0x46: {  	_ =	shalt  }
0x47: {  	_ =	shalt  }
0x48: {  	_ =	shalt  }
0x49: {  	_ =	shalt  }
0x4a: {  	_ =	shalt  }
0x4b: {  	_ =	shalt  }
0x4c: {  	_ =	shalt  }
0x4d: {  	_ =	shalt  }
0x4e: {  	_ =	shalt  }
0x4f: {  	_ =	shalt  }
0x50: {  	_ =	shalt  }
0x51: {  	_ =	shalt  }
0x52: {  	_ =	shalt  }
0x53: {  	_ =	shalt  }
0x54: {  	_ =	shalt  }
0x55: {  	_ =	shalt  }
0x56: {  	_ =	shalt  }
0x57: {  	_ =	shalt  }
0x58: {  	_ =	shalt  }
0x59: {  	_ =	shalt  }
0x5a: {  	_ =	shalt  }
0x5b: {  	_ =	shalt  }
0x5c: {  	_ =	shalt  }
0x5d: {  	_ =	shalt  }
0x5e: {  	_ =	shalt  }
0x5f: {  	_ =	shalt  }
0x60: {  	_ =	shalt  }
0x61: {  	_ =	shalt  }
0x62: {  	_ =	shalt  }
0x63: {  	_ =	shalt  }
0x64: {  	_ =	shalt  }
0x65: {  	_ =	shalt  }
0x66: {  	_ =	shalt  }
0x67: {  	_ =	shalt  }
0x68: {  	_ =	shalt  }
0x69: {  	_ =	shalt  }
0x6a: {  	_ =	shalt  }
0x6b: {  	_ =	shalt  }
0x6c: {  	_ =	shalt  }
0x6d: {  	_ =	shalt  }
0x6e: {  	_ =	shalt  }
0x6f: {  	_ =	shalt  }
0x70: {  	_ =	shalt  }
0x71: {  	_ =	shalt  }
0x72: {  	_ =	shalt  }
0x73: {  	_ =	shalt  }
0x74: {  	_ =	shalt  }
0x75: {  	_ =	shalt  }
0x76: {  	_ =	shalt  }
0x77: {  	_ =	shalt  }
0x78: {  	_ =	shalt  }
0x79: {  	_ =	shalt  }
0x7a: {  	_ =	shalt  }
0x7b: {  	_ =	shalt  }
0x7c: {  	_ =	shalt  }
0x7d: {  	_ =	shalt  }
0x7e: {  	_ =	shalt  }
0x7f: {  	_ =	shalt  }
0x80: {  	_ =	shalt  }
0x81: {  	_ =	shalt  }
0x82: {  	_ =	shalt  }
0x83: {  	_ =	shalt  }
0x84: {  	_ =	shalt  }
0x85: {  	_ =	shalt  }
0x86: {  	_ =	shalt  }
0x87: {  	_ =	shalt  }
.Lfunc_end0:
.L_simem_size_0:
called_computation.1_lowered:
.L_overlay_start_0:
0x88: {  	s2 =	sld [smem:$0x3FD9]  }
0x89: {  	s3 =	sld [smem:$0x3FFE];
	_ =	sdelay $0x1  }
0x8a: {  	s1 =	srdreg.scid  }
0x8b: {  	s0 =	sand.u32 $0x1, s1  }
0x8c: {  	s16 =	sshll.u32 s0, $0xA;
	s2 =	sadd.s32 s3, s2  }
0x8d: {  	s2 =	sadd.s32 s2, s16  }
0x8e: {  	[smem:$0x3FC0] =	sst s2  }
0x8f: {  	_ = 	snop  }
0x90: {  	(tm) =	ssettm $0x1  }
0x91: {  	s17 =	sld [smem:$0x3FFB];
	_ =	sdelay $0x3  }
0x92: {  	_ =	strace s17  }
0x93: {  	s2 =	sld [smem:$0x3FFC];
	_ =	sdelay $0x3  }
0x94: {  	_ =	strace s2  }
0x95: {  	s2 =	sld [smem:$0x3FFD];
	_ =	sdelay $0x3  }
0x96: {  	_ =	strace s2  }
0x97: {  	_ =	strace $0x8FFFFFFF  }
0x98: {  	s18 =	sld [smem:$0x3FDB];
	_ =	sdelay $0x1  }
0x99: {  	s19 =	simm.s32 $_scs_section_size  }
0x9a: {  	s4 =	simm.s32 $_size__tile_overlayer_lowered;
	s5 =	simm.s32 $_tile_overlayer_lowered  }
0x9b: {  	s22 =	simm.s32 $0x1BFF;
	s21 =	sshll.u32 s5, $0x1;
	s2 =	sadd.s32 s19, s18  }
0x9c: {  	s6 =	simm.s32 $0x0;
	s20 =	sshll.u32 s4, $0x1;
	s4 =	sadd.s32 s21, s2  }
0x9d: {  	[timem:s6], [sflag:s22] =	dma.local [hbm:s4], s20  }
0x9e: {  	_ =	swait.ge [sflag:s22], s20  }
0x9f: {  	s3 =	ssub.s32 $0x0, s20;
	[sflag:s22] =	ssyncset.done $0x0  }
0xa0: {  	[sflag:s22] =	ssyncadd.s32 s3;
	_ =	sdelay $0x1  }
0xa1: {  	s23 =	simm.s32 $0x1B8B  }
0xa2: {  	_ =	swait.ge [sflag:s23], $0x1  }
0xa3: {  	[sflag:s23] =	ssyncset.done $0x0  }
0xa4: {  	s25 =	simm.s32 $0x1B8E;
	s24 =	sld [smem:$0x3FFE];
	[sflag:s23] =	ssyncadd.s32 $0xFFFFFFFF  }
0xa5: {  	s26 =	simm.s32 $execute0_lowered;
	[smem:$0x3FD2] =	sst s25  }
0xa6: {  	s4 =	sshll.u32 s26, $0x1;
	_ =	strace $0x80000049;
	[dreg:$0x1] =	wrdreg $0xFFFFFFFF  }
0xa7: {  	s28 =	simm.s32 $_size_execute0_lowered;
	s2 =	sadd.s32 s2, s4;
	[dreg:$0x0] =	wrdreg $0x0  }
0xa8: {  	s4 =	sshll.u32 s28, $0x1;
	[dreg:$0x2] =	wrdreg s2  }
0xa9: {  	[dreg:$0x3] =	wrdreg s4  }
0xaa: {  	[dreg:$0x4] =	wrdreg $0xC0  }
0xab: {  	_ =	task [dreg:s6], $0x5FFFF  }
0xac: {  	[dreg:$0x1] =	wrdreg $0xFFFFFFFF  }
0xad: {  	[dreg:$0x0] =	wrdreg $0x60  }
0xae: {  	[dreg:$0x2] =	wrdreg s24  }
0xaf: {  	[dreg:$0x3] =	wrdreg $0x0  }
0xb0: {  	[dreg:$0x4] =	wrdreg $0xA0000  }
0xb1: {  	[dreg:$0x5] =	wrdreg $0x9  }
0xb2: {  	_ =	task.clear_ibuf [dreg:s6], $0x6FFFF;
	_ =	strace $0x90000049  }
0xb3: {  	s29 =	simm.s32 $0x9;
	_ =	strace $0x8000004B  }
0xb4: {  	_ =	swait.ge [sflag:s29], $0x1  }
0xb5: {  	[sflag:s29] =	ssyncadd.s32 $0xFFFFFFFF  }
0xb6: {  	_ =	strace $0x9000004B  }
0xb7: {  	_ =	sfence  }
0xb8: {  	s30 =	sld [smem:$0x0];
	_ =	sdelay $0x2  }
0xb9: {  	s31 =	sshll.u32 s1, $0xD;
	s1 =	sshrl.u32 s1, $0x2  }
0xba: {  	s3 =	sand.u32 $0x4000, s31;
	s1 =	sadd.s32 s1, s30  }
0xbb: {  	s0 =	sor.u32 s3, s0;
	s1 =	sshll.u32 s1, $0x11  }
0xbc: {  	s0 =	sor.u32 s1, s0  }
0xbd: {  	s0 =	sadd.s32 $0x8F2B, s0  }
0xbe: {  	[sflag:s0] =	ssyncadd.remote.s32 $0x1  }
0xbf: {  	_ =	sfence.sel $0xFFFF  }
0xc0: {  	[dreg:$0x0] =	wrdreg $0xFFFFFFFF;
	(pc) =	sbr.abs _section_cstart, $3  }
0xc1: {  	[dreg:$0x1] =	wrdreg $0xFFFFFFFF  }
0xc2: {  	_ =	task.clear_ibuf [dreg:s6], $0x2FFFF;
	_ =	strace $0x9FFFFFFF  }
0xc3: {  	(tm) =	ssettm $0x7FFFFFFF  }
tec
execute0_lowered:
.L_overlay_start_1:
0x0: {  	(tag) =	ssettag $0x1  }
0x1: {  	s0 =	srdreg.scid  }
0x2: {  	s9 =	stileid.u32;
	s1 =	rddreg [dreg:$0x0]  }
0x3: {  	s2 =	rddreg [dreg:$0x1];
	s20 =	simm.s32 $0x3;
	s21 =	simm.s32 $0x16A00  }
0x4: {  	s22 =	simm.s32 $0x80;
	s23 =	simm.s32 $0x16800;
	s24 =	simm.s32 $0x1  }
0x5: {  	s25 =	simm.s32 $0x16880;
	s28 =	simm.s32 $0x16900;
	s29 =	simm.s32 $0x4  }
0x6: {  	s30 =	simm.s32 $0x2;
	s31 =	simm.s32 $0x16980;
	s12 =	smul.u32 $0xA000, s9  }
0x7: {  	s0 =	sand.u32 $0x1, s0;
	s3 =	sshll.u32 s9, $0x1;
	s8 =	smul.u32 $0x28000, s9  }
0x8: {  	s15 =	sadd.s32 $0x3400, s1;
	s14 =	smul.u32 $0x140, s9;
	s4 =	sor.u32 s0, s3  }
0x9: {  	s3 =	rddreg [dreg:$0x2];
	s6 =	smul.u32 $0xA0000, s0;
	s0 =	ssub.s32 $0x2, s0  }
0xa: {  	s5 =	smul.u32 $0x500, s4;
	s4 =	simm.s32 $0x0;
	s26 =	sshrl.u32 s0, $0x1  }
0xb: {  	s8 =	sshrl.u32 s8, $0x2;
	s11 =	sshrl.u32 s12, $0x3;
	s16 =	sadd.s32 $0x80, s14  }
0xc: {  	s14 =	sadd.s32 $0x100, s14;
	[smem:$0x7FF] =	sst s4;
	s6 =	sadd.s32 s12, s6  }
0xd: {  	s0 =	ssub.s32 s0, s26;
	s10 =	sadd.s32 s8, s2;
	s11 =	sadd.s32 s15, s11  }
0xe: {  	s13 =	sshll.u32 s16, $0x4;
	s16 =	sshll.u32 s16, $0x7;
	s17 =	sshll.u32 s14, $0x4  }
0xf: {  	s18 =	sshll.u32 s14, $0x7;
	s26 =	simm.s32 $0x1AA00;
	_ =	strace $0x8000004A  }
0x10: {  	s7 =	sadd.s32 s5, s1;
	s5 =	sadd.s32 $0x2E00, s1;
	s6 =	sshrl.u32 s6, $0x3  }
.Ltmp0:
0x11: {  	s8 =	sadd.s32 $0x2800, s10;
	s9 =	sadd.s32 $0x5000, s10;
	(pc) =	sbr.rel .LBB2_1-.Ltmp0, $4  }
0x12: {  	s10 =	sadd.s32 $0x7800, s10;
	s13 =	sadd.s32 s15, s13;
	s14 =	sadd.s32 s16, s3  }
0x13: {  	s15 =	sadd.s32 s15, s17;
	s16 =	sadd.s32 s18, s3;
	s18 =	smax.u32 s0, $0x1  }
0x14: {  	s1 =	sadd.s32 s6, s1;
	s6 =	sadd.s32 $0x2BC00, s7;
	s7 =	sadd.s32 s12, s2  }
0x15: {  	s12 =	sadd.s32 s12, s3;
	s17 =	sadd.s32 $0x35C00, s1;
	s1 =	simm.s32 $0x0  }
.LBB2_4:
0x16: {  	_ =	swait.ge [sflag:s30], $0x4000  }
0x17: {  	[sflag:s30] =	ssyncset.done $0x0  }
0x18: {  	[sflag:s30] =	ssyncadd.s32 $0xFFFFC000  }
0x19: {  	[spmem:s2] =	stream.indirect.scatter.add.f32 [tilespmem:s26], [sflag:$0x3], $0x80, s31, s22, $0xb8;
	[tilespmem:$0x1EA00] =	vst v63  }
0x1a: {  	s0 =	stileid.u32;
	_ =	swait.ge [sflag:s20], $0x4000  }
0x1b: {  	s19 =	sshrl.u32 s7, $0x3;
	s1 =	sadd.s32 $0x1, s1;
	[sflag:s20] =	ssyncset.done $0x0  }
0x1c: {  	s0 =	sshll.u32 s0, $0x6;
	p0 =	sne.s32 s1, s18;
	[sflag:s20] =	ssyncadd.s32 $0xFFFFC000  }
.Ltmp1:
0x1d: {  	s0 =	sor.u32 $0x1C03, s0;
	[bflag:$0x0] =	sbarrier.arrive $0xFFFF;
	(pc) =	sbr.rel @!p0 .LBB2_5-.Ltmp1, $4  }
0x1e: {  	[hbm:s17], [sflag:s0] =	dma.local [spmem:s19], $0x1400  }
0x1f: {  	_ =	swait.ge [sflag:s20], $0x1400  }
0x20: {  	[sflag:s20] =	ssyncset.done $0x0  }
0x21: {  	[sflag:s20] =	ssyncadd.s32 $0xFFFFEC00  }
.LBB2_1:
0x22: {  	s0 =	simm.s32 $0x14000  }
0x23: {  	[tilespmem:s0], [sflag:$0x3] =	stream.linear.gather [hbm4b:s6+s4], $0x2800, $0x38;
	[tilespmem:$0x1EA00] =	vst v63  }
0x24: {  	_ =	swait.ge [sflag:s20], $0x2800  }
0x25: {  	[sflag:s20] =	ssyncset.done $0x0  }
0x26: {  	[sflag:s20] =	ssyncadd.s32 $0xFFFFD800  }
0x27: {  	[tilespmem:s21], [sflag:$0x3] =	stream.linear.gather [hbm4b:s5+s4], $0x2800, $0x38;
	[tilespmem:$0x1EA00] =	vst v63  }
0x28: {  	_ =	swait.ge [sflag:s20], $0x2800  }
0x29: {  	[sflag:s20] =	ssyncset.done $0x0  }
0x2a: {  	[sflag:s20] =	ssyncadd.s32 $0xFFFFD800  }
0x2b: {  	[spmem:s7] =	stream.linear.scatter [tilespmem:s21], [sflag:$0x3], $0x2800, $0x38;
	[tilespmem:$0x1EA00] =	vst v63  }
0x2c: {  	_ =	swait.ge [sflag:s20], $0x2800  }
0x2d: {  	[sflag:s20] =	ssyncset.done $0x0  }
0x2e: {  	[sflag:s20] =	ssyncadd.s32 $0xFFFFD800  }
0x2f: {  	[spmem:s8] =	stream.linear.scatter [tilespmem:s21], [sflag:$0x3], $0x2800, $0x38;
	[tilespmem:$0x1EA00] =	vst v63  }
0x30: {  	_ =	swait.ge [sflag:s20], $0x2800  }
0x31: {  	[sflag:s20] =	ssyncset.done $0x0  }
0x32: {  	[sflag:s20] =	ssyncadd.s32 $0xFFFFD800  }
0x33: {  	[spmem:s9] =	stream.linear.scatter [tilespmem:s21], [sflag:$0x3], $0x2800, $0x38;
	[tilespmem:$0x1EA00] =	vst v63  }
0x34: {  	_ =	swait.ge [sflag:s20], $0x2800  }
0x35: {  	[sflag:s20] =	ssyncset.done $0x0  }
0x36: {  	[sflag:s20] =	ssyncadd.s32 $0xFFFFD800  }
0x37: {  	[spmem:s10] =	stream.linear.scatter [tilespmem:s21], [sflag:$0x3], $0x2800, $0x38;
	[tilespmem:$0x1EA00] =	vst v63  }
0x38: {  	_ =	swait.ge [sflag:s20], $0x2800  }
0x39: {  	[sflag:s20] =	ssyncset.done $0x0  }
0x3a: {  	[sflag:s20] =	ssyncadd.s32 $0xFFFFD800  }
0x3b: {  	[tilespmem:s21], [sflag:$0x3] =	stream.linear.gather [hbm4b:s11+s4], $0x4000, $0x38;
	[tilespmem:$0x1EA00] =	vst v63  }
0x3c: {  	_ =	swait.ge [sflag:s20], $0x4000  }
0x3d: {  	[sflag:s20] =	ssyncset.done $0x0  }
0x3e: {  	[sflag:s20] =	ssyncadd.s32 $0xFFFFC000  }
0x3f: {  	[spmem:s12] =	stream.linear.scatter [tilespmem:s21], [sflag:$0x3], $0x4000, $0x38;
	[tilespmem:$0x1EA00] =	vst v63  }
0x40: {  	_ =	swait.ge [sflag:s20], $0x4000  }
0x41: {  	[sflag:s20] =	ssyncset.done $0x0  }
0x42: {  	[sflag:s20] =	ssyncadd.s32 $0xFFFFC000  }
0x43: {  	[tilespmem:s21], [sflag:$0x3] =	stream.linear.gather [hbm4b:s13+s4], $0x4000, $0x38;
	[tilespmem:$0x1EA00] =	vst v63  }
0x44: {  	_ =	swait.ge [sflag:s20], $0x4000  }
0x45: {  	[sflag:s20] =	ssyncset.done $0x0  }
0x46: {  	[sflag:s20] =	ssyncadd.s32 $0xFFFFC000  }
0x47: {  	[spmem:s14] =	stream.linear.scatter [tilespmem:s21], [sflag:$0x3], $0x4000, $0x38;
	[tilespmem:$0x1EA00] =	vst v63  }
0x48: {  	_ =	swait.ge [sflag:s20], $0x4000  }
0x49: {  	[sflag:s20] =	ssyncset.done $0x0  }
0x4a: {  	[sflag:s20] =	ssyncadd.s32 $0xFFFFC000  }
0x4b: {  	[tilespmem:s21], [sflag:$0x3] =	stream.linear.gather [hbm4b:s15+s4], $0x2000, $0x38;
	[tilespmem:$0x1EA00] =	vst v63  }
0x4c: {  	_ =	swait.ge [sflag:s20], $0x2000  }
0x4d: {  	[sflag:s20] =	ssyncset.done $0x0  }
0x4e: {  	[sflag:s20] =	ssyncadd.s32 $0xFFFFE000  }
0x4f: {  	[spmem:s16] =	stream.linear.scatter [tilespmem:s21], [sflag:$0x3], $0x2000, $0x38;
	[tilespmem:$0x1EA00] =	vst v63  }
0x50: {  	_ =	swait.ge [sflag:s20], $0x2000  }
0x51: {  	[sflag:s20] =	ssyncset.done $0x0  }
0x52: {  	[sflag:s20] =	ssyncadd.s32 $0xFFFFE000  }
0x53: {  	[bflag:$0x0] =	sbarrier.arrive $0xFFFF  }
0x54: {  	v0 =	vld [tilespmem:$0x14000];
	_ =	sdelay $0x1  }
0x55: {  	v1 =	vld [tilespmem:$0x14010];
	_ =	sdelay $0x1  }
0x56: {  	v2 =	vld [tilespmem:$0x14020]  }
0x57: {  	v3 =	vand.u32 $0xFFFF, v0  }
0x58: {  	v45 =	vld [tilespmem:$0x14030];
	v0 =	vshrl.u32 v0, $0x10;
	[tilespmem:$0x16800] =	vst v3  }
0x59: {  	v46 =	vand.u32 $0xFFFF, v1;
	[tilespmem:$0x16900] =	vst v0  }
0x5a: {  	v48 =	vld [tilespmem:$0x14040];
	v47 =	vshrl.u32 v1, $0x10;
	[tilespmem:$0x16810] =	vst v46  }
0x5b: {  	v49 =	vand.u32 $0xFFFF, v2;
	[tilespmem:$0x16910] =	vst v47  }
0x5c: {  	v51 =	vld [tilespmem:$0x14050];
	v50 =	vshrl.u32 v2, $0x10;
	[tilespmem:$0x16820] =	vst v49  }
0x5d: {  	v52 =	vand.u32 $0xFFFF, v45;
	[tilespmem:$0x16920] =	vst v50  }
0x5e: {  	v54 =	vld [tilespmem:$0x14060];
	v53 =	vshrl.u32 v45, $0x10;
	[tilespmem:$0x16830] =	vst v52  }
0x5f: {  	v55 =	vand.u32 $0xFFFF, v48;
	[tilespmem:$0x16930] =	vst v53  }
0x60: {  	v57 =	vld [tilespmem:$0x14070];
	v56 =	vshrl.u32 v48, $0x10;
	[tilespmem:$0x16840] =	vst v55  }
0x61: {  	v58 =	vand.u32 $0xFFFF, v51;
	[tilespmem:$0x16940] =	vst v56  }
0x62: {  	v59 =	vshrl.u32 v51, $0x10;
	[tilespmem:$0x16850] =	vst v58  }
0x63: {  	v60 =	vand.u32 $0xFFFF, v54;
	[tilespmem:$0x16950] =	vst v59  }
0x64: {  	v61 =	vshrl.u32 v54, $0x10;
	[tilespmem:$0x16860] =	vst v60  }
0x65: {  	v62 =	vand.u32 $0xFFFF, v57;
	[tilespmem:$0x16960] =	vst v61  }
0x66: {  	v63 =	vshrl.u32 v57, $0x10;
	[tilespmem:$0x16870] =	vst v62  }
0x67: {  	s0 =	simm.s32 $0x0;
	[tilespmem:$0x16970] =	vst v63  }
0x68: {  	[tilespmem:s21], [sflag:$0x1] =	stream.indirect.gather [spmem:s3], $0x80, s23, s22, $0xb8;
	[tilespmem:$0x1EA00] =	vst v63  }
.LBB2_2:
0x69: {  	s19 =	sshra.s32 s0, $0x2  }
0x6a: {  	v0 =	vld [tilespmem:s19+$0x14080];
	_ =	sdelay $0x4  }
0x6b: {  	v1 =	vand.u32 $0xFFFF, v0  }
0x6c: {  	v0 =	vshrl.u32 v0, $0x10;
	[tilespmem:$0x16880] =	vst v1  }
0x6d: {  	[tilespmem:$0x16980] =	vst v0  }
0x6e: {  	v0 =	vld [tilespmem:s19+$0x14090];
	_ =	sdelay $0x4  }
0x6f: {  	v57 =	vand.u32 $0xFFFF, v0  }
0x70: {  	v0 =	vshrl.u32 v0, $0x10;
	[tilespmem:$0x16890] =	vst v57  }
0x71: {  	[tilespmem:$0x16990] =	vst v0  }
0x72: {  	v0 =	vld [tilespmem:s19+$0x140A0];
	_ =	sdelay $0x4  }
0x73: {  	v58 =	vand.u32 $0xFFFF, v0  }
0x74: {  	v0 =	vshrl.u32 v0, $0x10;
	[tilespmem:$0x168A0] =	vst v58  }
0x75: {  	[tilespmem:$0x169A0] =	vst v0  }
0x76: {  	v0 =	vld [tilespmem:s19+$0x140B0];
	_ =	sdelay $0x4  }
0x77: {  	v59 =	vand.u32 $0xFFFF, v0  }
0x78: {  	v0 =	vshrl.u32 v0, $0x10;
	[tilespmem:$0x168B0] =	vst v59  }
0x79: {  	[tilespmem:$0x169B0] =	vst v0  }
0x7a: {  	v0 =	vld [tilespmem:s19+$0x140C0];
	_ =	sdelay $0x4  }
0x7b: {  	v60 =	vand.u32 $0xFFFF, v0  }
0x7c: {  	v0 =	vshrl.u32 v0, $0x10;
	[tilespmem:$0x168C0] =	vst v60  }
0x7d: {  	[tilespmem:$0x169C0] =	vst v0  }
0x7e: {  	v0 =	vld [tilespmem:s19+$0x140D0];
	_ =	sdelay $0x4  }
0x7f: {  	v61 =	vand.u32 $0xFFFF, v0  }
0x80: {  	v0 =	vshrl.u32 v0, $0x10;
	[tilespmem:$0x168D0] =	vst v61  }
0x81: {  	[tilespmem:$0x169D0] =	vst v0  }
0x82: {  	v0 =	vld [tilespmem:s19+$0x140E0];
	_ =	sdelay $0x4  }
0x83: {  	v62 =	vand.u32 $0xFFFF, v0  }
0x84: {  	v0 =	vshrl.u32 v0, $0x10;
	[tilespmem:$0x168E0] =	vst v62  }
0x85: {  	[tilespmem:$0x169E0] =	vst v0  }
0x86: {  	v0 =	vld [tilespmem:s19+$0x140F0];
	_ =	sdelay $0x4  }
0x87: {  	v63 =	vand.u32 $0xFFFF, v0  }
0x88: {  	v0 =	vshrl.u32 v0, $0x10;
	[tilespmem:$0x168F0] =	vst v63  }
0x89: {  	[tilespmem:$0x169F0] =	vst v0  }
0x8a: {  	_ =	swait.ge [sflag:s24], $0x4000  }
0x8b: {  	[sflag:s24] =	ssyncset.done $0x0  }
0x8c: {  	p0 =	seq.s32 s0, $0x9C00;
	[sflag:s24] =	ssyncadd.s32 $0xFFFFC000  }
0x8d: {  	[tilespmem:s26], [sflag:$0x2] =	stream.indirect.gather [spmem:s3], $0x80, s25, s22, $0xb8;
	[tilespmem:$0x1EA00] =	vst v63  }
.Ltmp2:
0x8e: {  	_ = 	snop;
	(pc) =	sbr.rel @p0 .LBB2_4-.Ltmp2, $4  }
0x8f: {  	[spmem:s2] =	stream.indirect.scatter.add.f32 [tilespmem:s21], [sflag:$0x4], $0x80, s28, s22, $0xb8;
	[tilespmem:$0x1EA00] =	vst v63  }
0x90: {  	_ =	swait.ge [sflag:s29], $0x4000  }
0x91: {  	[sflag:s29] =	ssyncset.done $0x0  }
0x92: {  	[sflag:s29] =	ssyncadd.s32 $0xFFFFC000  }
0x93: {  	v0 =	vld [tilespmem:s19+$0x14100];
	_ =	sdelay $0x4  }
0x94: {  	v1 =	vand.u32 $0xFFFF, v0  }
0x95: {  	v0 =	vshrl.u32 v0, $0x10;
	[tilespmem:$0x16800] =	vst v1  }
0x96: {  	[tilespmem:$0x16900] =	vst v0  }
0x97: {  	v0 =	vld [tilespmem:s19+$0x14110];
	_ =	sdelay $0x4  }
0x98: {  	v57 =	vand.u32 $0xFFFF, v0  }
0x99: {  	v0 =	vshrl.u32 v0, $0x10;
	[tilespmem:$0x16810] =	vst v57  }
0x9a: {  	[tilespmem:$0x16910] =	vst v0  }
0x9b: {  	v0 =	vld [tilespmem:s19+$0x14120];
	_ =	sdelay $0x4  }
0x9c: {  	v58 =	vand.u32 $0xFFFF, v0  }
0x9d: {  	v0 =	vshrl.u32 v0, $0x10;
	[tilespmem:$0x16820] =	vst v58  }
0x9e: {  	[tilespmem:$0x16920] =	vst v0  }
0x9f: {  	v0 =	vld [tilespmem:s19+$0x14130];
	_ =	sdelay $0x4  }
0xa0: {  	v59 =	vand.u32 $0xFFFF, v0  }
0xa1: {  	v0 =	vshrl.u32 v0, $0x10;
	[tilespmem:$0x16830] =	vst v59  }
0xa2: {  	[tilespmem:$0x16930] =	vst v0  }
0xa3: {  	v0 =	vld [tilespmem:s19+$0x14140];
	_ =	sdelay $0x4  }
0xa4: {  	v60 =	vand.u32 $0xFFFF, v0  }
0xa5: {  	v0 =	vshrl.u32 v0, $0x10;
	[tilespmem:$0x16840] =	vst v60  }
0xa6: {  	[tilespmem:$0x16940] =	vst v0  }
0xa7: {  	v0 =	vld [tilespmem:s19+$0x14150];
	_ =	sdelay $0x4  }
0xa8: {  	v61 =	vand.u32 $0xFFFF, v0  }
0xa9: {  	v0 =	vshrl.u32 v0, $0x10;
	[tilespmem:$0x16850] =	vst v61  }
0xaa: {  	[tilespmem:$0x16950] =	vst v0  }
0xab: {  	v0 =	vld [tilespmem:s19+$0x14160];
	_ =	sdelay $0x4  }
0xac: {  	v62 =	vand.u32 $0xFFFF, v0  }
0xad: {  	v0 =	vshrl.u32 v0, $0x10;
	[tilespmem:$0x16860] =	vst v62  }
0xae: {  	[tilespmem:$0x16960] =	vst v0  }
0xaf: {  	v0 =	vld [tilespmem:s19+$0x14170];
	_ =	sdelay $0x4  }
0xb0: {  	v63 =	vand.u32 $0xFFFF, v0  }
0xb1: {  	v0 =	vshrl.u32 v0, $0x10;
	[tilespmem:$0x16870] =	vst v63  }
0xb2: {  	[tilespmem:$0x16970] =	vst v0  }
0xb3: {  	_ =	swait.ge [sflag:s30], $0x4000  }
0xb4: {  	[sflag:s30] =	ssyncset.done $0x0  }
0xb5: {  	[sflag:s30] =	ssyncadd.s32 $0xFFFFC000  }
0xb6: {  	[tilespmem:s21], [sflag:$0x1] =	stream.indirect.gather [spmem:s3], $0x80, s23, s22, $0xb8;
	[tilespmem:$0x1EA00] =	vst v63  }
.Ltmp3:
0xb7: {  	_ = 	snop;
	(pc) =	sbr.rel .LBB2_2-.Ltmp3, $4  }
0xb8: {  	[spmem:s2] =	stream.indirect.scatter.add.f32 [tilespmem:s26], [sflag:$0x4], $0x80, s31, s22, $0xb8;
	[tilespmem:$0x1EA00] =	vst v63  }
0xb9: {  	_ =	swait.ge [sflag:s29], $0x4000  }
0xba: {  	[sflag:s29] =	ssyncset.done $0x0  }
0xbb: {  	s0 =	sadd.s32 $0x400, s0;
	[sflag:s29] =	ssyncadd.s32 $0xFFFFC000  }
.LBB2_5:
0xbc: {  	_ =	sfence.sel $0x180000  }
0xbd: {  	[bflag:$0x0] =	sbarrier.arrive $0xFFFF  }
0xbe: {  	_ =	strace $0x9000004A  }
0xbf: {  	s0 =	stileid.u32;
	[bflag:$0x2] =	sbarrier.arrive $0xFFFF  }
0xc0: {  	p0 =	sne.s32 s0, $0x0;
	s0 =	rddreg [dreg:$0x3]  }
0xc1: {  	s0 =	sadd.s32 @!p0 $0x100000, s0  }
0xc2: {  	[sflag:s0] =	ssyncadd.tile.s32 @!p0 $0x1;
	_ =	shalt  }
.Lfunc_end2:
_tile_overlayer_lowered:
.L_overlay_start_2:
0xc3: {  	(tag) =	ssettag $0x2  }
0xc4: {  	s0 =	rddreg [dreg:$0x0];
	s2 =	stileid.u32  }
0xc5: {  	s1 =	rddreg [dreg:$0x1];
	p0 =	sne.s32 s2, $0x0  }
0xc6: {  	s3 =	rddreg [dreg:$0x2];
	[bflag:$0x3] =	sbarrier.arrive $0xFFFF;
	s2 =	simm.s32 @!p0 $0x1C03  }
0xc7: {  	[timem:s3], [sflag:s2] =	dma.local @!p0 [hbm:s0], s1  }
0xc8: {  	s0 =	simm.s32 @!p0 $0x3  }
0xc9: {  	_ =	swait.ge @!p0 [sflag:s0], s1  }
0xca: {  	s1 =	ssub.s32 @!p0 $0x0, s1;
	[sflag:s0] =	ssyncset.done @!p0 $0x0  }
0xcb: {  	[sflag:s0] =	ssyncadd.s32 @!p0 s1  }
0xcc: {  	[bflag:$0x3] =	sbarrier.arrive $0xFFFF  }
0xcd: {  	_ =	shalt  }

// kernel: kernel.15.cloned.1.call-start
scs
__scs_entry_jumppad:
0x0: {  	(pc) =	sbr.rel $0x88, $3  }
0x1: {  	(tag) =	ssettag $0x0;
	lr =	simm.s32 $0x1  }
0x2: {  	[smem:$0x3F99] =	sst lr;
	_ =	strace $0xD0000000  }
0x3: {  	_ = 	snop  }
0x4: {  	_ = 	snop  }
0x5: {  	_ = 	snop  }
0x6: {  	_ = 	snop  }
0x7: {  	_ = 	snop  }
__scs_overlays_trampoline_lowered:
0x8: {  	[smem:$0x3FA8] =	sst s0  }
0x9: {  	[smem:$0x3FA9] =	sst s1  }
0xa: {  	[smem:$0x3FAA] =	sst s2  }
0xb: {  	[smem:$0x3FAB] =	sst s3  }
0xc: {  	[smem:$0x3FAC] =	sst s4  }
0xd: {  	[smem:$0x3FAD] =	sst s5  }
0xe: {  	[smem:$0x3FAE] =	sst s6  }
0xf: {  	[smem:$0x3FAF] =	sst s7  }
0x10: {  	[smem:$0x3FB0] =	sst s8  }
0x11: {  	[smem:$0x3FB1] =	sst s9;
	s0 =	simm.s32 @!p0 $0x0  }
0x12: {  	s1 =	sld [smem:$0x3F97];
	s0 =	simm.s32 @p0 $0x1  }
0x13: {  	[smem:$0x3FB2] =	sst s0;
	s0 =	simm.s32 @!p1 $0x0  }
0x14: {  	s2 =	sld [smem:$0x3F96];
	s0 =	simm.s32 @p1 $0x1  }
0x15: {  	[smem:$0x3FB3] =	sst s0;
	s0 =	simm.s32 @!p2 $0x0  }
0x16: {  	s3 =	sld [smem:$0x3FDB];
	s0 =	simm.s32 @p2 $0x1  }
0x17: {  	s4 =	simm.s32 $0x1BF5;
	[smem:$0x3FB5] =	sst s0  }
0x18: {  	s0 =	sld [smem:$0x3F98];
	_ =	swait.ge [sflag:s4], $0x0  }
0x19: {  	s7 =	sld [smem:$0x3F99]  }
0x1a: {  	s8 =	sadd.s32 $0xFFFFE003, lr  }
0x1b: {  	s9 =	sadd.s32 $0xFFFFFEF7, lr;
	s5 =	simm.s32 $0xFFFFFFFF;
	p2 =	slt.u32 s8, $0xFFFFF086  }
0x1c: {  	p1 =	slt.u32 s9, $0xF7A;
	s5 =	simm.s32 @!p2 $0x0  }
0x1d: {  	s5 =	simm.s32 @p1 $0x1;
	p0 =	seq.s32 s7, s2  }
0x1e: {  	s7 =	smul.u32 @!p0 $0xF7A, s2;
	p2 =	seq.s32 @!p0 s5, $0x0  }
0x1f: {  	s9 =	smul.u32 $0xF7A, s1;
	s8 =	simm.s32 @!p0 $0x1BF5;
	p2 =	por !p2, p0  }
0x20: {  	[sflag:s8] =	ssyncset.s32 @!p0 $0xFFFFF086;
	s6 =	sadd.s32 @!p0 s3, s7;
	s7 =	simm.s32 @!p0 $0x108  }
0x21: {  	s3 =	sadd.s32 s3, s9;
	s6 =	sadd.s32 @!p0 $0x88, s6;
	s7 =	simm.s32 @p2 $0x1082  }
0x22: {  	[simem:s7], [sflag:s8] =	dma.local @!p0 [hbm:s6], $0xF7A  }
0x23: {  	s9 =	sor.u32 $0xD0000000, s2;
	s6 =	simm.s32 $0x108;
	_ =	swait.ge @!p0 [sflag:s8], $0x0  }
0x24: {  	s3 =	sadd.s32 $0x88, s3;
	s6 =	simm.s32 @!p1 $0x1082;
	[sflag:s4] =	ssyncset.s32 $0xFFFFF086  }
0x25: {  	[simem:s6], [sflag:s4] =	dma.local [hbm:s3], $0xF7A  }
0x26: {  	[smem:$0x3F99] =	sst s1;
	(tag) =	ssettag s2;
	_ =	strace s9  }
0x27: {  	s1 =	sld [smem:$0x3FA9]  }
0x28: {  	s2 =	sld [smem:$0x3FAA]  }
0x29: {  	s4 =	sld [smem:$0x3FAC]  }
0x2a: {  	p0 =	seq.s32 s5, $0x0;
	s5 =	sld [smem:$0x3FAD]  }
0x2b: {  	s6 =	sld [smem:$0x3FAE]  }
0x2c: {  	s7 =	sld [smem:$0x3FAF]  }
0x2d: {  	s3 =	simm.s32 $0x108;
	s8 =	sld [smem:$0x3FB0]  }
0x2e: {  	s3 =	simm.s32 @!p0 $0x1082;
	s9 =	sld [smem:$0x3FB1]  }
0x2f: {  	lr =	sadd.s32 s0, s3;
	s0 =	sld [smem:$0x3FA8]  }
0x30: {  	s3 =	sld [smem:$0x3FAB]  }
0x31: {  	[smem:$0x3FB4] =	sst s10  }
0x32: {  	s10 =	sld [smem:$0x3FB2];
	_ =	sdelay $0x3  }
0x33: {  	p0 =	seq.s32 s10, $0x1;
	s10 =	sld [smem:$0x3FB4];
	_ =	sdelay $0x3  }
0x34: {  	[smem:$0x3FB4] =	sst s10  }
0x35: {  	s10 =	sld [smem:$0x3FB3];
	_ =	sdelay $0x3  }
0x36: {  	p1 =	seq.s32 s10, $0x1;
	s10 =	sld [smem:$0x3FB4];
	_ =	sdelay $0x3  }
0x37: {  	[smem:$0x3FB4] =	sst s10  }
0x38: {  	s10 =	sld [smem:$0x3FB5]  }
0x39: {  	_ = 	snop;
	(pc) =	sbr.ind lr, $3  }
0x3a: {  	_ = 	snop  }
0x3b: {  	_ = 	snop  }
0x3c: {  	p2 =	seq.s32 s10, $0x1;
	s10 =	sld [smem:$0x3FB4]  }
0x3d: {  	_ =	shalt  }
0x3e: {  	_ =	shalt  }
0x3f: {  	_ =	shalt  }
0x40: {  	_ =	shalt  }
0x41: {  	_ =	shalt  }
0x42: {  	_ =	shalt  }
0x43: {  	_ =	shalt  }
0x44: {  	_ =	shalt  }
0x45: {  	_ =	shalt  }
0x46: {  	_ =	shalt  }
0x47: {  	_ =	shalt  }
0x48: {  	_ =	shalt  }
0x49: {  	_ =	shalt  }
0x4a: {  	_ =	shalt  }
0x4b: {  	_ =	shalt  }
0x4c: {  	_ =	shalt  }
0x4d: {  	_ =	shalt  }
0x4e: {  	_ =	shalt  }
0x4f: {  	_ =	shalt  }
0x50: {  	_ =	shalt  }
0x51: {  	_ =	shalt  }
0x52: {  	_ =	shalt  }
0x53: {  	_ =	shalt  }
0x54: {  	_ =	shalt  }
0x55: {  	_ =	shalt  }
0x56: {  	_ =	shalt  }
0x57: {  	_ =	shalt  }
0x58: {  	_ =	shalt  }
0x59: {  	_ =	shalt  }
0x5a: {  	_ =	shalt  }
0x5b: {  	_ =	shalt  }
0x5c: {  	_ =	shalt  }
0x5d: {  	_ =	shalt  }
0x5e: {  	_ =	shalt  }
0x5f: {  	_ =	shalt  }
0x60: {  	_ =	shalt  }
0x61: {  	_ =	shalt  }
0x62: {  	_ =	shalt  }
0x63: {  	_ =	shalt  }
0x64: {  	_ =	shalt  }
0x65: {  	_ =	shalt  }
0x66: {  	_ =	shalt  }
0x67: {  	_ =	shalt  }
0x68: {  	_ =	shalt  }
0x69: {  	_ =	shalt  }
0x6a: {  	_ =	shalt  }
0x6b: {  	_ =	shalt  }
0x6c: {  	_ =	shalt  }
0x6d: {  	_ =	shalt  }
0x6e: {  	_ =	shalt  }
0x6f: {  	_ =	shalt  }
0x70: {  	_ =	shalt  }
0x71: {  	_ =	shalt  }
0x72: {  	_ =	shalt  }
0x73: {  	_ =	shalt  }
0x74: {  	_ =	shalt  }
0x75: {  	_ =	shalt  }
0x76: {  	_ =	shalt  }
0x77: {  	_ =	shalt  }
0x78: {  	_ =	shalt  }
0x79: {  	_ =	shalt  }
0x7a: {  	_ =	shalt  }
0x7b: {  	_ =	shalt  }
0x7c: {  	_ =	shalt  }
0x7d: {  	_ =	shalt  }
0x7e: {  	_ =	shalt  }
0x7f: {  	_ =	shalt  }
0x80: {  	_ =	shalt  }
0x81: {  	_ =	shalt  }
0x82: {  	_ =	shalt  }
0x83: {  	_ =	shalt  }
0x84: {  	_ =	shalt  }
0x85: {  	_ =	shalt  }
0x86: {  	_ =	shalt  }
0x87: {  	_ =	shalt  }
.Lfunc_end0:
.L_simem_size_0:
called_computation.2_lowered:
.L_overlay_start_0:
0x88: {  	s2 =	sld [smem:$0x3FD9]  }
0x89: {  	s3 =	sld [smem:$0x3FFE];
	_ =	sdelay $0x1  }
0x8a: {  	s1 =	srdreg.scid  }
0x8b: {  	s0 =	sand.u32 $0x1, s1  }
0x8c: {  	s16 =	sshll.u32 s0, $0xA;
	s2 =	sadd.s32 s3, s2  }
0x8d: {  	s2 =	sadd.s32 s2, s16  }
0x8e: {  	[smem:$0x3FC0] =	sst s2  }
0x8f: {  	_ = 	snop  }
0x90: {  	(tm) =	ssettm $0x1  }
0x91: {  	s17 =	sld [smem:$0x3FFB];
	_ =	sdelay $0x3  }
0x92: {  	_ =	strace s17  }
0x93: {  	s2 =	sld [smem:$0x3FFC];
	_ =	sdelay $0x3  }
0x94: {  	_ =	strace s2  }
0x95: {  	s2 =	sld [smem:$0x3FFD];
	_ =	sdelay $0x3  }
0x96: {  	_ =	strace s2  }
0x97: {  	_ =	strace $0x8FFFFFFF  }
0x98: {  	s18 =	sld [smem:$0x3FDB];
	_ =	sdelay $0x1  }
0x99: {  	s19 =	simm.s32 $_scs_section_size  }
0x9a: {  	s4 =	simm.s32 $_size__tile_overlayer_lowered;
	s5 =	simm.s32 $_tile_overlayer_lowered  }
0x9b: {  	s22 =	simm.s32 $0x1BFF;
	s21 =	sshll.u32 s5, $0x1;
	s2 =	sadd.s32 s19, s18  }
0x9c: {  	s6 =	simm.s32 $0x0;
	s20 =	sshll.u32 s4, $0x1;
	s4 =	sadd.s32 s21, s2  }
0x9d: {  	[timem:s6], [sflag:s22] =	dma.local [hbm:s4], s20  }
0x9e: {  	_ =	swait.ge [sflag:s22], s20  }
0x9f: {  	s3 =	ssub.s32 $0x0, s20;
	[sflag:s22] =	ssyncset.done $0x0  }
0xa0: {  	[sflag:s22] =	ssyncadd.s32 s3;
	_ =	sdelay $0x1  }
0xa1: {  	s23 =	simm.s32 $0x1B8B  }
0xa2: {  	_ =	swait.ge [sflag:s23], $0x1  }
0xa3: {  	[sflag:s23] =	ssyncset.done $0x0  }
0xa4: {  	s25 =	simm.s32 $0x1B8E;
	s24 =	sld [smem:$0x3FFE];
	[sflag:s23] =	ssyncadd.s32 $0xFFFFFFFF  }
0xa5: {  	s26 =	simm.s32 $execute0_lowered;
	[smem:$0x3FD2] =	sst s25  }
0xa6: {  	s4 =	sshll.u32 s26, $0x1;
	_ =	strace $0x8000004C;
	[dreg:$0x1] =	wrdreg $0xFFFFFFFF  }
0xa7: {  	s28 =	simm.s32 $_size_execute0_lowered;
	s2 =	sadd.s32 s2, s4;
	[dreg:$0x0] =	wrdreg $0x0  }
0xa8: {  	s4 =	sshll.u32 s28, $0x1;
	[dreg:$0x2] =	wrdreg s2  }
0xa9: {  	[dreg:$0x3] =	wrdreg s4  }
0xaa: {  	[dreg:$0x4] =	wrdreg $0xC0  }
0xab: {  	_ =	task [dreg:s6], $0x5FFFF  }
0xac: {  	[dreg:$0x1] =	wrdreg $0xFFFFFFFF  }
0xad: {  	[dreg:$0x0] =	wrdreg $0x60  }
0xae: {  	[dreg:$0x2] =	wrdreg s24  }
0xaf: {  	[dreg:$0x3] =	wrdreg $0x0  }
0xb0: {  	[dreg:$0x4] =	wrdreg $0xA0000  }
0xb1: {  	[dreg:$0x5] =	wrdreg $0x9  }
0xb2: {  	_ =	task.clear_ibuf [dreg:s6], $0x6FFFF;
	_ =	strace $0x9000004C  }
0xb3: {  	s29 =	simm.s32 $0x9;
	_ =	strace $0x8000004E  }
0xb4: {  	_ =	swait.ge [sflag:s29], $0x1  }
0xb5: {  	[sflag:s29] =	ssyncadd.s32 $0xFFFFFFFF  }
0xb6: {  	_ =	strace $0x9000004E  }
0xb7: {  	_ =	sfence  }
0xb8: {  	s30 =	sld [smem:$0x0];
	_ =	sdelay $0x2  }
0xb9: {  	s31 =	sshll.u32 s1, $0xD;
	s1 =	sshrl.u32 s1, $0x2  }
0xba: {  	s3 =	sand.u32 $0x4000, s31;
	s1 =	sadd.s32 s1, s30  }
0xbb: {  	s0 =	sor.u32 s3, s0;
	s1 =	sshll.u32 s1, $0x11  }
0xbc: {  	s0 =	sor.u32 s1, s0  }
0xbd: {  	s0 =	sadd.s32 $0x8F2B, s0  }
0xbe: {  	[sflag:s0] =	ssyncadd.remote.s32 $0x1  }
0xbf: {  	_ =	sfence.sel $0xFFFF  }
0xc0: {  	[dreg:$0x0] =	wrdreg $0xFFFFFFFF;
	(pc) =	sbr.abs _section_cstart, $3  }
0xc1: {  	[dreg:$0x1] =	wrdreg $0xFFFFFFFF  }
0xc2: {  	_ =	task.clear_ibuf [dreg:s6], $0x2FFFF;
	_ =	strace $0x9FFFFFFF  }
0xc3: {  	(tm) =	ssettm $0x7FFFFFFF  }
tec
execute0_lowered:
.L_overlay_start_1:
0x0: {  	(tag) =	ssettag $0x1  }
0x1: {  	s0 =	srdreg.scid  }
0x2: {  	s9 =	stileid.u32;
	s1 =	rddreg [dreg:$0x0]  }
0x3: {  	s2 =	rddreg [dreg:$0x1];
	s20 =	simm.s32 $0x3;
	s21 =	simm.s32 $0x16A00  }
0x4: {  	s22 =	simm.s32 $0x80;
	s23 =	simm.s32 $0x16800;
	s24 =	simm.s32 $0x1  }
0x5: {  	s25 =	simm.s32 $0x16880;
	s28 =	simm.s32 $0x16900;
	s29 =	simm.s32 $0x4  }
0x6: {  	s30 =	simm.s32 $0x2;
	s31 =	simm.s32 $0x16980;
	s12 =	smul.u32 $0xA000, s9  }
0x7: {  	s0 =	sand.u32 $0x1, s0;
	s3 =	sshll.u32 s9, $0x1;
	s8 =	smul.u32 $0x28000, s9  }
0x8: {  	s15 =	sadd.s32 $0x3400, s1;
	s14 =	smul.u32 $0x140, s9;
	s4 =	sor.u32 s0, s3  }
0x9: {  	s3 =	rddreg [dreg:$0x2];
	s6 =	smul.u32 $0xA0000, s0;
	s0 =	ssub.s32 $0x2, s0  }
0xa: {  	s5 =	smul.u32 $0x500, s4;
	s4 =	simm.s32 $0x0;
	s26 =	sshrl.u32 s0, $0x1  }
0xb: {  	s8 =	sshrl.u32 s8, $0x2;
	s11 =	sshrl.u32 s12, $0x3;
	s16 =	sadd.s32 $0x80, s14  }
0xc: {  	s14 =	sadd.s32 $0x100, s14;
	[smem:$0x7FF] =	sst s4;
	s6 =	sadd.s32 s12, s6  }
0xd: {  	s0 =	ssub.s32 s0, s26;
	s10 =	sadd.s32 s8, s2;
	s11 =	sadd.s32 s15, s11  }
0xe: {  	s13 =	sshll.u32 s16, $0x4;
	s16 =	sshll.u32 s16, $0x7;
	s17 =	sshll.u32 s14, $0x4  }
0xf: {  	s18 =	sshll.u32 s14, $0x7;
	s26 =	simm.s32 $0x1AA00;
	_ =	strace $0x8000004D  }
0x10: {  	s7 =	sadd.s32 s5, s1;
	s5 =	sadd.s32 $0x2E00, s1;
	s6 =	sshrl.u32 s6, $0x3  }
.Ltmp0:
0x11: {  	s8 =	sadd.s32 $0x2800, s10;
	s9 =	sadd.s32 $0x5000, s10;
	(pc) =	sbr.rel .LBB2_1-.Ltmp0, $4  }
0x12: {  	s10 =	sadd.s32 $0x7800, s10;
	s13 =	sadd.s32 s15, s13;
	s14 =	sadd.s32 s16, s3  }
0x13: {  	s15 =	sadd.s32 s15, s17;
	s16 =	sadd.s32 s18, s3;
	s18 =	smax.u32 s0, $0x1  }
0x14: {  	s1 =	sadd.s32 s6, s1;
	s6 =	sadd.s32 $0x2BC00, s7;
	s7 =	sadd.s32 s12, s2  }
0x15: {  	s12 =	sadd.s32 s12, s3;
	s17 =	sadd.s32 $0x35C00, s1;
	s1 =	simm.s32 $0x0  }
.LBB2_4:
0x16: {  	_ =	swait.ge [sflag:s30], $0x4000  }
0x17: {  	[sflag:s30] =	ssyncset.done $0x0  }
0x18: {  	[sflag:s30] =	ssyncadd.s32 $0xFFFFC000  }
0x19: {  	[spmem:s2] =	stream.indirect.scatter.add.f32 [tilespmem:s26], [sflag:$0x3], $0x80, s31, s22, $0xb8;
	[tilespmem:$0x1EA00] =	vst v63  }
0x1a: {  	s0 =	stileid.u32;
	_ =	swait.ge [sflag:s20], $0x4000  }
0x1b: {  	s19 =	sshrl.u32 s7, $0x3;
	s1 =	sadd.s32 $0x1, s1;
	[sflag:s20] =	ssyncset.done $0x0  }
0x1c: {  	s0 =	sshll.u32 s0, $0x6;
	p0 =	sne.s32 s1, s18;
	[sflag:s20] =	ssyncadd.s32 $0xFFFFC000  }
.Ltmp1:
0x1d: {  	s0 =	sor.u32 $0x1C03, s0;
	[bflag:$0x0] =	sbarrier.arrive $0xFFFF;
	(pc) =	sbr.rel @!p0 .LBB2_5-.Ltmp1, $4  }
0x1e: {  	[hbm:s17], [sflag:s0] =	dma.local [spmem:s19], $0x1400  }
0x1f: {  	_ =	swait.ge [sflag:s20], $0x1400  }
0x20: {  	[sflag:s20] =	ssyncset.done $0x0  }
0x21: {  	[sflag:s20] =	ssyncadd.s32 $0xFFFFEC00  }
.LBB2_1:
0x22: {  	s0 =	simm.s32 $0x14000  }
0x23: {  	[tilespmem:s0], [sflag:$0x3] =	stream.linear.gather [hbm4b:s6+s4], $0x2800, $0x38;
	[tilespmem:$0x1EA00] =	vst v63  }
0x24: {  	_ =	swait.ge [sflag:s20], $0x2800  }
0x25: {  	[sflag:s20] =	ssyncset.done $0x0  }
0x26: {  	[sflag:s20] =	ssyncadd.s32 $0xFFFFD800  }
0x27: {  	[tilespmem:s21], [sflag:$0x3] =	stream.linear.gather [hbm4b:s5+s4], $0x2800, $0x38;
	[tilespmem:$0x1EA00] =	vst v63  }
0x28: {  	_ =	swait.ge [sflag:s20], $0x2800  }
0x29: {  	[sflag:s20] =	ssyncset.done $0x0  }
0x2a: {  	[sflag:s20] =	ssyncadd.s32 $0xFFFFD800  }
0x2b: {  	[spmem:s7] =	stream.linear.scatter [tilespmem:s21], [sflag:$0x3], $0x2800, $0x38;
	[tilespmem:$0x1EA00] =	vst v63  }
0x2c: {  	_ =	swait.ge [sflag:s20], $0x2800  }
0x2d: {  	[sflag:s20] =	ssyncset.done $0x0  }
0x2e: {  	[sflag:s20] =	ssyncadd.s32 $0xFFFFD800  }
0x2f: {  	[spmem:s8] =	stream.linear.scatter [tilespmem:s21], [sflag:$0x3], $0x2800, $0x38;
	[tilespmem:$0x1EA00] =	vst v63  }
0x30: {  	_ =	swait.ge [sflag:s20], $0x2800  }
0x31: {  	[sflag:s20] =	ssyncset.done $0x0  }
0x32: {  	[sflag:s20] =	ssyncadd.s32 $0xFFFFD800  }
0x33: {  	[spmem:s9] =	stream.linear.scatter [tilespmem:s21], [sflag:$0x3], $0x2800, $0x38;
	[tilespmem:$0x1EA00] =	vst v63  }
0x34: {  	_ =	swait.ge [sflag:s20], $0x2800  }
0x35: {  	[sflag:s20] =	ssyncset.done $0x0  }
0x36: {  	[sflag:s20] =	ssyncadd.s32 $0xFFFFD800  }
0x37: {  	[spmem:s10] =	stream.linear.scatter [tilespmem:s21], [sflag:$0x3], $0x2800, $0x38;
	[tilespmem:$0x1EA00] =	vst v63  }
0x38: {  	_ =	swait.ge [sflag:s20], $0x2800  }
0x39: {  	[sflag:s20] =	ssyncset.done $0x0  }
0x3a: {  	[sflag:s20] =	ssyncadd.s32 $0xFFFFD800  }
0x3b: {  	[tilespmem:s21], [sflag:$0x3] =	stream.linear.gather [hbm4b:s11+s4], $0x4000, $0x38;
	[tilespmem:$0x1EA00] =	vst v63  }
0x3c: {  	_ =	swait.ge [sflag:s20], $0x4000  }
0x3d: {  	[sflag:s20] =	ssyncset.done $0x0  }
0x3e: {  	[sflag:s20] =	ssyncadd.s32 $0xFFFFC000  }
0x3f: {  	[spmem:s12] =	stream.linear.scatter [tilespmem:s21], [sflag:$0x3], $0x4000, $0x38;
	[tilespmem:$0x1EA00] =	vst v63  }
0x40: {  	_ =	swait.ge [sflag:s20], $0x4000  }
0x41: {  	[sflag:s20] =	ssyncset.done $0x0  }
0x42: {  	[sflag:s20] =	ssyncadd.s32 $0xFFFFC000  }
0x43: {  	[tilespmem:s21], [sflag:$0x3] =	stream.linear.gather [hbm4b:s13+s4], $0x4000, $0x38;
	[tilespmem:$0x1EA00] =	vst v63  }
0x44: {  	_ =	swait.ge [sflag:s20], $0x4000  }
0x45: {  	[sflag:s20] =	ssyncset.done $0x0  }
0x46: {  	[sflag:s20] =	ssyncadd.s32 $0xFFFFC000  }
0x47: {  	[spmem:s14] =	stream.linear.scatter [tilespmem:s21], [sflag:$0x3], $0x4000, $0x38;
	[tilespmem:$0x1EA00] =	vst v63  }
0x48: {  	_ =	swait.ge [sflag:s20], $0x4000  }
0x49: {  	[sflag:s20] =	ssyncset.done $0x0  }
0x4a: {  	[sflag:s20] =	ssyncadd.s32 $0xFFFFC000  }
0x4b: {  	[tilespmem:s21], [sflag:$0x3] =	stream.linear.gather [hbm4b:s15+s4], $0x2000, $0x38;
	[tilespmem:$0x1EA00] =	vst v63  }
0x4c: {  	_ =	swait.ge [sflag:s20], $0x2000  }
0x4d: {  	[sflag:s20] =	ssyncset.done $0x0  }
0x4e: {  	[sflag:s20] =	ssyncadd.s32 $0xFFFFE000  }
0x4f: {  	[spmem:s16] =	stream.linear.scatter [tilespmem:s21], [sflag:$0x3], $0x2000, $0x38;
	[tilespmem:$0x1EA00] =	vst v63  }
0x50: {  	_ =	swait.ge [sflag:s20], $0x2000  }
0x51: {  	[sflag:s20] =	ssyncset.done $0x0  }
0x52: {  	[sflag:s20] =	ssyncadd.s32 $0xFFFFE000  }
0x53: {  	[bflag:$0x0] =	sbarrier.arrive $0xFFFF  }
0x54: {  	v0 =	vld [tilespmem:$0x14000];
	_ =	sdelay $0x1  }
0x55: {  	v1 =	vld [tilespmem:$0x14010];
	_ =	sdelay $0x1  }
0x56: {  	v2 =	vld [tilespmem:$0x14020]  }
0x57: {  	v3 =	vand.u32 $0xFFFF, v0  }
0x58: {  	v45 =	vld [tilespmem:$0x14030];
	v0 =	vshrl.u32 v0, $0x10;
	[tilespmem:$0x16800] =	vst v3  }
0x59: {  	v46 =	vand.u32 $0xFFFF, v1;
	[tilespmem:$0x16900] =	vst v0  }
0x5a: {  	v48 =	vld [tilespmem:$0x14040];
	v47 =	vshrl.u32 v1, $0x10;
	[tilespmem:$0x16810] =	vst v46  }
0x5b: {  	v49 =	vand.u32 $0xFFFF, v2;
	[tilespmem:$0x16910] =	vst v47  }
0x5c: {  	v51 =	vld [tilespmem:$0x14050];
	v50 =	vshrl.u32 v2, $0x10;
	[tilespmem:$0x16820] =	vst v49  }
0x5d: {  	v52 =	vand.u32 $0xFFFF, v45;
	[tilespmem:$0x16920] =	vst v50  }
0x5e: {  	v54 =	vld [tilespmem:$0x14060];
	v53 =	vshrl.u32 v45, $0x10;
	[tilespmem:$0x16830] =	vst v52  }
0x5f: {  	v55 =	vand.u32 $0xFFFF, v48;
	[tilespmem:$0x16930] =	vst v53  }
0x60: {  	v57 =	vld [tilespmem:$0x14070];
	v56 =	vshrl.u32 v48, $0x10;
	[tilespmem:$0x16840] =	vst v55  }
0x61: {  	v58 =	vand.u32 $0xFFFF, v51;
	[tilespmem:$0x16940] =	vst v56  }
0x62: {  	v59 =	vshrl.u32 v51, $0x10;
	[tilespmem:$0x16850] =	vst v58  }
0x63: {  	v60 =	vand.u32 $0xFFFF, v54;
	[tilespmem:$0x16950] =	vst v59  }
0x64: {  	v61 =	vshrl.u32 v54, $0x10;
	[tilespmem:$0x16860] =	vst v60  }
0x65: {  	v62 =	vand.u32 $0xFFFF, v57;
	[tilespmem:$0x16960] =	vst v61  }
0x66: {  	v63 =	vshrl.u32 v57, $0x10;
	[tilespmem:$0x16870] =	vst v62  }
0x67: {  	s0 =	simm.s32 $0x0;
	[tilespmem:$0x16970] =	vst v63  }
0x68: {  	[tilespmem:s21], [sflag:$0x1] =	stream.indirect.gather [spmem:s3], $0x80, s23, s22, $0xb8;
	[tilespmem:$0x1EA00] =	vst v63  }
.LBB2_2:
0x69: {  	s19 =	sshra.s32 s0, $0x2  }
0x6a: {  	v0 =	vld [tilespmem:s19+$0x14080];
	_ =	sdelay $0x4  }
0x6b: {  	v1 =	vand.u32 $0xFFFF, v0  }
0x6c: {  	v0 =	vshrl.u32 v0, $0x10;
	[tilespmem:$0x16880] =	vst v1  }
0x6d: {  	[tilespmem:$0x16980] =	vst v0  }
0x6e: {  	v0 =	vld [tilespmem:s19+$0x14090];
	_ =	sdelay $0x4  }
0x6f: {  	v57 =	vand.u32 $0xFFFF, v0  }
0x70: {  	v0 =	vshrl.u32 v0, $0x10;
	[tilespmem:$0x16890] =	vst v57  }
0x71: {  	[tilespmem:$0x16990] =	vst v0  }
0x72: {  	v0 =	vld [tilespmem:s19+$0x140A0];
	_ =	sdelay $0x4  }
0x73: {  	v58 =	vand.u32 $0xFFFF, v0  }
0x74: {  	v0 =	vshrl.u32 v0, $0x10;
	[tilespmem:$0x168A0] =	vst v58  }
0x75: {  	[tilespmem:$0x169A0] =	vst v0  }
0x76: {  	v0 =	vld [tilespmem:s19+$0x140B0];
	_ =	sdelay $0x4  }
0x77: {  	v59 =	vand.u32 $0xFFFF, v0  }
0x78: {  	v0 =	vshrl.u32 v0, $0x10;
	[tilespmem:$0x168B0] =	vst v59  }
0x79: {  	[tilespmem:$0x169B0] =	vst v0  }
0x7a: {  	v0 =	vld [tilespmem:s19+$0x140C0];
	_ =	sdelay $0x4  }
0x7b: {  	v60 =	vand.u32 $0xFFFF, v0  }
0x7c: {  	v0 =	vshrl.u32 v0, $0x10;
	[tilespmem:$0x168C0] =	vst v60  }
0x7d: {  	[tilespmem:$0x169C0] =	vst v0  }
0x7e: {  	v0 =	vld [tilespmem:s19+$0x140D0];
	_ =	sdelay $0x4  }
0x7f: {  	v61 =	vand.u32 $0xFFFF, v0  }
0x80: {  	v0 =	vshrl.u32 v0, $0x10;
	[tilespmem:$0x168D0] =	vst v61  }
0x81: {  	[tilespmem:$0x169D0] =	vst v0  }
0x82: {  	v0 =	vld [tilespmem:s19+$0x140E0];
	_ =	sdelay $0x4  }
0x83: {  	v62 =	vand.u32 $0xFFFF, v0  }
0x84: {  	v0 =	vshrl.u32 v0, $0x10;
	[tilespmem:$0x168E0] =	vst v62  }
0x85: {  	[tilespmem:$0x169E0] =	vst v0  }
0x86: {  	v0 =	vld [tilespmem:s19+$0x140F0];
	_ =	sdelay $0x4  }
0x87: {  	v63 =	vand.u32 $0xFFFF, v0  }
0x88: {  	v0 =	vshrl.u32 v0, $0x10;
	[tilespmem:$0x168F0] =	vst v63  }
0x89: {  	[tilespmem:$0x169F0] =	vst v0  }
0x8a: {  	_ =	swait.ge [sflag:s24], $0x4000  }
0x8b: {  	[sflag:s24] =	ssyncset.done $0x0  }
0x8c: {  	p0 =	seq.s32 s0, $0x9C00;
	[sflag:s24] =	ssyncadd.s32 $0xFFFFC000  }
0x8d: {  	[tilespmem:s26], [sflag:$0x2] =	stream.indirect.gather [spmem:s3], $0x80, s25, s22, $0xb8;
	[tilespmem:$0x1EA00] =	vst v63  }
.Ltmp2:
0x8e: {  	_ = 	snop;
	(pc) =	sbr.rel @p0 .LBB2_4-.Ltmp2, $4  }
0x8f: {  	[spmem:s2] =	stream.indirect.scatter.add.f32 [tilespmem:s21], [sflag:$0x4], $0x80, s28, s22, $0xb8;
	[tilespmem:$0x1EA00] =	vst v63  }
0x90: {  	_ =	swait.ge [sflag:s29], $0x4000  }
0x91: {  	[sflag:s29] =	ssyncset.done $0x0  }
0x92: {  	[sflag:s29] =	ssyncadd.s32 $0xFFFFC000  }
0x93: {  	v0 =	vld [tilespmem:s19+$0x14100];
	_ =	sdelay $0x4  }
0x94: {  	v1 =	vand.u32 $0xFFFF, v0  }
0x95: {  	v0 =	vshrl.u32 v0, $0x10;
	[tilespmem:$0x16800] =	vst v1  }
0x96: {  	[tilespmem:$0x16900] =	vst v0  }
0x97: {  	v0 =	vld [tilespmem:s19+$0x14110];
	_ =	sdelay $0x4  }
0x98: {  	v57 =	vand.u32 $0xFFFF, v0  }
0x99: {  	v0 =	vshrl.u32 v0, $0x10;
	[tilespmem:$0x16810] =	vst v57  }
0x9a: {  	[tilespmem:$0x16910] =	vst v0  }
0x9b: {  	v0 =	vld [tilespmem:s19+$0x14120];
	_ =	sdelay $0x4  }
0x9c: {  	v58 =	vand.u32 $0xFFFF, v0  }
0x9d: {  	v0 =	vshrl.u32 v0, $0x10;
	[tilespmem:$0x16820] =	vst v58  }
0x9e: {  	[tilespmem:$0x16920] =	vst v0  }
0x9f: {  	v0 =	vld [tilespmem:s19+$0x14130];
	_ =	sdelay $0x4  }
0xa0: {  	v59 =	vand.u32 $0xFFFF, v0  }
0xa1: {  	v0 =	vshrl.u32 v0, $0x10;
	[tilespmem:$0x16830] =	vst v59  }
0xa2: {  	[tilespmem:$0x16930] =	vst v0  }
0xa3: {  	v0 =	vld [tilespmem:s19+$0x14140];
	_ =	sdelay $0x4  }
0xa4: {  	v60 =	vand.u32 $0xFFFF, v0  }
0xa5: {  	v0 =	vshrl.u32 v0, $0x10;
	[tilespmem:$0x16840] =	vst v60  }
0xa6: {  	[tilespmem:$0x16940] =	vst v0  }
0xa7: {  	v0 =	vld [tilespmem:s19+$0x14150];
	_ =	sdelay $0x4  }
0xa8: {  	v61 =	vand.u32 $0xFFFF, v0  }
0xa9: {  	v0 =	vshrl.u32 v0, $0x10;
	[tilespmem:$0x16850] =	vst v61  }
0xaa: {  	[tilespmem:$0x16950] =	vst v0  }
0xab: {  	v0 =	vld [tilespmem:s19+$0x14160];
	_ =	sdelay $0x4  }
0xac: {  	v62 =	vand.u32 $0xFFFF, v0  }
0xad: {  	v0 =	vshrl.u32 v0, $0x10;
	[tilespmem:$0x16860] =	vst v62  }
0xae: {  	[tilespmem:$0x16960] =	vst v0  }
0xaf: {  	v0 =	vld [tilespmem:s19+$0x14170];
	_ =	sdelay $0x4  }
0xb0: {  	v63 =	vand.u32 $0xFFFF, v0  }
0xb1: {  	v0 =	vshrl.u32 v0, $0x10;
	[tilespmem:$0x16870] =	vst v63  }
0xb2: {  	[tilespmem:$0x16970] =	vst v0  }
0xb3: {  	_ =	swait.ge [sflag:s30], $0x4000  }
0xb4: {  	[sflag:s30] =	ssyncset.done $0x0  }
0xb5: {  	[sflag:s30] =	ssyncadd.s32 $0xFFFFC000  }
0xb6: {  	[tilespmem:s21], [sflag:$0x1] =	stream.indirect.gather [spmem:s3], $0x80, s23, s22, $0xb8;
	[tilespmem:$0x1EA00] =	vst v63  }
.Ltmp3:
0xb7: {  	_ = 	snop;
	(pc) =	sbr.rel .LBB2_2-.Ltmp3, $4  }
0xb8: {  	[spmem:s2] =	stream.indirect.scatter.add.f32 [tilespmem:s26], [sflag:$0x4], $0x80, s31, s22, $0xb8;
	[tilespmem:$0x1EA00] =	vst v63  }
0xb9: {  	_ =	swait.ge [sflag:s29], $0x4000  }
0xba: {  	[sflag:s29] =	ssyncset.done $0x0  }
0xbb: {  	s0 =	sadd.s32 $0x400, s0;
	[sflag:s29] =	ssyncadd.s32 $0xFFFFC000  }
.LBB2_5:
0xbc: {  	_ =	sfence.sel $0x180000  }
0xbd: {  	[bflag:$0x0] =	sbarrier.arrive $0xFFFF  }
0xbe: {  	_ =	strace $0x9000004D  }
0xbf: {  	s0 =	stileid.u32;
	[bflag:$0x2] =	sbarrier.arrive $0xFFFF  }
0xc0: {  	p0 =	sne.s32 s0, $0x0;
	s0 =	rddreg [dreg:$0x3]  }
0xc1: {  	s0 =	sadd.s32 @!p0 $0x100000, s0  }
0xc2: {  	[sflag:s0] =	ssyncadd.tile.s32 @!p0 $0x1;
	_ =	shalt  }
.Lfunc_end2:
_tile_overlayer_lowered:
.L_overlay_start_2:
0xc3: {  	(tag) =	ssettag $0x2  }
0xc4: {  	s0 =	rddreg [dreg:$0x0];
	s2 =	stileid.u32  }
0xc5: {  	s1 =	rddreg [dreg:$0x1];
	p0 =	sne.s32 s2, $0x0  }
0xc6: {  	s3 =	rddreg [dreg:$0x2];
	[bflag:$0x3] =	sbarrier.arrive $0xFFFF;
	s2 =	simm.s32 @!p0 $0x1C03  }
0xc7: {  	[timem:s3], [sflag:s2] =	dma.local @!p0 [hbm:s0], s1  }
0xc8: {  	s0 =	simm.s32 @!p0 $0x3  }
0xc9: {  	_ =	swait.ge @!p0 [sflag:s0], s1  }
0xca: {  	s1 =	ssub.s32 @!p0 $0x0, s1;
	[sflag:s0] =	ssyncset.done @!p0 $0x0  }
0xcb: {  	[sflag:s0] =	ssyncadd.s32 @!p0 s1  }
0xcc: {  	[bflag:$0x3] =	sbarrier.arrive $0xFFFF  }
0xcd: {  	_ =	shalt  }

// kernel: kernel.9.cloned.1.call-start
scs
__scs_entry_jumppad:
0x0: {  	(pc) =	sbr.rel $0x88, $3  }
0x1: {  	(tag) =	ssettag $0x0;
	lr =	simm.s32 $0x1  }
0x2: {  	[smem:$0x3F99] =	sst lr;
	_ =	strace $0xD0000000  }
0x3: {  	_ = 	snop  }
0x4: {  	_ = 	snop  }
0x5: {  	_ = 	snop  }
0x6: {  	_ = 	snop  }
0x7: {  	_ = 	snop  }
__scs_overlays_trampoline_lowered:
0x8: {  	[smem:$0x3FA8] =	sst s0  }
0x9: {  	[smem:$0x3FA9] =	sst s1  }
0xa: {  	[smem:$0x3FAA] =	sst s2  }
0xb: {  	[smem:$0x3FAB] =	sst s3  }
0xc: {  	[smem:$0x3FAC] =	sst s4  }
0xd: {  	[smem:$0x3FAD] =	sst s5  }
0xe: {  	[smem:$0x3FAE] =	sst s6  }
0xf: {  	[smem:$0x3FAF] =	sst s7  }
0x10: {  	[smem:$0x3FB0] =	sst s8  }
0x11: {  	[smem:$0x3FB1] =	sst s9;
	s0 =	simm.s32 @!p0 $0x0  }
0x12: {  	s1 =	sld [smem:$0x3F97];
	s0 =	simm.s32 @p0 $0x1  }
0x13: {  	[smem:$0x3FB2] =	sst s0;
	s0 =	simm.s32 @!p1 $0x0  }
0x14: {  	s2 =	sld [smem:$0x3F96];
	s0 =	simm.s32 @p1 $0x1  }
0x15: {  	[smem:$0x3FB3] =	sst s0;
	s0 =	simm.s32 @!p2 $0x0  }
0x16: {  	s3 =	sld [smem:$0x3FDB];
	s0 =	simm.s32 @p2 $0x1  }
0x17: {  	s4 =	simm.s32 $0x1BF5;
	[smem:$0x3FB5] =	sst s0  }
0x18: {  	s0 =	sld [smem:$0x3F98];
	_ =	swait.ge [sflag:s4], $0x0  }
0x19: {  	s7 =	sld [smem:$0x3F99]  }
0x1a: {  	s8 =	sadd.s32 $0xFFFFE003, lr  }
0x1b: {  	s9 =	sadd.s32 $0xFFFFFEF7, lr;
	s5 =	simm.s32 $0xFFFFFFFF;
	p2 =	slt.u32 s8, $0xFFFFF086  }
0x1c: {  	p1 =	slt.u32 s9, $0xF7A;
	s5 =	simm.s32 @!p2 $0x0  }
0x1d: {  	s5 =	simm.s32 @p1 $0x1;
	p0 =	seq.s32 s7, s2  }
0x1e: {  	s7 =	smul.u32 @!p0 $0xF7A, s2;
	p2 =	seq.s32 @!p0 s5, $0x0  }
0x1f: {  	s9 =	smul.u32 $0xF7A, s1;
	s8 =	simm.s32 @!p0 $0x1BF5;
	p2 =	por !p2, p0  }
0x20: {  	[sflag:s8] =	ssyncset.s32 @!p0 $0xFFFFF086;
	s6 =	sadd.s32 @!p0 s3, s7;
	s7 =	simm.s32 @!p0 $0x108  }
0x21: {  	s3 =	sadd.s32 s3, s9;
	s6 =	sadd.s32 @!p0 $0x88, s6;
	s7 =	simm.s32 @p2 $0x1082  }
0x22: {  	[simem:s7], [sflag:s8] =	dma.local @!p0 [hbm:s6], $0xF7A  }
0x23: {  	s9 =	sor.u32 $0xD0000000, s2;
	s6 =	simm.s32 $0x108;
	_ =	swait.ge @!p0 [sflag:s8], $0x0  }
0x24: {  	s3 =	sadd.s32 $0x88, s3;
	s6 =	simm.s32 @!p1 $0x1082;
	[sflag:s4] =	ssyncset.s32 $0xFFFFF086  }
0x25: {  	[simem:s6], [sflag:s4] =	dma.local [hbm:s3], $0xF7A  }
0x26: {  	[smem:$0x3F99] =	sst s1;
	(tag) =	ssettag s2;
	_ =	strace s9  }
0x27: {  	s1 =	sld [smem:$0x3FA9]  }
0x28: {  	s2 =	sld [smem:$0x3FAA]  }
0x29: {  	s4 =	sld [smem:$0x3FAC]  }
0x2a: {  	p0 =	seq.s32 s5, $0x0;
	s5 =	sld [smem:$0x3FAD]  }
0x2b: {  	s6 =	sld [smem:$0x3FAE]  }
0x2c: {  	s7 =	sld [smem:$0x3FAF]  }
0x2d: {  	s3 =	simm.s32 $0x108;
	s8 =	sld [smem:$0x3FB0]  }
0x2e: {  	s3 =	simm.s32 @!p0 $0x1082;
	s9 =	sld [smem:$0x3FB1]  }
0x2f: {  	lr =	sadd.s32 s0, s3;
	s0 =	sld [smem:$0x3FA8]  }
0x30: {  	s3 =	sld [smem:$0x3FAB]  }
0x31: {  	[smem:$0x3FB4] =	sst s10  }
0x32: {  	s10 =	sld [smem:$0x3FB2];
	_ =	sdelay $0x3  }
0x33: {  	p0 =	seq.s32 s10, $0x1;
	s10 =	sld [smem:$0x3FB4];
	_ =	sdelay $0x3  }
0x34: {  	[smem:$0x3FB4] =	sst s10  }
0x35: {  	s10 =	sld [smem:$0x3FB3];
	_ =	sdelay $0x3  }
0x36: {  	p1 =	seq.s32 s10, $0x1;
	s10 =	sld [smem:$0x3FB4];
	_ =	sdelay $0x3  }
0x37: {  	[smem:$0x3FB4] =	sst s10  }
0x38: {  	s10 =	sld [smem:$0x3FB5]  }
0x39: {  	_ = 	snop;
	(pc) =	sbr.ind lr, $3  }
0x3a: {  	_ = 	snop  }
0x3b: {  	_ = 	snop  }
0x3c: {  	p2 =	seq.s32 s10, $0x1;
	s10 =	sld [smem:$0x3FB4]  }
0x3d: {  	_ =	shalt  }
0x3e: {  	_ =	shalt  }
0x3f: {  	_ =	shalt  }
0x40: {  	_ =	shalt  }
0x41: {  	_ =	shalt  }
0x42: {  	_ =	shalt  }
0x43: {  	_ =	shalt  }
0x44: {  	_ =	shalt  }
0x45: {  	_ =	shalt  }
0x46: {  	_ =	shalt  }
0x47: {  	_ =	shalt  }
0x48: {  	_ =	shalt  }
0x49: {  	_ =	shalt  }
0x4a: {  	_ =	shalt  }
0x4b: {  	_ =	shalt  }
0x4c: {  	_ =	shalt  }
0x4d: {  	_ =	shalt  }
0x4e: {  	_ =	shalt  }
0x4f: {  	_ =	shalt  }
0x50: {  	_ =	shalt  }
0x51: {  	_ =	shalt  }
0x52: {  	_ =	shalt  }
0x53: {  	_ =	shalt  }
0x54: {  	_ =	shalt  }
0x55: {  	_ =	shalt  }
0x56: {  	_ =	shalt  }
0x57: {  	_ =	shalt  }
0x58: {  	_ =	shalt  }
0x59: {  	_ =	shalt  }
0x5a: {  	_ =	shalt  }
0x5b: {  	_ =	shalt  }
0x5c: {  	_ =	shalt  }
0x5d: {  	_ =	shalt  }
0x5e: {  	_ =	shalt  }
0x5f: {  	_ =	shalt  }
0x60: {  	_ =	shalt  }
0x61: {  	_ =	shalt  }
0x62: {  	_ =	shalt  }
0x63: {  	_ =	shalt  }
0x64: {  	_ =	shalt  }
0x65: {  	_ =	shalt  }
0x66: {  	_ =	shalt  }
0x67: {  	_ =	shalt  }
0x68: {  	_ =	shalt  }
0x69: {  	_ =	shalt  }
0x6a: {  	_ =	shalt  }
0x6b: {  	_ =	shalt  }
0x6c: {  	_ =	shalt  }
0x6d: {  	_ =	shalt  }
0x6e: {  	_ =	shalt  }
0x6f: {  	_ =	shalt  }
0x70: {  	_ =	shalt  }
0x71: {  	_ =	shalt  }
0x72: {  	_ =	shalt  }
0x73: {  	_ =	shalt  }
0x74: {  	_ =	shalt  }
0x75: {  	_ =	shalt  }
0x76: {  	_ =	shalt  }
0x77: {  	_ =	shalt  }
0x78: {  	_ =	shalt  }
0x79: {  	_ =	shalt  }
0x7a: {  	_ =	shalt  }
0x7b: {  	_ =	shalt  }
0x7c: {  	_ =	shalt  }
0x7d: {  	_ =	shalt  }
0x7e: {  	_ =	shalt  }
0x7f: {  	_ =	shalt  }
0x80: {  	_ =	shalt  }
0x81: {  	_ =	shalt  }
0x82: {  	_ =	shalt  }
0x83: {  	_ =	shalt  }
0x84: {  	_ =	shalt  }
0x85: {  	_ =	shalt  }
0x86: {  	_ =	shalt  }
0x87: {  	_ =	shalt  }
.Lfunc_end0:
.L_simem_size_0:
called_computation_lowered:
.L_overlay_start_0:
0x88: {  	s2 =	sld [smem:$0x3FD9]  }
0x89: {  	s3 =	sld [smem:$0x3FFE];
	_ =	sdelay $0x1  }
0x8a: {  	s1 =	srdreg.scid  }
0x8b: {  	s0 =	sand.u32 $0x1, s1  }
0x8c: {  	s17 =	sshll.u32 s0, $0xA;
	s2 =	sadd.s32 s3, s2  }
0x8d: {  	s2 =	sadd.s32 s2, s17  }
0x8e: {  	[smem:$0x3FC0] =	sst s2  }
0x8f: {  	_ = 	snop  }
0x90: {  	s2 =	sld [smem:$0x3FD0];
	(tm) =	ssettm $0x1  }
0x91: {  	s18 =	sld [smem:$0x3FFB];
	_ =	sdelay $0x3  }
0x92: {  	_ =	strace s18  }
0x93: {  	s3 =	sld [smem:$0x3FFC];
	_ =	sdelay $0x3  }
0x94: {  	_ =	strace s3  }
0x95: {  	s3 =	sld [smem:$0x3FFD];
	_ =	sdelay $0x3  }
0x96: {  	_ =	strace s3  }
0x97: {  	_ =	strace $0x8FFFFFFF  }
0x98: {  	s19 =	sld [smem:$0x3FDB];
	_ =	sdelay $0x1  }
0x99: {  	s4 =	simm.s32 $_scs_section_size  }
0x9a: {  	s5 =	simm.s32 $_size__tile_overlayer_lowered;
	s6 =	simm.s32 $_tile_overlayer_lowered  }
0x9b: {  	s22 =	simm.s32 $0x1BFF;
	s21 =	sshll.u32 s6, $0x1;
	s3 =	sadd.s32 s4, s19  }
0x9c: {  	s7 =	simm.s32 $0x0;
	s20 =	sshll.u32 s5, $0x1;
	s5 =	sadd.s32 s21, s3  }
0x9d: {  	[timem:s7], [sflag:s22] =	dma.local [hbm:s5], s20  }
0x9e: {  	_ =	swait.ge [sflag:s22], s20  }
0x9f: {  	s4 =	ssub.s32 $0x0, s20;
	[sflag:s22] =	ssyncset.done $0x0  }
0xa0: {  	[sflag:s22] =	ssyncadd.s32 s4;
	_ =	sdelay $0x1  }
0xa1: {  	s23 =	simm.s32 $0x1B8B  }
0xa2: {  	_ =	swait.ge [sflag:s23], $0x1  }
0xa3: {  	[sflag:s23] =	ssyncset.done $0x0  }
0xa4: {  	s25 =	simm.s32 $0x1B8E;
	s24 =	sld [smem:$0x3FFE];
	[sflag:s23] =	ssyncadd.s32 $0xFFFFFFFF  }
0xa5: {  	s26 =	simm.s32 $execute0_lowered;
	[smem:$0x3FD2] =	sst s25  }
0xa6: {  	s5 =	sshll.u32 s26, $0x1;
	_ =	strace $0x80000046;
	[dreg:$0x1] =	wrdreg $0xFFFFFFFF  }
0xa7: {  	s28 =	simm.s32 $_size_execute0_lowered;
	s3 =	sadd.s32 s3, s5;
	[dreg:$0x0] =	wrdreg $0x0  }
0xa8: {  	s5 =	sshll.u32 s28, $0x1;
	[dreg:$0x2] =	wrdreg s3  }
0xa9: {  	[dreg:$0x3] =	wrdreg s5  }
0xaa: {  	[dreg:$0x4] =	wrdreg $0xC0  }
0xab: {  	_ =	task [dreg:s7], $0x5FFFF  }
0xac: {  	[dreg:$0x1] =	wrdreg $0xFFFFFFFF  }
0xad: {  	[dreg:$0x0] =	wrdreg $0x60  }
0xae: {  	[dreg:$0x2] =	wrdreg s2  }
0xaf: {  	[dreg:$0x3] =	wrdreg s24  }
0xb0: {  	[dreg:$0x4] =	wrdreg $0x0  }
0xb1: {  	[dreg:$0x5] =	wrdreg $0x9  }
0xb2: {  	_ =	task.clear_ibuf [dreg:s7], $0x6FFFF;
	_ =	strace $0x90000046  }
0xb3: {  	s29 =	simm.s32 $0x9;
	_ =	strace $0x80000048  }
0xb4: {  	_ =	swait.ge [sflag:s29], $0x1  }
0xb5: {  	[sflag:s29] =	ssyncadd.s32 $0xFFFFFFFF  }
0xb6: {  	_ =	strace $0x90000048  }
0xb7: {  	_ =	sfence  }
0xb8: {  	s30 =	sld [smem:$0x0];
	_ =	sdelay $0x2  }
0xb9: {  	s31 =	sshll.u32 s1, $0xD;
	s1 =	sshrl.u32 s1, $0x2  }
0xba: {  	s3 =	sand.u32 $0x4000, s31;
	s1 =	sadd.s32 s1, s30  }
0xbb: {  	s0 =	sor.u32 s3, s0;
	s1 =	sshll.u32 s1, $0x11  }
0xbc: {  	s0 =	sor.u32 s1, s0  }
0xbd: {  	s0 =	sadd.s32 $0x8F2B, s0  }
0xbe: {  	[sflag:s0] =	ssyncadd.remote.s32 $0x1  }
0xbf: {  	_ =	sfence.sel $0xFFFF  }
0xc0: {  	[dreg:$0x0] =	wrdreg $0xFFFFFFFF;
	(pc) =	sbr.abs _section_cstart, $3  }
0xc1: {  	[dreg:$0x1] =	wrdreg $0xFFFFFFFF  }
0xc2: {  	_ =	task.clear_ibuf [dreg:s7], $0x2FFFF;
	_ =	strace $0x9FFFFFFF  }
0xc3: {  	(tm) =	ssettm $0x7FFFFFFF  }
tec
execute0_lowered:
.L_overlay_start_1:
0x0: {  	(tag) =	ssettag $0x1  }
0x1: {  	s7 =	rddreg [dreg:$0x0]  }
0x2: {  	s6 =	rddreg [dreg:$0x1]  }
0x3: {  	s1 =	rddreg [dreg:$0x2]  }
0x4: {  	s2 =	srdreg.scid;
	s0 =	rddreg [dreg:$0x3]  }
0x5: {  	s3 =	simm.s32 $0x0;
	s14 =	simm.s32 $0x1;
	s15 =	simm.s32 $0xC800  }
0x6: {  	s16 =	simm.s32 $0x10800;
	s17 =	simm.s32 $0x80;
	s20 =	simm.s32 $0x0  }
0x7: {  	s8 =	sand.u32 $0x1, s2;
	s2 =	stileid.u32;
	[smem:$0x7FF] =	sst s3  }
0x8: {  	s4 =	sadd.s32 $0x3400, s6;
	s5 =	sadd.s32 $0x2E00, s6;
	s9 =	smul.u32 $0xA0000, s8  }
0x9: {  	s10 =	smul.u32 $0xA000, s2;
	_ =	strace $0x80000047;
	s30 =	sshll.u32 s2, $0x1  }
0xa: {  	s11 =	smul.u32 $0x28000, s2;
	s12 =	ssub.s32 $0x2, s8;
	s18 =	sshll.u32 s2, $0x6  }
0xb: {  	s8 =	sor.u32 s8, s30;
	s31 =	sshrl.u32 s12, $0x1;
	s18 =	sor.u32 $0x1C01, s18  }
0xc: {  	s9 =	sadd.s32 s10, s9;
	s8 =	smul.u32 $0x500, s8;
	s12 =	ssub.s32 s12, s31  }
0xd: {  	s11 =	sshrl.u32 s11, $0x2;
	s9 =	sshrl.u32 s9, $0x3;
	s12 =	smax.u32 s12, $0x1  }
0xe: {  	s13 =	sadd.s32 s9, s6;
	s6 =	sadd.s32 s11, s1;
	s7 =	sadd.s32 s7, s8  }
0xf: {  	s8 =	sadd.s32 $0x2800, s6;
	s9 =	sadd.s32 $0x5000, s6;
	s10 =	sadd.s32 $0x7800, s6  }
0x10: {  	s11 =	sadd.s32 $0x3C00, s13;
	s13 =	simm.s32 $0xA000;
	s19 =	sshrl.u32 s6, $0x3  }
.LBB2_1:
0x11: {  	[tilespmem:s13], [sflag:$0x1] =	stream.linear.gather [hbm4b:s7+s3], $0x2800, $0x38;
	[tilespmem:$0x13000] =	vst v63  }
0x12: {  	_ =	swait.ge [sflag:s14], $0x2800  }
0x13: {  	[sflag:s14] =	ssyncset.done $0x0  }
0x14: {  	[sflag:s14] =	ssyncadd.s32 $0xFFFFD800  }
0x15: {  	[tilespmem:s15], [sflag:$0x1] =	stream.linear.gather [hbm4b:s4+s3], $0x4000, $0x38;
	[tilespmem:$0x13000] =	vst v63  }
0x16: {  	_ =	swait.ge [sflag:s14], $0x4000  }
0x17: {  	[sflag:s14] =	ssyncset.done $0x0  }
0x18: {  	[sflag:s14] =	ssyncadd.s32 $0xFFFFC000  }
0x19: {  	[tilespmem:s16], [sflag:$0x1] =	stream.linear.gather [hbm4b:s5+s3], $0x2800, $0x38;
	[tilespmem:$0x13000] =	vst v63  }
0x1a: {  	_ =	swait.ge [sflag:s14], $0x2800  }
0x1b: {  	[sflag:s14] =	ssyncset.done $0x0  }
0x1c: {  	[sflag:s14] =	ssyncadd.s32 $0xFFFFD800  }
0x1d: {  	[spmem:s6] =	stream.linear.scatter [tilespmem:s16], [sflag:$0x1], $0x2800, $0x38;
	[tilespmem:$0x13000] =	vst v63  }
0x1e: {  	_ =	swait.ge [sflag:s14], $0x2800  }
0x1f: {  	[sflag:s14] =	ssyncset.done $0x0  }
0x20: {  	[sflag:s14] =	ssyncadd.s32 $0xFFFFD800  }
0x21: {  	[spmem:s8] =	stream.linear.scatter [tilespmem:s16], [sflag:$0x1], $0x2800, $0x38;
	[tilespmem:$0x13000] =	vst v63  }
0x22: {  	_ =	swait.ge [sflag:s14], $0x2800  }
0x23: {  	[sflag:s14] =	ssyncset.done $0x0  }
0x24: {  	[sflag:s14] =	ssyncadd.s32 $0xFFFFD800  }
0x25: {  	[spmem:s9] =	stream.linear.scatter [tilespmem:s16], [sflag:$0x1], $0x2800, $0x38;
	[tilespmem:$0x13000] =	vst v63  }
0x26: {  	_ =	swait.ge [sflag:s14], $0x2800  }
0x27: {  	[sflag:s14] =	ssyncset.done $0x0  }
0x28: {  	[sflag:s14] =	ssyncadd.s32 $0xFFFFD800  }
0x29: {  	[spmem:s10] =	stream.linear.scatter [tilespmem:s16], [sflag:$0x1], $0x2800, $0x38;
	[tilespmem:$0x13000] =	vst v63  }
0x2a: {  	_ =	swait.ge [sflag:s14], $0x2800  }
0x2b: {  	[sflag:s14] =	ssyncset.done $0x0  }
0x2c: {  	[sflag:s14] =	ssyncadd.s32 $0xFFFFD800  }
0x2d: {  	s21 =	simm.s32 $0xA000;
	[bflag:$0x0] =	sbarrier.arrive $0xFFFF  }
0x2e: {  	[spmem:s1] =	stream.indirect.scatter.add.f32 [tilespmem:s15], [sflag:$0x1], $0x80, s21, s17, $0xb8;
	[tilespmem:$0x13000] =	vst v63  }
0x2f: {  	s21 =	simm.s32 $0x200;
	_ =	swait.ge [sflag:s14], $0x4000  }
.LBB2_2:
0x30: {  	s22 =	sshra.s32 s21, $0x2;
	[sflag:s14] =	ssyncset.done $0x0;
	p0 =	sne.s32 s21, $0x9E00  }
.Ltmp0:
0x31: {  	s22 =	sadd.s32 $0xA000, s22;
	[sflag:s14] =	ssyncadd.s32 $0xFFFFC000;
	(pc) =	sbr.rel @p0 .LBB2_2-.Ltmp0, $3  }
0x32: {  	[spmem:s1] =	stream.indirect.scatter.add.f32 [tilespmem:s15], [sflag:$0x1], $0x80, s22, s17, $0xb8;
	[tilespmem:$0x13000] =	vst v63  }
0x33: {  	s21 =	sadd.s32 $0x200, s21;
	_ =	sdelay $0x1  }
0x34: {  	_ =	swait.ge [sflag:s14], $0x4000  }
0x35: {  	[sflag:s14] =	ssyncset.done $0x0;
	s20 =	sadd.s32 $0x1, s20  }
0x36: {  	[sflag:s14] =	ssyncadd.s32 $0xFFFFC000;
	p0 =	sne.s32 s20, s12  }
.Ltmp1:
0x37: {  	[bflag:$0x0] =	sbarrier.arrive $0xFFFF;
	(pc) =	sbr.rel @p0 .LBB2_1-.Ltmp1, $4  }
0x38: {  	[hbm:s11], [sflag:s18] =	dma.local [spmem:s19], $0x1400  }
0x39: {  	_ =	swait.ge [sflag:s14], $0x1400  }
0x3a: {  	[sflag:s14] =	ssyncset.done $0x0  }
0x3b: {  	[sflag:s14] =	ssyncadd.s32 $0xFFFFEC00  }
0x3c: {  	_ =	sfence.sel $0x180000  }
0x3d: {  	[bflag:$0x0] =	sbarrier.arrive $0xFFFF  }
0x3e: {  	p0 =	sne.s32 s2, $0x0;
	_ =	strace $0x90000047  }
0x3f: {  	s0 =	sadd.s32 @!p0 $0x100000, s0;
	[bflag:$0x2] =	sbarrier.arrive $0xFFFF  }
0x40: {  	[sflag:s0] =	ssyncadd.tile.s32 @!p0 $0x1;
	_ =	shalt  }
.Lfunc_end2:
_tile_overlayer_lowered:
.L_overlay_start_2:
0x41: {  	(tag) =	ssettag $0x2  }
0x42: {  	s0 =	rddreg [dreg:$0x0];
	s2 =	stileid.u32  }
0x43: {  	s1 =	rddreg [dreg:$0x1];
	p0 =	sne.s32 s2, $0x0  }
0x44: {  	s3 =	rddreg [dreg:$0x2];
	[bflag:$0x3] =	sbarrier.arrive $0xFFFF;
	s2 =	simm.s32 @!p0 $0x1C01  }
0x45: {  	[timem:s3], [sflag:s2] =	dma.local @!p0 [hbm:s0], s1  }
0x46: {  	s0 =	simm.s32 @!p0 $0x1  }
0x47: {  	_ =	swait.ge @!p0 [sflag:s0], s1  }
0x48: {  	s1 =	ssub.s32 @!p0 $0x0, s1;
	[sflag:s0] =	ssyncset.done @!p0 $0x0  }
0x49: {  	[sflag:s0] =	ssyncadd.s32 @!p0 s1  }
0x4a: {  	[bflag:$0x3] =	sbarrier.arrive $0xFFFF  }
0x4b: {  	_ =	shalt  }

</sc_bundles>
